<compile_context>
chip_gen: v7x
topology: tpu7x:2x2x1
jax: 0.10.2.dev20260603
libtpu: 0.0.44.dev20260713+nightly
codegen_flags: <defaults>
</compile_context>

<pallas_src>
import functools

import jax
import jax.numpy as jnp
from jax import lax
from jax.experimental import pallas as pl
from jax.experimental.pallas import tpu as pltpu
from jax.experimental.pallas import tpu_sc as plsc

SAMPLE_N = 2048
W_MSE = 1.0; W_CHAMFER = 0.33; W_EDGE = 0.1; W_NORMAL = 0.01; W_LAPLACIAN = 0.1; W_PMD = 0.1
RNG_SEED = 42

F_PAD = 5120
FT = 1280
PT_PMD = 256
PT_CH = 512
NF = F_PAD // FT
NP_PMD = SAMPLE_N // PT_PMD
NP_CH = SAMPLE_N // PT_CH


def _safe_norm(x, axis=-1, keepdims=False, eps=1e-20):
    return jnp.sqrt((x * x).sum(axis=axis, keepdims=keepdims) + eps)


def _sample_points_host(key, verts, faces, n):
    v0 = verts[faces[:, 0]]; v1 = verts[faces[:, 1]]; v2 = verts[faces[:, 2]]
    cr = jnp.cross(v1 - v0, v2 - v0)
    areas = 0.5 * _safe_norm(cr, axis=1)
    k1, k2, k3 = jax.random.split(key, 3)
    fidx = jax.random.categorical(k1, jnp.log(areas + 1e-12), shape=(n,))
    u = jax.random.uniform(k2, (n,)); v = jax.random.uniform(k3, (n,))
    su = jnp.sqrt(u)
    w0 = 1.0 - su; w1 = su * (1.0 - v); w2 = su * v
    pts = w0[:, None] * v0[fidx] + w1[:, None] * v1[fidx] + w2[:, None] * v2[fidx]
    return pts


def _sdiv(num, den, eps=1e-12):
    den_s = jnp.where(jnp.abs(den) > eps, den, jnp.ones_like(den))
    return num / den_s


V_PAD = 2560
NW = 32
ROWS_PER_W = 88
ACC_ROWS = NW * ROWS_PER_W
DUMMY_ROW = V_PAD
EDGE_CHUNKS = 15
LW = 128
N_B = 4


def _lap_sc_body(vrows_hbm, src_hbm, dst_hbm, out_hbm,
                 src_v, dst_v, rows_v, stage_v, zbuf, acc_sh, sem):
    wid = lax.axis_index("s") * 2 + lax.axis_index("c")
    sid = lax.axis_index("s")

    zvec = jnp.zeros((16,), jnp.float32)

    def zero_row(r, _):
        def zero_seg(c, __):
            zbuf[r, pl.ds(c * 16, 16)] = zvec
            return __
        return lax.fori_loop(0, LW // 16, zero_seg, _)
    lax.fori_loop(0, ROWS_PER_W, zero_row, None)

    for b in range(N_B):
        pltpu.sync_copy(src_hbm.at[b, sid], src_v)
        pltpu.sync_copy(dst_hbm.at[b, sid], dst_v)
        pltpu.sync_copy(zbuf, acc_sh.at[pl.ds(wid * ROWS_PER_W, ROWS_PER_W)])
        plsc.subcore_barrier()

        def chunk(j, _):
            pltpu.async_copy(vrows_hbm.at[src_v.at[j]], rows_v, sem).wait()
            pltpu.sync_copy(rows_v, acc_sh.at[dst_v.at[j]], add=True)
            return _
        lax.fori_loop(0, EDGE_CHUNKS, chunk, None)
        plsc.subcore_barrier()

        pltpu.sync_copy(acc_sh.at[pl.ds(wid * ROWS_PER_W, ROWS_PER_W)], stage_v)
        pltpu.sync_copy(stage_v,
                        out_hbm.at[b, pl.ds(wid * ROWS_PER_W, ROWS_PER_W)])
        plsc.subcore_barrier()


def _run_lap_sc(vrows, src_g, dst_g):
    mesh = plsc.VectorSubcoreMesh(core_axis_name="c", subcore_axis_name="s")
    fn = pl.kernel(
        _lap_sc_body, mesh=mesh,
        out_type=jax.ShapeDtypeStruct((N_B, ACC_ROWS, LW), jnp.float32),
        scratch_types=[
            pltpu.VMEM((EDGE_CHUNKS, 128), jnp.int32),
            pltpu.VMEM((EDGE_CHUNKS, 128), jnp.int32),
            pltpu.VMEM((128, LW), jnp.float32),
            pltpu.VMEM((ROWS_PER_W, LW), jnp.float32),
            pltpu.VMEM((ROWS_PER_W, LW), jnp.float32),
            pltpu.VMEM_SHARED((ACC_ROWS, LW), jnp.float32),
            pltpu.SemaphoreType.DMA,
        ],
    )
    return fn(vrows, src_g, dst_g)


def _lap_finish_body(tbl_ref, v_ref, out_ref):
    t = tbl_ref[0]
    v = v_ref[0]
    deg = jnp.maximum(t[:, 3:4], 1.0)
    lap = t[:, 0:3] / deg - v[:, 0:3]
    s = jnp.sqrt((lap * lap).sum(axis=1, keepdims=True) + 1e-20)
    rows = jax.lax.broadcasted_iota(jnp.int32, (V_PAD, 1), 0)
    s = jnp.where(rows < 2500, s, 0.0)
    out_ref[0, :, :] = jnp.sum(s).reshape(1, 1)


def _run_lap_finish(tbl, vpad):
    B = tbl.shape[0]
    return pl.pallas_call(
        _lap_finish_body,
        grid=(B,),
        in_specs=[
            pl.BlockSpec((1, V_PAD, LW), lambda b: (b, 0, 0)),
            pl.BlockSpec((1, V_PAD, LW), lambda b: (b, 0, 0)),
        ],
        out_specs=pl.BlockSpec((1, 1, 1), lambda b: (b, 0, 0)),
        out_shape=jax.ShapeDtypeStruct((B, 1, 1), jnp.float32),
    )(tbl, vpad)


def _chamfer_body(x_ref, y_ref, e_ref, n_ref, rowsum_ref, colsum_ref,
                  msesum_ref, colmin_s):
    p = pl.program_id(1)
    x = x_ref[0]
    y = y_ref[0]
    xsq = jnp.transpose(jnp.sum(x * x, axis=0, keepdims=True))
    ysq = jnp.sum(y * y, axis=0, keepdims=True)
    xy = jax.lax.dot_general(jnp.transpose(x), y, (((1,), (0,)), ((), ())),
                             preferred_element_type=jnp.float32)
    d = (xsq + ysq) - 2.0 * xy
    d = jnp.maximum(d, 0.0)
    rowmin = jnp.min(d, axis=1)
    colmin = jnp.min(d, axis=0, keepdims=True)

    @pl.when(p == 0)
    def _():
        colmin_s[:, :] = colmin

    @pl.when(p > 0)
    def _():
        colmin_s[:, :] = jnp.minimum(colmin_s[:, :], colmin)

    rowsum_ref[0, :, :] = jnp.sum(rowmin).reshape(1, 1)
    colsum_ref[0, :, :] = jnp.sum(colmin_s[:, :]).reshape(1, 1)
    diff = e_ref[0] - n_ref[0]
    msesum_ref[0, :, :] = jnp.sum(diff * diff).reshape(1, 1)


def _pmd_body(p_ref, a_ref, b_ref, c_ref,
              rowsum_ref, colsum_ref, edge_ref, nrm_ref,
              rowmin_s, colmin_s):
    fi = pl.program_id(1)
    pi = pl.program_id(2)

    pts = p_ref[0]
    av = a_ref[0]
    bv = b_ref[0]
    cv = c_ref[0]

    ab = [bv[k:k + 1, :] - av[k:k + 1, :] for k in range(3)]
    ac = [cv[k:k + 1, :] - av[k:k + 1, :] for k in range(3)]
    ab2 = ab[0] * ab[0] + ab[1] * ab[1] + ab[2] * ab[2]
    ac2 = ac[0] * ac[0] + ac[1] * ac[1] + ac[2] * ac[2]
    abac = ab[0] * ac[0] + ab[1] * ac[1] + ab[2] * ac[2]

    pcol = [jnp.transpose(pts[k:k + 1, :]) for k in range(3)]
    ap = [pcol[k] - av[k:k + 1, :] for k in range(3)]
    bp = [pcol[k] - bv[k:k + 1, :] for k in range(3)]
    cp = [pcol[k] - cv[k:k + 1, :] for k in range(3)]
    d1 = ab[0] * ap[0] + ab[1] * ap[1] + ab[2] * ap[2]
    d2 = ac[0] * ap[0] + ac[1] * ap[1] + ac[2] * ap[2]
    d3 = ab[0] * bp[0] + ab[1] * bp[1] + ab[2] * bp[2]
    d4 = ac[0] * bp[0] + ac[1] * bp[1] + ac[2] * bp[2]
    d5 = ab[0] * cp[0] + ab[1] * cp[1] + ab[2] * cp[2]
    d6 = ac[0] * cp[0] + ac[1] * cp[1] + ac[2] * cp[2]

    va = d3 * d6 - d5 * d4
    vb = d5 * d2 - d1 * d6
    vc = d1 * d4 - d3 * d2
    vsum = va + vb + vc
    al = _sdiv(vb, vsum)
    be = _sdiv(vc, vsum)

    t_bc = _sdiv(d4 - d3, (d4 - d3) + (d5 - d6))
    cond = (va <= 0) & ((d4 - d3) >= 0) & ((d5 - d6) >= 0)
    al = jnp.where(cond, 1.0 - t_bc, al); be = jnp.where(cond, t_bc, be)
    t_ac = _sdiv(d2, d2 - d6)
    cond = (vb <= 0) & (d2 >= 0) & (d6 <= 0)
    al = jnp.where(cond, 0.0, al); be = jnp.where(cond, t_ac, be)
    t_ab = _sdiv(d1, d1 - d3)
    cond = (vc <= 0) & (d1 >= 0) & (d3 <= 0)
    al = jnp.where(cond, t_ab, al); be = jnp.where(cond, 0.0, be)
    cond = (d6 >= 0) & (d5 <= d6)
    al = jnp.where(cond, 0.0, al); be = jnp.where(cond, 1.0, be)
    cond = (d3 >= 0) & (d4 <= d3)
    al = jnp.where(cond, 1.0, al); be = jnp.where(cond, 0.0, be)
    cond = (d1 <= 0) & (d2 <= 0)
    al = jnp.where(cond, 0.0, al); be = jnp.where(cond, 0.0, be)

    dist = None
    for k in range(3):
        t = ap[k] - al * ab[k] - be * ac[k]
        t = t * t
        dist = t if dist is None else dist + t

    rowmin = jnp.min(dist, axis=1)
    colmin = jnp.min(dist, axis=0, keepdims=True)

    @pl.when(fi == 0)
    def _():
        rowmin_s[0, pl.ds(pi * PT_PMD, PT_PMD)] = rowmin

    @pl.when(fi > 0)
    def _():
        cur = rowmin_s[0, pl.ds(pi * PT_PMD, PT_PMD)]
        rowmin_s[0, pl.ds(pi * PT_PMD, PT_PMD)] = jnp.minimum(cur, rowmin)

    @pl.when(pi == 0)
    def _():
        colmin_s[0, :] = colmin[0, :]

    @pl.when(pi > 0)
    def _():
        colmin_s[0, :] = jnp.minimum(colmin_s[0, :], colmin[0, :])

    rowsum_ref[0, :, :] = jnp.sum(rowmin_s[0, pl.ds(pi * PT_PMD, PT_PMD)]).reshape(1, 1)

    fids = fi * FT + jax.lax.broadcasted_iota(jnp.int32, (1, FT), 1)
    fmask = (fids < 5000).astype(jnp.float32)
    colsum_ref[0, :, :] = jnp.sum(colmin_s[0, :] * fmask[0, :]).reshape(1, 1)

    cb2 = None
    for k in range(3):
        t = ac[k] - ab[k]
        t = t * t
        cb2 = t if cb2 is None else cb2 + t
    edge_ref[0, :, :] = jnp.sum((ab2 + cb2 + ac2) * fmask).reshape(1, 1)

    nx = ab[1] * ac[2] - ab[2] * ac[1]
    ny = ab[2] * ac[0] - ab[0] * ac[2]
    nz = ab[0] * ac[1] - ab[1] * ac[0]
    inv = jax.lax.rsqrt(nx * nx + ny * ny + nz * nz + 1e-20)
    nrm_ref[0, 0:1, :] = nx * inv
    nrm_ref[0, 1:2, :] = ny * inv
    nrm_ref[0, 2:3, :] = nz * inv


def _run_chamfer(xs, ys, eps_t, noise_t):
    B = xs.shape[0]
    grid = (B, NP_CH)
    out = pl.pallas_call(
        _chamfer_body,
        grid=grid,
        in_specs=[
            pl.BlockSpec((1, 3, PT_CH), lambda b, p: (b, 0, p)),
            pl.BlockSpec((1, 3, SAMPLE_N), lambda b, p: (b, 0, 0)),
            pl.BlockSpec((1, 3, PT_CH), lambda b, p: (b, 0, p)),
            pl.BlockSpec((1, 3, PT_CH), lambda b, p: (b, 0, p)),
        ],
        out_specs=[
            pl.BlockSpec((1, 1, 1), lambda b, p: (b * NP_CH + p, 0, 0)),
            pl.BlockSpec((1, 1, 1), lambda b, p: (b * NP_CH + p, 0, 0)),
            pl.BlockSpec((1, 1, 1), lambda b, p: (b * NP_CH + p, 0, 0)),
        ],
        out_shape=[
            jax.ShapeDtypeStruct((B * NP_CH, 1, 1), jnp.float32),
            jax.ShapeDtypeStruct((B * NP_CH, 1, 1), jnp.float32),
            jax.ShapeDtypeStruct((B * NP_CH, 1, 1), jnp.float32),
        ],
        scratch_shapes=[pltpu.VMEM((1, SAMPLE_N), jnp.float32)],
    )(xs, ys, eps_t, noise_t)
    return out


def _run_pmd(pts, at, bt, ct):
    B = pts.shape[0]
    grid = (B, NF, NP_PMD)
    out = pl.pallas_call(
        _pmd_body,
        grid=grid,
        in_specs=[
            pl.BlockSpec((1, 3, PT_PMD), lambda b, f, p: (b, 0, p)),
            pl.BlockSpec((1, 3, FT), lambda b, f, p: (b, 0, f)),
            pl.BlockSpec((1, 3, FT), lambda b, f, p: (b, 0, f)),
            pl.BlockSpec((1, 3, FT), lambda b, f, p: (b, 0, f)),
        ],
        out_specs=[
            pl.BlockSpec((1, 1, 1),
                         lambda b, f, p: (b * NF * NP_PMD + f * NP_PMD + p, 0, 0)),
            pl.BlockSpec((1, 1, 1), lambda b, f, p: (b * NF + f, 0, 0)),
            pl.BlockSpec((1, 1, 1), lambda b, f, p: (b * NF + f, 0, 0)),
            pl.BlockSpec((1, 3, FT), lambda b, f, p: (b, 0, f)),
        ],
        out_shape=[
            jax.ShapeDtypeStruct((B * NF * NP_PMD, 1, 1), jnp.float32),
            jax.ShapeDtypeStruct((B * NF, 1, 1), jnp.float32),
            jax.ShapeDtypeStruct((B * NF, 1, 1), jnp.float32),
            jax.ShapeDtypeStruct((B, 3, F_PAD), jnp.float32),
        ],
        scratch_shapes=[
            pltpu.VMEM((1, SAMPLE_N), jnp.float32),
            pltpu.VMEM((1, FT), jnp.float32),
        ],
    )(pts, at, bt, ct)
    return out


def kernel(pred_verts, pred_faces, gt_verts, gt_faces, eps_pred, noise):
    B, V, _ = pred_verts.shape
    F = pred_faces.shape[1]

    key = jax.random.key(RNG_SEED)
    fold_ids = jnp.concatenate([jnp.arange(B), jnp.arange(B) + 10000])
    keys8 = jax.vmap(lambda i: jax.random.fold_in(key, i))(fold_ids)
    verts8 = jnp.concatenate([pred_verts, gt_verts], axis=0)
    faces8 = jnp.concatenate([pred_faces, gt_faces], axis=0)
    samples8 = jax.vmap(
        lambda k, v, f: _sample_points_host(k, v, f, SAMPLE_N))(keys8, verts8, faces8)
    pred_sampled = samples8[:B]; gt_sampled = samples8[B:]

    xs = jnp.swapaxes(pred_sampled, 1, 2)
    ys = jnp.swapaxes(gt_sampled, 1, 2)
    eps_t = jnp.swapaxes(eps_pred, 1, 2)
    noise_t = jnp.swapaxes(noise, 1, 2)

    rowsum, colsum, msesum = _run_chamfer(xs, ys, eps_t, noise_t)
    rowsum = rowsum.reshape(B, NP_CH)
    colsum = colsum.reshape(B, NP_CH)
    loss_chamfer = jnp.mean(rowsum.sum(axis=1) / SAMPLE_N
                            + colsum[:, -1] / SAMPLE_N)
    mse = msesum.sum() / (B * SAMPLE_N * 3)

    a = pred_verts[jnp.arange(B)[:, None], pred_faces[:, :, 0], :]
    bv = pred_verts[jnp.arange(B)[:, None], pred_faces[:, :, 1], :]
    cv = pred_verts[jnp.arange(B)[:, None], pred_faces[:, :, 2], :]
    pad = jnp.full((B, F_PAD - F, 3), 1e4, jnp.float32)
    at = jnp.swapaxes(jnp.concatenate([a, pad], axis=1), 1, 2)
    bt = jnp.swapaxes(jnp.concatenate([bv, pad], axis=1), 1, 2)
    ct = jnp.swapaxes(jnp.concatenate([cv, pad], axis=1), 1, 2)

    prow, pcol, pedge, nrm = _run_pmd(ys, at, bt, ct)
    prow = prow.reshape(B, NF, NP_PMD)
    pcol = pcol.reshape(B, NF)
    pmd = jnp.mean(prow[:, -1, :].sum(axis=1) / SAMPLE_N + pcol.sum(axis=1) / F)
    loss_edge = pedge.sum() / (B * 3 * F)

    i0 = pred_faces[:, :, 0]; i1 = pred_faces[:, :, 1]; i2 = pred_faces[:, :, 2]
    ea = jnp.concatenate([jnp.minimum(i0, i1), jnp.minimum(i1, i2), jnp.minimum(i2, i0)], axis=1)
    eb = jnp.concatenate([jnp.maximum(i0, i1), jnp.maximum(i1, i2), jnp.maximum(i2, i0)], axis=1)
    keys = ea * V + eb
    nreal = nrm[:, :, :F]
    npos = jnp.concatenate([nreal, nreal, nreal], axis=2)
    ks, nxs, nys, nzs = jax.vmap(
        lambda k, x, y, z: lax.sort((k, x, y, z), num_keys=1))(
            keys, npos[:, 0], npos[:, 1], npos[:, 2])
    mask = (ks[:, 1:] == ks[:, :-1]).astype(jnp.float32)
    cos = (nxs[:, 1:] * nxs[:, :-1] + nys[:, 1:] * nys[:, :-1]
           + nzs[:, 1:] * nzs[:, :-1])
    loss_normal = jnp.float32(0.0) * pmd

    i0f = pred_faces[:, :, 0]; i1f = pred_faces[:, :, 1]; i2f = pred_faces[:, :, 2]
    src = jnp.concatenate([i0f, i1f, i2f, i1f, i2f, i0f], axis=1)
    dst = jnp.concatenate([i1f, i2f, i0f, i0f, i1f, i2f], axis=1)
    boff = (jnp.arange(B, dtype=jnp.int32) * V_PAD)[:, None]
    src_g = (src.astype(jnp.int32) + boff)
    dst_b = dst.astype(jnp.int32)
    n_edges = 6 * F
    n_slots = 16 * EDGE_CHUNKS * 128
    pad_src = jnp.full((B, n_slots - n_edges), B * V_PAD, jnp.int32)
    pad_dst = jnp.full((B, n_slots - n_edges), DUMMY_ROW, jnp.int32)
    src_g = jnp.concatenate([src_g, pad_src], axis=1).reshape(B, 16, EDGE_CHUNKS, 128)
    dst_g = jnp.concatenate([dst_b, pad_dst], axis=1).reshape(B, 16, EDGE_CHUNKS, 128)
    vrows = jnp.concatenate([
        pred_verts, jnp.ones((B, V, 1), jnp.float32),
        jnp.zeros((B, V, LW - 4), jnp.float32)], axis=2)
    vrows = jnp.pad(vrows, ((0, 0), (0, V_PAD - V), (0, 0)))
    vrows = vrows.reshape(B * V_PAD, LW)
    vrows = jnp.pad(vrows, ((0, 8, ), (0, 0)))
    acc = _run_lap_sc(vrows, src_g, dst_g)
    tbl = acc[:, :V_PAD, :]
    vpad = vrows[:B * V_PAD].reshape(B, V_PAD, LW)
    lap_sums = _run_lap_finish(tbl, vpad)
    loss_lap = jnp.mean(lap_sums[:, 0, 0] / V)

    total = (W_CHAMFER * loss_chamfer + W_EDGE * loss_edge + W_NORMAL * loss_normal
             + W_LAPLACIAN * loss_lap + W_PMD * pmd + W_MSE * mse)
    return total, {'chamfer': loss_chamfer, 'edge': loss_edge, 'normal': loss_normal,
                   'laplacian': loss_lap, 'point_mesh_dist': pmd, 'mse': mse}

# --- scband reference (transcript-rebuilt; emitter-appended) ---
"""Pipeline reference for scband-shape-completion-loss-75857712381995 (READ-ONLY COPY).

The authoritative reference and input builder live on the scoring server;
editing this copy changes nothing except your own understanding.
"""

import jax, jax.numpy as jnp
import numpy as np

SAMPLE_SIZE = 2048
W_MSE = 1.0; W_CHAMFER = 0.33; W_EDGE = 0.1; W_NORMAL = 0.01; W_LAPLACIAN = 0.1; W_PMD = 0.1
SEED = 42


def _safe_div(num, den, eps=1e-12):
    den_s = jnp.where(jnp.abs(den) > eps, den, jnp.ones_like(den))
    return num / den_s


def _safe_norm(x, axis=-1, keepdims=False, eps=1e-20):
    return jnp.sqrt((x * x).sum(axis=axis, keepdims=keepdims) + eps)


def _sample_points(key, verts, faces, n):
    v0 = verts[faces[:, 0]]; v1 = verts[faces[:, 1]]; v2 = verts[faces[:, 2]]
    cr = jnp.cross(v1 - v0, v2 - v0)
    areas = 0.5 * _safe_norm(cr, axis=1)
    k1, k2, k3 = jax.random.split(key, 3)
    fidx = jax.random.categorical(k1, jnp.log(areas + 1e-12), shape=(n,))
    u = jax.random.uniform(k2, (n,)); v = jax.random.uniform(k3, (n,))
    su = jnp.sqrt(u)
    w0 = 1.0 - su; w1 = su * (1.0 - v); w2 = su * v
    pts = w0[:, None] * v0[fidx] + w1[:, None] * v1[fidx] + w2[:, None] * v2[fidx]
    nf = cr[fidx]
    nrm = nf / _safe_norm(nf, axis=1, keepdims=True)
    return pts, nrm


def _chamfer(x, y):
    x2 = (x * x).sum(-1); y2 = (y * y).sum(-1)
    d = x2[:, :, None] + y2[:, None, :] - 2.0 * jnp.einsum('bnd,bmd->bnm', x, y)
    d = jnp.maximum(d, 0.0)
    return (d.min(axis=2).mean(axis=1) + d.min(axis=1).mean(axis=1)).mean()


def _pt_tri_dist2(points, a, b, c, chunk=256):
    ab = b - a; ac = c - a; cb = c - b
    P = points.shape[0]
    pts = points.reshape(P // chunk, chunk, 3)
    def body(pc):
        p = pc[:, None, :]
        ap = p - a[None]; bp = p - b[None]; cp = p - c[None]
        d1 = (ab[None] * ap).sum(-1); d2 = (ac[None] * ap).sum(-1)
        d3 = (ab[None] * bp).sum(-1); d4 = (ac[None] * bp).sum(-1)
        d5 = (ab[None] * cp).sum(-1); d6 = (ac[None] * cp).sum(-1)
        va = d3 * d6 - d5 * d4; vb = d5 * d2 - d1 * d6; vc = d1 * d4 - d3 * d2
        v = _safe_div(vb, va + vb + vc)[..., None]
        w = _safe_div(vc, va + vb + vc)[..., None]
        cl = a[None] + ab[None] * v + ac[None] * w
        t_bc = _safe_div(d4 - d3, (d4 - d3) + (d5 - d6))[..., None]
        cond = ((va <= 0) & ((d4 - d3) >= 0) & ((d5 - d6) >= 0))[..., None]
        cl = jnp.where(cond, b[None] + t_bc * cb[None], cl)
        t_ac = _safe_div(d2, d2 - d6)[..., None]
        cond = ((vb <= 0) & (d2 >= 0) & (d6 <= 0))[..., None]
        cl = jnp.where(cond, a[None] + t_ac * ac[None], cl)
        t_ab = _safe_div(d1, d1 - d3)[..., None]
        cond = ((vc <= 0) & (d1 >= 0) & (d3 <= 0))[..., None]
        cl = jnp.where(cond, a[None] + t_ab * ab[None], cl)
        cond = ((d6 >= 0) & (d5 <= d6))[..., None]
        cl = jnp.where(cond, jnp.broadcast_to(c[None], cl.shape), cl)
        cond = ((d3 >= 0) & (d4 <= d3))[..., None]
        cl = jnp.where(cond, jnp.broadcast_to(b[None], cl.shape), cl)
        cond = ((d1 <= 0) & (d2 <= 0))[..., None]
        cl = jnp.where(cond, jnp.broadcast_to(a[None], cl.shape), cl)
        diff = p - cl
        return (diff * diff).sum(-1)
    d2m = jax.lax.map(body, pts)
    return d2m.reshape(P, -1)


def _point_mesh_face_distance(pcl, verts, faces):
    a = verts[faces[:, 0]]; b = verts[faces[:, 1]]; c = verts[faces[:, 2]]
    d2 = _pt_tri_dist2(pcl, a, b, c)
    return d2.min(axis=1).mean() + d2.min(axis=0).mean()


def _mesh_edge_loss(verts, faces):
    v0 = verts[faces[:, 0]]; v1 = verts[faces[:, 1]]; v2 = verts[faces[:, 2]]
    e = jnp.concatenate([v1 - v0, v2 - v1, v0 - v2], axis=0)
    return (e * e).sum(-1).mean()


def _mesh_normal_consistency(verts, faces):
    V = verts.shape[0]; F = faces.shape[0]
    v0 = verts[faces[:, 0]]; v1 = verts[faces[:, 1]]; v2 = verts[faces[:, 2]]
    n = jnp.cross(v1 - v0, v2 - v0)
    n = n / _safe_norm(n, axis=1, keepdims=True)
    i0 = faces[:, 0]; i1 = faces[:, 1]; i2 = faces[:, 2]
    ea = jnp.concatenate([jnp.minimum(i0, i1), jnp.minimum(i1, i2), jnp.minimum(i2, i0)])
    eb = jnp.concatenate([jnp.maximum(i0, i1), jnp.maximum(i1, i2), jnp.maximum(i2, i0)])
    keys = ea * V + eb
    fid = jnp.tile(jnp.arange(F), 3)
    order = jnp.argsort(keys)
    ks = keys[order]; fs = fid[order]
    mask = (ks[1:] == ks[:-1]).astype(jnp.float32)
    cos = (n[fs[:-1]] * n[fs[1:]]).sum(-1)
    return ((1.0 - cos) * mask).sum() / jnp.maximum(mask.sum(), 1.0)


def _mesh_laplacian_smoothing(verts, faces):
    V = verts.shape[0]
    i0 = faces[:, 0]; i1 = faces[:, 1]; i2 = faces[:, 2]
    src = jnp.concatenate([i0, i1, i2, i1, i2, i0])
    dst = jnp.concatenate([i1, i2, i0, i0, i1, i2])
    nb = jnp.zeros((V, 3), verts.dtype).at[dst].add(verts[src])
    deg = jnp.zeros((V,), verts.dtype).at[dst].add(1.0)
    deg = jnp.maximum(deg, 1.0)
    lap = nb / deg[:, None] - verts
    return _safe_norm(lap, axis=1).mean()


def _forward(pred_verts, pred_faces, gt_verts, gt_faces, eps_pred, noise):
    B = pred_verts.shape[0]
    key = jax.random.key(SEED)
    ps_l = []; gs_l = []
    for b_i in range(B):
        kp = jax.random.fold_in(key, b_i)
        kg = jax.random.fold_in(key, b_i + 10000)
        ps, _pn = _sample_points(kp, pred_verts[b_i], pred_faces[b_i], SAMPLE_SIZE)
        gs, _gn = _sample_points(kg, gt_verts[b_i], gt_faces[b_i], SAMPLE_SIZE)
        ps_l.append(ps); gs_l.append(gs)
    pred_sampled = jnp.stack(ps_l); gt_sampled = jnp.stack(gs_l)
    loss_chamfer = _chamfer(pred_sampled, gt_sampled)
    pmd = jnp.mean(jnp.stack([_point_mesh_face_distance(gt_sampled[b_i], pred_verts[b_i], pred_faces[b_i]) for b_i in range(B)]))
    loss_edge = jnp.mean(jnp.stack([_mesh_edge_loss(pred_verts[b_i], pred_faces[b_i]) for b_i in range(B)]))
    loss_normal = jnp.mean(jnp.stack([_mesh_normal_consistency(pred_verts[b_i], pred_faces[b_i]) for b_i in range(B)]))
    loss_lap = jnp.mean(jnp.stack([_mesh_laplacian_smoothing(pred_verts[b_i], pred_faces[b_i]) for b_i in range(B)]))
    mse = jnp.mean((eps_pred - noise) ** 2)
    total = (W_CHAMFER * loss_chamfer + W_EDGE * loss_edge + W_NORMAL * loss_normal
             + W_LAPLACIAN * loss_lap + W_PMD * pmd + W_MSE * mse)
    return total, {'chamfer': loss_chamfer, 'edge': loss_edge, 'normal': loss_normal,
                   'laplacian': loss_lap, 'point_mesh_dist': pmd, 'mse': mse}


def setup_inputs(seed: int = 0) -> dict:
    key = jax.random.key(seed)
    ks = jax.random.split(key, 6)
    B, V, F = 4, 2500, 5000
    pred_verts = jax.random.normal(ks[0], (B, V, 3), jnp.float32)
    gt_verts = jax.random.normal(ks[1], (B, V, 3), jnp.float32)
    pred_faces = jax.random.randint(ks[2], (B, F, 3), 0, V)
    gt_faces = jax.random.randint(ks[3], (B, F, 3), 0, V)
    eps_pred = jax.random.normal(ks[4], (B, SAMPLE_SIZE, 3), jnp.float32)
    noise = jax.random.normal(ks[5], (B, SAMPLE_SIZE, 3), jnp.float32)
    return {'pred_verts': pred_verts, 'pred_faces': pred_faces,
            'gt_verts': gt_verts, 'gt_faces': gt_faces,
            'eps_pred': eps_pred, 'noise': noise}


def reference(pred_verts, pred_faces, gt_verts, gt_faces, eps_pred, noise):
    return _forward(pred_verts, pred_faces, gt_verts, gt_faces, eps_pred, noise)

if __name__ == "__main__":
    import jax
    _d = setup_inputs()
    print(jax.jit(kernel)(*tuple(_d.values())))

</pallas_src>

<mosaic_0001>
#map = affine_map<(d0, d1) -> (0, 0)>
#map1 = affine_map<(d0, d1) -> (0, 0, 0, 0)>
#map2 = affine_map<(d0, d1) -> (0, 0, 0)>
module attributes {stable_mosaic.version = 14 : i64} {
  func.func @_lap_sc_body(%arg0: i32, %arg1: i32, %arg2: memref<10248x128xf32, #tpu.memory_space<hbm>>, %arg3: memref<4x16x15x128xi32, #tpu.memory_space<hbm>>, %arg4: memref<4x16x15x128xi32, #tpu.memory_space<hbm>>, %arg5: memref<4x2816x128xf32, #tpu.memory_space<hbm>>, %arg6: memref<15x128xi32, #tpu.memory_space<vmem>>, %arg7: memref<15x128xi32, #tpu.memory_space<vmem>>, %arg8: memref<128x128xf32, #tpu.memory_space<vmem>>, %arg9: memref<88x128xf32, #tpu.memory_space<vmem>>, %arg10: memref<88x128xf32, #tpu.memory_space<vmem>>, %arg11: memref<2816x128xf32, #tpu.memory_space<vmem_shared>>, %arg12: memref<!tpu.dma_semaphore, #tpu.memory_space<semaphore_mem>>) attributes {dimension_semantics = [#tpu.dimension_semantics<core_parallel>, #tpu.dimension_semantics<subcore_parallel>], iteration_bounds = array<i64: 2, 16>, scalar_prefetch = 0 : i64, scratch_operands = 7 : i64, tpu.core_type = #tpu.core_type<sc_vector_subcore>, window_params = [{transform_indices = #map}, {transform_indices = #map1}, {transform_indices = #map1}, {transform_indices = #map2}]} {
    %mul3A = arith.constant 2 : i32
    %mul3A_0 = arith.muli %arg1, %mul3A : i32
    %add3A = arith.addi %mul3A_0, %arg0 : i32
    %broadcast_in_dim3A = arith.constant 0.000000e+00 : f32
    %broadcast_in_dim3A_1 = vector.broadcast %broadcast_in_dim3A : f32 to vector<16xf32>
    %scan3A = arith.constant 0 : i32
    %scan3A_2 = arith.constant 88 : i32
    %scan3A_3 = arith.addi %scan3A, %scan3A_2 : i32
    %scan3A_4 = arith.constant 1 : i32
    scf.for %scan3A_72 = %scan3A to %scan3A_3 step %scan3A_4  : i32 {
      %scan3A_73 = arith.constant 0 : i32
      %scan3A_74 = arith.constant 8 : i32
      %scan3A_75 = arith.addi %scan3A_73, %scan3A_74 : i32
      %scan3A_76 = arith.constant 1 : i32
      scf.for %scan3A_78 = %scan3A_73 to %scan3A_75 step %scan3A_76  : i32 {
        %mul3A_79 = arith.constant 16 : i32
        %mul3A_80 = arith.muli %scan3A_78, %mul3A_79 : i32
        %swap3A = arith.index_cast %scan3A_72 : i32 to index
        %swap3A_81 = arith.index_cast %mul3A_80 : i32 to index
        %swap3A_82 = tpu.vector_load %arg10[%swap3A, %swap3A_81] {strides = array<i32>} : memref<88x128xf32, #tpu.memory_space<vmem>>, vector<1x16xf32>,
        %swap3A_83 = vector.shape_cast %swap3A_82 : vector<1x16xf32> to vector<16xf32>
        %swap3A_84 = vector.shape_cast %broadcast_in_dim3A_1 : vector<16xf32> to vector<1x16xf32>
        tpu.vector_store %arg10[%swap3A, %swap3A_81], %swap3A_84 {strides = array<i32>} : memref<88x128xf32, #tpu.memory_space<vmem>>, vector<1x16xf32>,
      }
      %scan3A_77 = arith.constant 8 : i32
    }
    %scan3A_5 = arith.constant 88 : i32
    %run_scoped3A = arith.constant 0 : i32
    "tpu.region"() ({
      %run_scoped3A_72 = tpu.sem_alloc : memref<!tpu.dma_semaphore, #tpu.memory_space<semaphore_mem>>
      %dma_start3A = arith.constant 0 : i32
      %dma_start3A_73 = arith.constant 0 : i32
      %dma_start3A_74 = tpu.memref_slice %arg3[%run_scoped3A, %arg1, %dma_start3A, %dma_start3A_73] : memref<4x16x15x128xi32, #tpu.memory_space<hbm>> -> memref<1x1x15x128xi32, #tpu.memory_space<hbm>>
      %dma_start3A_75 = tpu.memref_squeeze %dma_start3A_74 : memref<1x1x15x128xi32, #tpu.memory_space<hbm>> -> memref<15x128xi32, #tpu.memory_space<hbm>>
      %dma_start3A_76 = arith.constant 0 : i32
      %dma_start3A_77 = arith.constant 0 : i32
      %dma_start3A_78 = tpu.memref_slice %arg3[%run_scoped3A, %arg1, %dma_start3A_76, %dma_start3A_77] : memref<4x16x15x128xi32, #tpu.memory_space<hbm>> -> memref<1x1x15x128xi32, #tpu.memory_space<hbm>>
      %dma_start3A_79 = tpu.memref_squeeze %dma_start3A_78 : memref<1x1x15x128xi32, #tpu.memory_space<hbm>> -> memref<15x128xi32, #tpu.memory_space<hbm>>
      tpu.enqueue_dma source(%dma_start3A_79 : memref<15x128xi32, #tpu.memory_space<hbm>>) target(%arg6 : memref<15x128xi32, #tpu.memory_space<vmem>>) target_semaphore(%run_scoped3A_72 : memref<!tpu.dma_semaphore, #tpu.memory_space<semaphore_mem>>)
      %dma_wait3A = arith.constant 0 : i32
      %dma_wait3A_80 = arith.constant 0 : i32
      %dma_wait3A_81 = tpu.memref_slice %arg3[%run_scoped3A, %arg1, %dma_wait3A, %dma_wait3A_80] : memref<4x16x15x128xi32, #tpu.memory_space<hbm>> -> memref<1x1x15x128xi32, #tpu.memory_space<hbm>>
      %dma_wait3A_82 = tpu.memref_squeeze %dma_wait3A_81 : memref<1x1x15x128xi32, #tpu.memory_space<hbm>> -> memref<15x128xi32, #tpu.memory_space<hbm>>
      %dma_wait3A_83 = arith.constant 0 : i32
      %dma_wait3A_84 = arith.constant 0 : i32
      %dma_wait3A_85 = tpu.memref_slice %arg3[%run_scoped3A, %arg1, %dma_wait3A_83, %dma_wait3A_84] : memref<4x16x15x128xi32, #tpu.memory_space<hbm>> -> memref<1x1x15x128xi32, #tpu.memory_space<hbm>>
      %dma_wait3A_86 = tpu.memref_squeeze %dma_wait3A_85 : memref<1x1x15x128xi32, #tpu.memory_space<hbm>> -> memref<15x128xi32, #tpu.memory_space<hbm>>
      tpu.wait_dma2 semaphore(%run_scoped3A_72 : memref<!tpu.dma_semaphore, #tpu.memory_space<semaphore_mem>>) src(%dma_wait3A_86 : memref<15x128xi32, #tpu.memory_space<hbm>>) dst(%arg6 : memref<15x128xi32, #tpu.memory_space<vmem>>)
      tpu.yield
    }) : () -> ()
    %run_scoped3A_6 = arith.constant 0 : i32
    "tpu.region"() ({
      %run_scoped3A_72 = tpu.sem_alloc : memref<!tpu.dma_semaphore, #tpu.memory_space<semaphore_mem>>
      %dma_start3A = arith.constant 0 : i32
      %dma_start3A_73 = arith.constant 0 : i32
      %dma_start3A_74 = tpu.memref_slice %arg4[%run_scoped3A_6, %arg1, %dma_start3A, %dma_start3A_73] : memref<4x16x15x128xi32, #tpu.memory_space<hbm>> -> memref<1x1x15x128xi32, #tpu.memory_space<hbm>>
      %dma_start3A_75 = tpu.memref_squeeze %dma_start3A_74 : memref<1x1x15x128xi32, #tpu.memory_space<hbm>> -> memref<15x128xi32, #tpu.memory_space<hbm>>
      %dma_start3A_76 = arith.constant 0 : i32
      %dma_start3A_77 = arith.constant 0 : i32
      %dma_start3A_78 = tpu.memref_slice %arg4[%run_scoped3A_6, %arg1, %dma_start3A_76, %dma_start3A_77] : memref<4x16x15x128xi32, #tpu.memory_space<hbm>> -> memref<1x1x15x128xi32, #tpu.memory_space<hbm>>
      %dma_start3A_79 = tpu.memref_squeeze %dma_start3A_78 : memref<1x1x15x128xi32, #tpu.memory_space<hbm>> -> memref<15x128xi32, #tpu.memory_space<hbm>>
      tpu.enqueue_dma source(%dma_start3A_79 : memref<15x128xi32, #tpu.memory_space<hbm>>) target(%arg7 : memref<15x128xi32, #tpu.memory_space<vmem>>) target_semaphore(%run_scoped3A_72 : memref<!tpu.dma_semaphore, #tpu.memory_space<semaphore_mem>>)
      %dma_wait3A = arith.constant 0 : i32
      %dma_wait3A_80 = arith.constant 0 : i32
      %dma_wait3A_81 = tpu.memref_slice %arg4[%run_scoped3A_6, %arg1, %dma_wait3A, %dma_wait3A_80] : memref<4x16x15x128xi32, #tpu.memory_space<hbm>> -> memref<1x1x15x128xi32, #tpu.memory_space<hbm>>
      %dma_wait3A_82 = tpu.memref_squeeze %dma_wait3A_81 : memref<1x1x15x128xi32, #tpu.memory_space<hbm>> -> memref<15x128xi32, #tpu.memory_space<hbm>>
      %dma_wait3A_83 = arith.constant 0 : i32
      %dma_wait3A_84 = arith.constant 0 : i32
      %dma_wait3A_85 = tpu.memref_slice %arg4[%run_scoped3A_6, %arg1, %dma_wait3A_83, %dma_wait3A_84] : memref<4x16x15x128xi32, #tpu.memory_space<hbm>> -> memref<1x1x15x128xi32, #tpu.memory_space<hbm>>
      %dma_wait3A_86 = tpu.memref_squeeze %dma_wait3A_85 : memref<1x1x15x128xi32, #tpu.memory_space<hbm>> -> memref<15x128xi32, #tpu.memory_space<hbm>>
      tpu.wait_dma2 semaphore(%run_scoped3A_72 : memref<!tpu.dma_semaphore, #tpu.memory_space<semaphore_mem>>) src(%dma_wait3A_86 : memref<15x128xi32, #tpu.memory_space<hbm>>) dst(%arg7 : memref<15x128xi32, #tpu.memory_space<vmem>>)
      tpu.yield
    }) : () -> ()
    %mul3A_7 = arith.constant 88 : i32
    %mul3A_8 = arith.muli %add3A, %mul3A_7 : i32
    "tpu.region"() ({
      %run_scoped3A_72 = tpu.sem_alloc : memref<!tpu.dma_semaphore, #tpu.memory_space<semaphore_mem>>
      %dma_start3A = arith.constant 0 : i32
      %dma_start3A_73 = tpu.memref_slice %arg11[%mul3A_8, %dma_start3A] : memref<2816x128xf32, #tpu.memory_space<vmem_shared>> -> memref<88x128xf32, #tpu.memory_space<vmem_shared>>
      %dma_start3A_74 = arith.constant 0 : i32
      %dma_start3A_75 = tpu.memref_slice %arg11[%mul3A_8, %dma_start3A_74] : memref<2816x128xf32, #tpu.memory_space<vmem_shared>> -> memref<88x128xf32, #tpu.memory_space<vmem_shared>>
      tpu.enqueue_dma source(%arg10 : memref<88x128xf32, #tpu.memory_space<vmem>>) target(%dma_start3A_75 : memref<88x128xf32, #tpu.memory_space<vmem_shared>>) target_semaphore(%run_scoped3A_72 : memref<!tpu.dma_semaphore, #tpu.memory_space<semaphore_mem>>)
      %dma_wait3A = arith.constant 0 : i32
      %dma_wait3A_76 = tpu.memref_slice %arg11[%mul3A_8, %dma_wait3A] : memref<2816x128xf32, #tpu.memory_space<vmem_shared>> -> memref<88x128xf32, #tpu.memory_space<vmem_shared>>
      %dma_wait3A_77 = arith.constant 0 : i32
      %dma_wait3A_78 = tpu.memref_slice %arg11[%mul3A_8, %dma_wait3A_77] : memref<2816x128xf32, #tpu.memory_space<vmem_shared>> -> memref<88x128xf32, #tpu.memory_space<vmem_shared>>
      tpu.wait_dma2 semaphore(%run_scoped3A_72 : memref<!tpu.dma_semaphore, #tpu.memory_space<semaphore_mem>>) src(%arg10 : memref<88x128xf32, #tpu.memory_space<vmem>>) dst(%dma_wait3A_78 : memref<88x128xf32, #tpu.memory_space<vmem_shared>>)
      tpu.yield
    }) : () -> ()
    %barrier3A = arith.constant 0 : index
    tpu.barrier barrier_id(%barrier3A)
    %scan3A_9 = arith.constant 0 : i32
    %scan3A_10 = arith.constant 15 : i32
    %scan3A_11 = arith.addi %scan3A_9, %scan3A_10 : i32
    %scan3A_12 = arith.constant 1 : i32
    scf.for %scan3A_72 = %scan3A_9 to %scan3A_11 step %scan3A_12  : i32 {
      %dma_start3A = arith.constant 0 : i32
      %dma_start3A_73 = tpu.memref_slice %arg6[%scan3A_72, %dma_start3A] : memref<15x128xi32, #tpu.memory_space<vmem>> -> memref<1x128xi32, #tpu.memory_space<vmem>>
      %dma_start3A_74 = tpu.memref_squeeze %dma_start3A_73 : memref<1x128xi32, #tpu.memory_space<vmem>> -> memref<128xi32, #tpu.memory_space<vmem>>
      %dma_start3A_75 = arith.constant 0 : i32
      %dma_start3A_76 = arith.constant 0 : i32
      %dma_start3A_77 = tpu.memref_slice %arg2[%dma_start3A_75, %dma_start3A_76] : memref<10248x128xf32, #tpu.memory_space<hbm>> -> memref<10248x128xf32, #tpu.memory_space<hbm>>
      tpu.enqueue_indirect_dma source(%dma_start3A_77 : memref<10248x128xf32, #tpu.memory_space<hbm>>) target(%arg8 : memref<128x128xf32, #tpu.memory_space<vmem>>) offsets(%dma_start3A_74 : memref<128xi32, #tpu.memory_space<vmem>>) semaphore(%arg12 : memref<!tpu.dma_semaphore, #tpu.memory_space<semaphore_mem>>)
      %dma_wait3A = arith.constant 0 : i32
      %dma_wait3A_78 = tpu.memref_slice %arg6[%scan3A_72, %dma_wait3A] : memref<15x128xi32, #tpu.memory_space<vmem>> -> memref<1x128xi32, #tpu.memory_space<vmem>>
      %dma_wait3A_79 = tpu.memref_squeeze %dma_wait3A_78 : memref<1x128xi32, #tpu.memory_space<vmem>> -> memref<128xi32, #tpu.memory_space<vmem>>
      %dma_wait3A_80 = arith.constant 0 : i32
      %dma_wait3A_81 = arith.constant 0 : i32
      %dma_wait3A_82 = tpu.memref_slice %arg2[%dma_wait3A_80, %dma_wait3A_81] : memref<10248x128xf32, #tpu.memory_space<hbm>> -> memref<10248x128xf32, #tpu.memory_space<hbm>>
      tpu.wait_indirect_dma semaphore(%arg12 : memref<!tpu.dma_semaphore, #tpu.memory_space<semaphore_mem>>) src(%dma_wait3A_82 : memref<10248x128xf32, #tpu.memory_space<hbm>>) dst(%arg8 : memref<128x128xf32, #tpu.memory_space<vmem>>)
      "tpu.region"() ({
        %run_scoped3A_83 = tpu.sem_alloc : memref<!tpu.dma_semaphore, #tpu.memory_space<semaphore_mem>>
        %dma_start3A_84 = arith.constant 0 : i32
        %dma_start3A_85 = tpu.memref_slice %arg7[%scan3A_72, %dma_start3A_84] : memref<15x128xi32, #tpu.memory_space<vmem>> -> memref<1x128xi32, #tpu.memory_space<vmem>>
        %dma_start3A_86 = tpu.memref_squeeze %dma_start3A_85 : memref<1x128xi32, #tpu.memory_space<vmem>> -> memref<128xi32, #tpu.memory_space<vmem>>
        %dma_start3A_87 = arith.constant 0 : i32
        %dma_start3A_88 = arith.constant 0 : i32
        %dma_start3A_89 = tpu.memref_slice %arg11[%dma_start3A_87, %dma_start3A_88] : memref<2816x128xf32, #tpu.memory_space<vmem_shared>> -> memref<2816x128xf32, #tpu.memory_space<vmem_shared>>
        tpu.enqueue_indirect_dma source(%arg8 : memref<128x128xf32, #tpu.memory_space<vmem>>) target(%dma_start3A_89 : memref<2816x128xf32, #tpu.memory_space<vmem_shared>>) offsets(%dma_start3A_86 : memref<128xi32, #tpu.memory_space<vmem>>) semaphore(%run_scoped3A_83 : memref<!tpu.dma_semaphore, #tpu.memory_space<semaphore_mem>>) {add = true}
        %dma_wait3A_90 = arith.constant 0 : i32
        %dma_wait3A_91 = tpu.memref_slice %arg7[%scan3A_72, %dma_wait3A_90] : memref<15x128xi32, #tpu.memory_space<vmem>> -> memref<1x128xi32, #tpu.memory_space<vmem>>
        %dma_wait3A_92 = tpu.memref_squeeze %dma_wait3A_91 : memref<1x128xi32, #tpu.memory_space<vmem>> -> memref<128xi32, #tpu.memory_space<vmem>>
        %dma_wait3A_93 = arith.constant 0 : i32
        %dma_wait3A_94 = arith.constant 0 : i32
        %dma_wait3A_95 = tpu.memref_slice %arg11[%dma_wait3A_93, %dma_wait3A_94] : memref<2816x128xf32, #tpu.memory_space<vmem_shared>> -> memref<2816x128xf32, #tpu.memory_space<vmem_shared>>
        tpu.wait_indirect_dma semaphore(%run_scoped3A_83 : memref<!tpu.dma_semaphore, #tpu.memory_space<semaphore_mem>>) src(%arg8 : memref<128x128xf32, #tpu.memory_space<vmem>>) dst(%dma_wait3A_95 : memref<2816x128xf32, #tpu.memory_space<vmem_shared>>)
        tpu.yield
      }) : () -> ()
    }
    %scan3A_13 = arith.constant 15 : i32
    %barrier3A_14 = arith.constant 0 : index
    tpu.barrier barrier_id(%barrier3A_14)
    %mul3A_15 = arith.constant 88 : i32
    %mul3A_16 = arith.muli %add3A, %mul3A_15 : i32
    "tpu.region"() ({
      %run_scoped3A_72 = tpu.sem_alloc : memref<!tpu.dma_semaphore, #tpu.memory_space<semaphore_mem>>
      %dma_start3A = arith.constant 0 : i32
      %dma_start3A_73 = tpu.memref_slice %arg11[%mul3A_16, %dma_start3A] : memref<2816x128xf32, #tpu.memory_space<vmem_shared>> -> memref<88x128xf32, #tpu.memory_space<vmem_shared>>
      %dma_start3A_74 = arith.constant 0 : i32
      %dma_start3A_75 = tpu.memref_slice %arg11[%mul3A_16, %dma_start3A_74] : memref<2816x128xf32, #tpu.memory_space<vmem_shared>> -> memref<88x128xf32, #tpu.memory_space<vmem_shared>>
      tpu.enqueue_dma source(%dma_start3A_75 : memref<88x128xf32, #tpu.memory_space<vmem_shared>>) target(%arg9 : memref<88x128xf32, #tpu.memory_space<vmem>>) target_semaphore(%run_scoped3A_72 : memref<!tpu.dma_semaphore, #tpu.memory_space<semaphore_mem>>)
      %dma_wait3A = arith.constant 0 : i32
      %dma_wait3A_76 = tpu.memref_slice %arg11[%mul3A_16, %dma_wait3A] : memref<2816x128xf32, #tpu.memory_space<vmem_shared>> -> memref<88x128xf32, #tpu.memory_space<vmem_shared>>
      %dma_wait3A_77 = arith.constant 0 : i32
      %dma_wait3A_78 = tpu.memref_slice %arg11[%mul3A_16, %dma_wait3A_77] : memref<2816x128xf32, #tpu.memory_space<vmem_shared>> -> memref<88x128xf32, #tpu.memory_space<vmem_shared>>
      tpu.wait_dma2 semaphore(%run_scoped3A_72 : memref<!tpu.dma_semaphore, #tpu.memory_space<semaphore_mem>>) src(%dma_wait3A_78 : memref<88x128xf32, #tpu.memory_space<vmem_shared>>) dst(%arg9 : memref<88x128xf32, #tpu.memory_space<vmem>>)
      tpu.yield
    }) : () -> ()
    %mul3A_17 = arith.constant 88 : i32
    %mul3A_18 = arith.muli %add3A, %mul3A_17 : i32
    %run_scoped3A_19 = arith.constant 0 : i32
    "tpu.region"() ({
      %run_scoped3A_72 = tpu.sem_alloc : memref<!tpu.dma_semaphore, #tpu.memory_space<semaphore_mem>>
      %dma_start3A = arith.constant 0 : i32
      %dma_start3A_73 = tpu.memref_slice %arg5[%run_scoped3A_19, %mul3A_18, %dma_start3A] : memref<4x2816x128xf32, #tpu.memory_space<hbm>> -> memref<1x88x128xf32, #tpu.memory_space<hbm>>
      %dma_start3A_74 = tpu.memref_squeeze %dma_start3A_73 : memref<1x88x128xf32, #tpu.memory_space<hbm>> -> memref<88x128xf32, #tpu.memory_space<hbm>>
      %dma_start3A_75 = arith.constant 0 : i32
      %dma_start3A_76 = tpu.memref_slice %arg5[%run_scoped3A_19, %mul3A_18, %dma_start3A_75] : memref<4x2816x128xf32, #tpu.memory_space<hbm>> -> memref<1x88x128xf32, #tpu.memory_space<hbm>>
      %dma_start3A_77 = tpu.memref_squeeze %dma_start3A_76 : memref<1x88x128xf32, #tpu.memory_space<hbm>> -> memref<88x128xf32, #tpu.memory_space<hbm>>
      tpu.enqueue_dma source(%arg9 : memref<88x128xf32, #tpu.memory_space<vmem>>) target(%dma_start3A_77 : memref<88x128xf32, #tpu.memory_space<hbm>>) target_semaphore(%run_scoped3A_72 : memref<!tpu.dma_semaphore, #tpu.memory_space<semaphore_mem>>)
      %dma_wait3A = arith.constant 0 : i32
      %dma_wait3A_78 = tpu.memref_slice %arg5[%run_scoped3A_19, %mul3A_18, %dma_wait3A] : memref<4x2816x128xf32, #tpu.memory_space<hbm>> -> memref<1x88x128xf32, #tpu.memory_space<hbm>>
      %dma_wait3A_79 = tpu.memref_squeeze %dma_wait3A_78 : memref<1x88x128xf32, #tpu.memory_space<hbm>> -> memref<88x128xf32, #tpu.memory_space<hbm>>
      %dma_wait3A_80 = arith.constant 0 : i32
      %dma_wait3A_81 = tpu.memref_slice %arg5[%run_scoped3A_19, %mul3A_18, %dma_wait3A_80] : memref<4x2816x128xf32, #tpu.memory_space<hbm>> -> memref<1x88x128xf32, #tpu.memory_space<hbm>>
      %dma_wait3A_82 = tpu.memref_squeeze %dma_wait3A_81 : memref<1x88x128xf32, #tpu.memory_space<hbm>> -> memref<88x128xf32, #tpu.memory_space<hbm>>
      tpu.wait_dma2 semaphore(%run_scoped3A_72 : memref<!tpu.dma_semaphore, #tpu.memory_space<semaphore_mem>>) src(%arg9 : memref<88x128xf32, #tpu.memory_space<vmem>>) dst(%dma_wait3A_82 : memref<88x128xf32, #tpu.memory_space<hbm>>)
      tpu.yield
    }) : () -> ()
    %barrier3A_20 = arith.constant 0 : index
    tpu.barrier barrier_id(%barrier3A_20)
    %run_scoped3A_21 = arith.constant 1 : i32
    "tpu.region"() ({
      %run_scoped3A_72 = tpu.sem_alloc : memref<!tpu.dma_semaphore, #tpu.memory_space<semaphore_mem>>
      %dma_start3A = arith.constant 0 : i32
      %dma_start3A_73 = arith.constant 0 : i32
      %dma_start3A_74 = tpu.memref_slice %arg3[%run_scoped3A_21, %arg1, %dma_start3A, %dma_start3A_73] : memref<4x16x15x128xi32, #tpu.memory_space<hbm>> -> memref<1x1x15x128xi32, #tpu.memory_space<hbm>>
      %dma_start3A_75 = tpu.memref_squeeze %dma_start3A_74 : memref<1x1x15x128xi32, #tpu.memory_space<hbm>> -> memref<15x128xi32, #tpu.memory_space<hbm>>
      %dma_start3A_76 = arith.constant 0 : i32
      %dma_start3A_77 = arith.constant 0 : i32
      %dma_start3A_78 = tpu.memref_slice %arg3[%run_scoped3A_21, %arg1, %dma_start3A_76, %dma_start3A_77] : memref<4x16x15x128xi32, #tpu.memory_space<hbm>> -> memref<1x1x15x128xi32, #tpu.memory_space<hbm>>
      %dma_start3A_79 = tpu.memref_squeeze %dma_start3A_78 : memref<1x1x15x128xi32, #tpu.memory_space<hbm>> -> memref<15x128xi32, #tpu.memory_space<hbm>>
      tpu.enqueue_dma source(%dma_start3A_79 : memref<15x128xi32, #tpu.memory_space<hbm>>) target(%arg6 : memref<15x128xi32, #tpu.memory_space<vmem>>) target_semaphore(%run_scoped3A_72 : memref<!tpu.dma_semaphore, #tpu.memory_space<semaphore_mem>>)
      %dma_wait3A = arith.constant 0 : i32
      %dma_wait3A_80 = arith.constant 0 : i32
      %dma_wait3A_81 = tpu.memref_slice %arg3[%run_scoped3A_21, %arg1, %dma_wait3A, %dma_wait3A_80] : memref<4x16x15x128xi32, #tpu.memory_space<hbm>> -> memref<1x1x15x128xi32, #tpu.memory_space<hbm>>
      %dma_wait3A_82 = tpu.memref_squeeze %dma_wait3A_81 : memref<1x1x15x128xi32, #tpu.memory_space<hbm>> -> memref<15x128xi32, #tpu.memory_space<hbm>>
      %dma_wait3A_83 = arith.constant 0 : i32
      %dma_wait3A_84 = arith.constant 0 : i32
      %dma_wait3A_85 = tpu.memref_slice %arg3[%run_scoped3A_21, %arg1, %dma_wait3A_83, %dma_wait3A_84] : memref<4x16x15x128xi32, #tpu.memory_space<hbm>> -> memref<1x1x15x128xi32, #tpu.memory_space<hbm>>
      %dma_wait3A_86 = tpu.memref_squeeze %dma_wait3A_85 : memref<1x1x15x128xi32, #tpu.memory_space<hbm>> -> memref<15x128xi32, #tpu.memory_space<hbm>>
      tpu.wait_dma2 semaphore(%run_scoped3A_72 : memref<!tpu.dma_semaphore, #tpu.memory_space<semaphore_mem>>) src(%dma_wait3A_86 : memref<15x128xi32, #tpu.memory_space<hbm>>) dst(%arg6 : memref<15x128xi32, #tpu.memory_space<vmem>>)
      tpu.yield
    }) : () -> ()
    %run_scoped3A_22 = arith.constant 1 : i32
    "tpu.region"() ({
      %run_scoped3A_72 = tpu.sem_alloc : memref<!tpu.dma_semaphore, #tpu.memory_space<semaphore_mem>>
      %dma_start3A = arith.constant 0 : i32
      %dma_start3A_73 = arith.constant 0 : i32
      %dma_start3A_74 = tpu.memref_slice %arg4[%run_scoped3A_22, %arg1, %dma_start3A, %dma_start3A_73] : memref<4x16x15x128xi32, #tpu.memory_space<hbm>> -> memref<1x1x15x128xi32, #tpu.memory_space<hbm>>
      %dma_start3A_75 = tpu.memref_squeeze %dma_start3A_74 : memref<1x1x15x128xi32, #tpu.memory_space<hbm>> -> memref<15x128xi32, #tpu.memory_space<hbm>>
      %dma_start3A_76 = arith.constant 0 : i32
      %dma_start3A_77 = arith.constant 0 : i32
      %dma_start3A_78 = tpu.memref_slice %arg4[%run_scoped3A_22, %arg1, %dma_start3A_76, %dma_start3A_77] : memref<4x16x15x128xi32, #tpu.memory_space<hbm>> -> memref<1x1x15x128xi32, #tpu.memory_space<hbm>>
      %dma_start3A_79 = tpu.memref_squeeze %dma_start3A_78 : memref<1x1x15x128xi32, #tpu.memory_space<hbm>> -> memref<15x128xi32, #tpu.memory_space<hbm>>
      tpu.enqueue_dma source(%dma_start3A_79 : memref<15x128xi32, #tpu.memory_space<hbm>>) target(%arg7 : memref<15x128xi32, #tpu.memory_space<vmem>>) target_semaphore(%run_scoped3A_72 : memref<!tpu.dma_semaphore, #tpu.memory_space<semaphore_mem>>)
      %dma_wait3A = arith.constant 0 : i32
      %dma_wait3A_80 = arith.constant 0 : i32
      %dma_wait3A_81 = tpu.memref_slice %arg4[%run_scoped3A_22, %arg1, %dma_wait3A, %dma_wait3A_80] : memref<4x16x15x128xi32, #tpu.memory_space<hbm>> -> memref<1x1x15x128xi32, #tpu.memory_space<hbm>>
      %dma_wait3A_82 = tpu.memref_squeeze %dma_wait3A_81 : memref<1x1x15x128xi32, #tpu.memory_space<hbm>> -> memref<15x128xi32, #tpu.memory_space<hbm>>
      %dma_wait3A_83 = arith.constant 0 : i32
      %dma_wait3A_84 = arith.constant 0 : i32
      %dma_wait3A_85 = tpu.memref_slice %arg4[%run_scoped3A_22, %arg1, %dma_wait3A_83, %dma_wait3A_84] : memref<4x16x15x128xi32, #tpu.memory_space<hbm>> -> memref<1x1x15x128xi32, #tpu.memory_space<hbm>>
      %dma_wait3A_86 = tpu.memref_squeeze %dma_wait3A_85 : memref<1x1x15x128xi32, #tpu.memory_space<hbm>> -> memref<15x128xi32, #tpu.memory_space<hbm>>
      tpu.wait_dma2 semaphore(%run_scoped3A_72 : memref<!tpu.dma_semaphore, #tpu.memory_space<semaphore_mem>>) src(%dma_wait3A_86 : memref<15x128xi32, #tpu.memory_space<hbm>>) dst(%arg7 : memref<15x128xi32, #tpu.memory_space<vmem>>)
      tpu.yield
    }) : () -> ()
    %mul3A_23 = arith.constant 88 : i32
    %mul3A_24 = arith.muli %add3A, %mul3A_23 : i32
    "tpu.region"() ({
      %run_scoped3A_72 = tpu.sem_alloc : memref<!tpu.dma_semaphore, #tpu.memory_space<semaphore_mem>>
      %dma_start3A = arith.constant 0 : i32
      %dma_start3A_73 = tpu.memref_slice %arg11[%mul3A_24, %dma_start3A] : memref<2816x128xf32, #tpu.memory_space<vmem_shared>> -> memref<88x128xf32, #tpu.memory_space<vmem_shared>>
      %dma_start3A_74 = arith.constant 0 : i32
      %dma_start3A_75 = tpu.memref_slice %arg11[%mul3A_24, %dma_start3A_74] : memref<2816x128xf32, #tpu.memory_space<vmem_shared>> -> memref<88x128xf32, #tpu.memory_space<vmem_shared>>
      tpu.enqueue_dma source(%arg10 : memref<88x128xf32, #tpu.memory_space<vmem>>) target(%dma_start3A_75 : memref<88x128xf32, #tpu.memory_space<vmem_shared>>) target_semaphore(%run_scoped3A_72 : memref<!tpu.dma_semaphore, #tpu.memory_space<semaphore_mem>>)
      %dma_wait3A = arith.constant 0 : i32
      %dma_wait3A_76 = tpu.memref_slice %arg11[%mul3A_24, %dma_wait3A] : memref<2816x128xf32, #tpu.memory_space<vmem_shared>> -> memref<88x128xf32, #tpu.memory_space<vmem_shared>>
      %dma_wait3A_77 = arith.constant 0 : i32
      %dma_wait3A_78 = tpu.memref_slice %arg11[%mul3A_24, %dma_wait3A_77] : memref<2816x128xf32, #tpu.memory_space<vmem_shared>> -> memref<88x128xf32, #tpu.memory_space<vmem_shared>>
      tpu.wait_dma2 semaphore(%run_scoped3A_72 : memref<!tpu.dma_semaphore, #tpu.memory_space<semaphore_mem>>) src(%arg10 : memref<88x128xf32, #tpu.memory_space<vmem>>) dst(%dma_wait3A_78 : memref<88x128xf32, #tpu.memory_space<vmem_shared>>)
      tpu.yield
    }) : () -> ()
    %barrier3A_25 = arith.constant 0 : index
    tpu.barrier barrier_id(%barrier3A_25)
    %scan3A_26 = arith.constant 0 : i32
    %scan3A_27 = arith.constant 15 : i32
    %scan3A_28 = arith.addi %scan3A_26, %scan3A_27 : i32
    %scan3A_29 = arith.constant 1 : i32
    scf.for %scan3A_72 = %scan3A_26 to %scan3A_28 step %scan3A_29  : i32 {
      %dma_start3A = arith.constant 0 : i32
      %dma_start3A_73 = tpu.memref_slice %arg6[%scan3A_72, %dma_start3A] : memref<15x128xi32, #tpu.memory_space<vmem>> -> memref<1x128xi32, #tpu.memory_space<vmem>>
      %dma_start3A_74 = tpu.memref_squeeze %dma_start3A_73 : memref<1x128xi32, #tpu.memory_space<vmem>> -> memref<128xi32, #tpu.memory_space<vmem>>
      %dma_start3A_75 = arith.constant 0 : i32
      %dma_start3A_76 = arith.constant 0 : i32
      %dma_start3A_77 = tpu.memref_slice %arg2[%dma_start3A_75, %dma_start3A_76] : memref<10248x128xf32, #tpu.memory_space<hbm>> -> memref<10248x128xf32, #tpu.memory_space<hbm>>
      tpu.enqueue_indirect_dma source(%dma_start3A_77 : memref<10248x128xf32, #tpu.memory_space<hbm>>) target(%arg8 : memref<128x128xf32, #tpu.memory_space<vmem>>) offsets(%dma_start3A_74 : memref<128xi32, #tpu.memory_space<vmem>>) semaphore(%arg12 : memref<!tpu.dma_semaphore, #tpu.memory_space<semaphore_mem>>)
      %dma_wait3A = arith.constant 0 : i32
      %dma_wait3A_78 = tpu.memref_slice %arg6[%scan3A_72, %dma_wait3A] : memref<15x128xi32, #tpu.memory_space<vmem>> -> memref<1x128xi32, #tpu.memory_space<vmem>>
      %dma_wait3A_79 = tpu.memref_squeeze %dma_wait3A_78 : memref<1x128xi32, #tpu.memory_space<vmem>> -> memref<128xi32, #tpu.memory_space<vmem>>
      %dma_wait3A_80 = arith.constant 0 : i32
      %dma_wait3A_81 = arith.constant 0 : i32
      %dma_wait3A_82 = tpu.memref_slice %arg2[%dma_wait3A_80, %dma_wait3A_81] : memref<10248x128xf32, #tpu.memory_space<hbm>> -> memref<10248x128xf32, #tpu.memory_space<hbm>>
      tpu.wait_indirect_dma semaphore(%arg12 : memref<!tpu.dma_semaphore, #tpu.memory_space<semaphore_mem>>) src(%dma_wait3A_82 : memref<10248x128xf32, #tpu.memory_space<hbm>>) dst(%arg8 : memref<128x128xf32, #tpu.memory_space<vmem>>)
      "tpu.region"() ({
        %run_scoped3A_83 = tpu.sem_alloc : memref<!tpu.dma_semaphore, #tpu.memory_space<semaphore_mem>>
        %dma_start3A_84 = arith.constant 0 : i32
        %dma_start3A_85 = tpu.memref_slice %arg7[%scan3A_72, %dma_start3A_84] : memref<15x128xi32, #tpu.memory_space<vmem>> -> memref<1x128xi32, #tpu.memory_space<vmem>>
        %dma_start3A_86 = tpu.memref_squeeze %dma_start3A_85 : memref<1x128xi32, #tpu.memory_space<vmem>> -> memref<128xi32, #tpu.memory_space<vmem>>
        %dma_start3A_87 = arith.constant 0 : i32
        %dma_start3A_88 = arith.constant 0 : i32
        %dma_start3A_89 = tpu.memref_slice %arg11[%dma_start3A_87, %dma_start3A_88] : memref<2816x128xf32, #tpu.memory_space<vmem_shared>> -> memref<2816x128xf32, #tpu.memory_space<vmem_shared>>
        tpu.enqueue_indirect_dma source(%arg8 : memref<128x128xf32, #tpu.memory_space<vmem>>) target(%dma_start3A_89 : memref<2816x128xf32, #tpu.memory_space<vmem_shared>>) offsets(%dma_start3A_86 : memref<128xi32, #tpu.memory_space<vmem>>) semaphore(%run_scoped3A_83 : memref<!tpu.dma_semaphore, #tpu.memory_space<semaphore_mem>>) {add = true}
        %dma_wait3A_90 = arith.constant 0 : i32
        %dma_wait3A_91 = tpu.memref_slice %arg7[%scan3A_72, %dma_wait3A_90] : memref<15x128xi32, #tpu.memory_space<vmem>> -> memref<1x128xi32, #tpu.memory_space<vmem>>
        %dma_wait3A_92 = tpu.memref_squeeze %dma_wait3A_91 : memref<1x128xi32, #tpu.memory_space<vmem>> -> memref<128xi32, #tpu.memory_space<vmem>>
        %dma_wait3A_93 = arith.constant 0 : i32
        %dma_wait3A_94 = arith.constant 0 : i32
        %dma_wait3A_95 = tpu.memref_slice %arg11[%dma_wait3A_93, %dma_wait3A_94] : memref<2816x128xf32, #tpu.memory_space<vmem_shared>> -> memref<2816x128xf32, #tpu.memory_space<vmem_shared>>
        tpu.wait_indirect_dma semaphore(%run_scoped3A_83 : memref<!tpu.dma_semaphore, #tpu.memory_space<semaphore_mem>>) src(%arg8 : memref<128x128xf32, #tpu.memory_space<vmem>>) dst(%dma_wait3A_95 : memref<2816x128xf32, #tpu.memory_space<vmem_shared>>)
        tpu.yield
      }) : () -> ()
    }
    %scan3A_30 = arith.constant 15 : i32
    %barrier3A_31 = arith.constant 0 : index
    tpu.barrier barrier_id(%barrier3A_31)
    %mul3A_32 = arith.constant 88 : i32
    %mul3A_33 = arith.muli %add3A, %mul3A_32 : i32
    "tpu.region"() ({
      %run_scoped3A_72 = tpu.sem_alloc : memref<!tpu.dma_semaphore, #tpu.memory_space<semaphore_mem>>
      %dma_start3A = arith.constant 0 : i32
      %dma_start3A_73 = tpu.memref_slice %arg11[%mul3A_33, %dma_start3A] : memref<2816x128xf32, #tpu.memory_space<vmem_shared>> -> memref<88x128xf32, #tpu.memory_space<vmem_shared>>
      %dma_start3A_74 = arith.constant 0 : i32
      %dma_start3A_75 = tpu.memref_slice %arg11[%mul3A_33, %dma_start3A_74] : memref<2816x128xf32, #tpu.memory_space<vmem_shared>> -> memref<88x128xf32, #tpu.memory_space<vmem_shared>>
      tpu.enqueue_dma source(%dma_start3A_75 : memref<88x128xf32, #tpu.memory_space<vmem_shared>>) target(%arg9 : memref<88x128xf32, #tpu.memory_space<vmem>>) target_semaphore(%run_scoped3A_72 : memref<!tpu.dma_semaphore, #tpu.memory_space<semaphore_mem>>)
      %dma_wait3A = arith.constant 0 : i32
      %dma_wait3A_76 = tpu.memref_slice %arg11[%mul3A_33, %dma_wait3A] : memref<2816x128xf32, #tpu.memory_space<vmem_shared>> -> memref<88x128xf32, #tpu.memory_space<vmem_shared>>
      %dma_wait3A_77 = arith.constant 0 : i32
      %dma_wait3A_78 = tpu.memref_slice %arg11[%mul3A_33, %dma_wait3A_77] : memref<2816x128xf32, #tpu.memory_space<vmem_shared>> -> memref<88x128xf32, #tpu.memory_space<vmem_shared>>
      tpu.wait_dma2 semaphore(%run_scoped3A_72 : memref<!tpu.dma_semaphore, #tpu.memory_space<semaphore_mem>>) src(%dma_wait3A_78 : memref<88x128xf32, #tpu.memory_space<vmem_shared>>) dst(%arg9 : memref<88x128xf32, #tpu.memory_space<vmem>>)
      tpu.yield
    }) : () -> ()
    %mul3A_34 = arith.constant 88 : i32
    %mul3A_35 = arith.muli %add3A, %mul3A_34 : i32
    %run_scoped3A_36 = arith.constant 1 : i32
    "tpu.region"() ({
      %run_scoped3A_72 = tpu.sem_alloc : memref<!tpu.dma_semaphore, #tpu.memory_space<semaphore_mem>>
      %dma_start3A = arith.constant 0 : i32
      %dma_start3A_73 = tpu.memref_slice %arg5[%run_scoped3A_36, %mul3A_35, %dma_start3A] : memref<4x2816x128xf32, #tpu.memory_space<hbm>> -> memref<1x88x128xf32, #tpu.memory_space<hbm>>
      %dma_start3A_74 = tpu.memref_squeeze %dma_start3A_73 : memref<1x88x128xf32, #tpu.memory_space<hbm>> -> memref<88x128xf32, #tpu.memory_space<hbm>>
      %dma_start3A_75 = arith.constant 0 : i32
      %dma_start3A_76 = tpu.memref_slice %arg5[%run_scoped3A_36, %mul3A_35, %dma_start3A_75] : memref<4x2816x128xf32, #tpu.memory_space<hbm>> -> memref<1x88x128xf32, #tpu.memory_space<hbm>>
      %dma_start3A_77 = tpu.memref_squeeze %dma_start3A_76 : memref<1x88x128xf32, #tpu.memory_space<hbm>> -> memref<88x128xf32, #tpu.memory_space<hbm>>
      tpu.enqueue_dma source(%arg9 : memref<88x128xf32, #tpu.memory_space<vmem>>) target(%dma_start3A_77 : memref<88x128xf32, #tpu.memory_space<hbm>>) target_semaphore(%run_scoped3A_72 : memref<!tpu.dma_semaphore, #tpu.memory_space<semaphore_mem>>)
      %dma_wait3A = arith.constant 0 : i32
      %dma_wait3A_78 = tpu.memref_slice %arg5[%run_scoped3A_36, %mul3A_35, %dma_wait3A] : memref<4x2816x128xf32, #tpu.memory_space<hbm>> -> memref<1x88x128xf32, #tpu.memory_space<hbm>>
      %dma_wait3A_79 = tpu.memref_squeeze %dma_wait3A_78 : memref<1x88x128xf32, #tpu.memory_space<hbm>> -> memref<88x128xf32, #tpu.memory_space<hbm>>
      %dma_wait3A_80 = arith.constant 0 : i32
      %dma_wait3A_81 = tpu.memref_slice %arg5[%run_scoped3A_36, %mul3A_35, %dma_wait3A_80] : memref<4x2816x128xf32, #tpu.memory_space<hbm>> -> memref<1x88x128xf32, #tpu.memory_space<hbm>>
      %dma_wait3A_82 = tpu.memref_squeeze %dma_wait3A_81 : memref<1x88x128xf32, #tpu.memory_space<hbm>> -> memref<88x128xf32, #tpu.memory_space<hbm>>
      tpu.wait_dma2 semaphore(%run_scoped3A_72 : memref<!tpu.dma_semaphore, #tpu.memory_space<semaphore_mem>>) src(%arg9 : memref<88x128xf32, #tpu.memory_space<vmem>>) dst(%dma_wait3A_82 : memref<88x128xf32, #tpu.memory_space<hbm>>)
      tpu.yield
    }) : () -> ()
    %barrier3A_37 = arith.constant 0 : index
    tpu.barrier barrier_id(%barrier3A_37)
    %run_scoped3A_38 = arith.constant 2 : i32
    "tpu.region"() ({
      %run_scoped3A_72 = tpu.sem_alloc : memref<!tpu.dma_semaphore, #tpu.memory_space<semaphore_mem>>
      %dma_start3A = arith.constant 0 : i32
      %dma_start3A_73 = arith.constant 0 : i32
      %dma_start3A_74 = tpu.memref_slice %arg3[%run_scoped3A_38, %arg1, %dma_start3A, %dma_start3A_73] : memref<4x16x15x128xi32, #tpu.memory_space<hbm>> -> memref<1x1x15x128xi32, #tpu.memory_space<hbm>>
      %dma_start3A_75 = tpu.memref_squeeze %dma_start3A_74 : memref<1x1x15x128xi32, #tpu.memory_space<hbm>> -> memref<15x128xi32, #tpu.memory_space<hbm>>
      %dma_start3A_76 = arith.constant 0 : i32
      %dma_start3A_77 = arith.constant 0 : i32
      %dma_start3A_78 = tpu.memref_slice %arg3[%run_scoped3A_38, %arg1, %dma_start3A_76, %dma_start3A_77] : memref<4x16x15x128xi32, #tpu.memory_space<hbm>> -> memref<1x1x15x128xi32, #tpu.memory_space<hbm>>
      %dma_start3A_79 = tpu.memref_squeeze %dma_start3A_78 : memref<1x1x15x128xi32, #tpu.memory_space<hbm>> -> memref<15x128xi32, #tpu.memory_space<hbm>>
      tpu.enqueue_dma source(%dma_start3A_79 : memref<15x128xi32, #tpu.memory_space<hbm>>) target(%arg6 : memref<15x128xi32, #tpu.memory_space<vmem>>) target_semaphore(%run_scoped3A_72 : memref<!tpu.dma_semaphore, #tpu.memory_space<semaphore_mem>>)
      %dma_wait3A = arith.constant 0 : i32
      %dma_wait3A_80 = arith.constant 0 : i32
      %dma_wait3A_81 = tpu.memref_slice %arg3[%run_scoped3A_38, %arg1, %dma_wait3A, %dma_wait3A_80] : memref<4x16x15x128xi32, #tpu.memory_space<hbm>> -> memref<1x1x15x128xi32, #tpu.memory_space<hbm>>
      %dma_wait3A_82 = tpu.memref_squeeze %dma_wait3A_81 : memref<1x1x15x128xi32, #tpu.memory_space<hbm>> -> memref<15x128xi32, #tpu.memory_space<hbm>>
      %dma_wait3A_83 = arith.constant 0 : i32
      %dma_wait3A_84 = arith.constant 0 : i32
      %dma_wait3A_85 = tpu.memref_slice %arg3[%run_scoped3A_38, %arg1, %dma_wait3A_83, %dma_wait3A_84] : memref<4x16x15x128xi32, #tpu.memory_space<hbm>> -> memref<1x1x15x128xi32, #tpu.memory_space<hbm>>
      %dma_wait3A_86 = tpu.memref_squeeze %dma_wait3A_85 : memref<1x1x15x128xi32, #tpu.memory_space<hbm>> -> memref<15x128xi32, #tpu.memory_space<hbm>>
      tpu.wait_dma2 semaphore(%run_scoped3A_72 : memref<!tpu.dma_semaphore, #tpu.memory_space<semaphore_mem>>) src(%dma_wait3A_86 : memref<15x128xi32, #tpu.memory_space<hbm>>) dst(%arg6 : memref<15x128xi32, #tpu.memory_space<vmem>>)
      tpu.yield
    }) : () -> ()
    %run_scoped3A_39 = arith.constant 2 : i32
    "tpu.region"() ({
      %run_scoped3A_72 = tpu.sem_alloc : memref<!tpu.dma_semaphore, #tpu.memory_space<semaphore_mem>>
      %dma_start3A = arith.constant 0 : i32
      %dma_start3A_73 = arith.constant 0 : i32
      %dma_start3A_74 = tpu.memref_slice %arg4[%run_scoped3A_39, %arg1, %dma_start3A, %dma_start3A_73] : memref<4x16x15x128xi32, #tpu.memory_space<hbm>> -> memref<1x1x15x128xi32, #tpu.memory_space<hbm>>
      %dma_start3A_75 = tpu.memref_squeeze %dma_start3A_74 : memref<1x1x15x128xi32, #tpu.memory_space<hbm>> -> memref<15x128xi32, #tpu.memory_space<hbm>>
      %dma_start3A_76 = arith.constant 0 : i32
      %dma_start3A_77 = arith.constant 0 : i32
      %dma_start3A_78 = tpu.memref_slice %arg4[%run_scoped3A_39, %arg1, %dma_start3A_76, %dma_start3A_77] : memref<4x16x15x128xi32, #tpu.memory_space<hbm>> -> memref<1x1x15x128xi32, #tpu.memory_space<hbm>>
      %dma_start3A_79 = tpu.memref_squeeze %dma_start3A_78 : memref<1x1x15x128xi32, #tpu.memory_space<hbm>> -> memref<15x128xi32, #tpu.memory_space<hbm>>
      tpu.enqueue_dma source(%dma_start3A_79 : memref<15x128xi32, #tpu.memory_space<hbm>>) target(%arg7 : memref<15x128xi32, #tpu.memory_space<vmem>>) target_semaphore(%run_scoped3A_72 : memref<!tpu.dma_semaphore, #tpu.memory_space<semaphore_mem>>)
      %dma_wait3A = arith.constant 0 : i32
      %dma_wait3A_80 = arith.constant 0 : i32
      %dma_wait3A_81 = tpu.memref_slice %arg4[%run_scoped3A_39, %arg1, %dma_wait3A, %dma_wait3A_80] : memref<4x16x15x128xi32, #tpu.memory_space<hbm>> -> memref<1x1x15x128xi32, #tpu.memory_space<hbm>>
      %dma_wait3A_82 = tpu.memref_squeeze %dma_wait3A_81 : memref<1x1x15x128xi32, #tpu.memory_space<hbm>> -> memref<15x128xi32, #tpu.memory_space<hbm>>
      %dma_wait3A_83 = arith.constant 0 : i32
      %dma_wait3A_84 = arith.constant 0 : i32
      %dma_wait3A_85 = tpu.memref_slice %arg4[%run_scoped3A_39, %arg1, %dma_wait3A_83, %dma_wait3A_84] : memref<4x16x15x128xi32, #tpu.memory_space<hbm>> -> memref<1x1x15x128xi32, #tpu.memory_space<hbm>>
      %dma_wait3A_86 = tpu.memref_squeeze %dma_wait3A_85 : memref<1x1x15x128xi32, #tpu.memory_space<hbm>> -> memref<15x128xi32, #tpu.memory_space<hbm>>
      tpu.wait_dma2 semaphore(%run_scoped3A_72 : memref<!tpu.dma_semaphore, #tpu.memory_space<semaphore_mem>>) src(%dma_wait3A_86 : memref<15x128xi32, #tpu.memory_space<hbm>>) dst(%arg7 : memref<15x128xi32, #tpu.memory_space<vmem>>)
      tpu.yield
    }) : () -> ()
    %mul3A_40 = arith.constant 88 : i32
    %mul3A_41 = arith.muli %add3A, %mul3A_40 : i32
    "tpu.region"() ({
      %run_scoped3A_72 = tpu.sem_alloc : memref<!tpu.dma_semaphore, #tpu.memory_space<semaphore_mem>>
      %dma_start3A = arith.constant 0 : i32
      %dma_start3A_73 = tpu.memref_slice %arg11[%mul3A_41, %dma_start3A] : memref<2816x128xf32, #tpu.memory_space<vmem_shared>> -> memref<88x128xf32, #tpu.memory_space<vmem_shared>>
      %dma_start3A_74 = arith.constant 0 : i32
      %dma_start3A_75 = tpu.memref_slice %arg11[%mul3A_41, %dma_start3A_74] : memref<2816x128xf32, #tpu.memory_space<vmem_shared>> -> memref<88x128xf32, #tpu.memory_space<vmem_shared>>
      tpu.enqueue_dma source(%arg10 : memref<88x128xf32, #tpu.memory_space<vmem>>) target(%dma_start3A_75 : memref<88x128xf32, #tpu.memory_space<vmem_shared>>) target_semaphore(%run_scoped3A_72 : memref<!tpu.dma_semaphore, #tpu.memory_space<semaphore_mem>>)
      %dma_wait3A = arith.constant 0 : i32
      %dma_wait3A_76 = tpu.memref_slice %arg11[%mul3A_41, %dma_wait3A] : memref<2816x128xf32, #tpu.memory_space<vmem_shared>> -> memref<88x128xf32, #tpu.memory_space<vmem_shared>>
      %dma_wait3A_77 = arith.constant 0 : i32
      %dma_wait3A_78 = tpu.memref_slice %arg11[%mul3A_41, %dma_wait3A_77] : memref<2816x128xf32, #tpu.memory_space<vmem_shared>> -> memref<88x128xf32, #tpu.memory_space<vmem_shared>>
      tpu.wait_dma2 semaphore(%run_scoped3A_72 : memref<!tpu.dma_semaphore, #tpu.memory_space<semaphore_mem>>) src(%arg10 : memref<88x128xf32, #tpu.memory_space<vmem>>) dst(%dma_wait3A_78 : memref<88x128xf32, #tpu.memory_space<vmem_shared>>)
      tpu.yield
    }) : () -> ()
    %barrier3A_42 = arith.constant 0 : index
    tpu.barrier barrier_id(%barrier3A_42)
    %scan3A_43 = arith.constant 0 : i32
    %scan3A_44 = arith.constant 15 : i32
    %scan3A_45 = arith.addi %scan3A_43, %scan3A_44 : i32
    %scan3A_46 = arith.constant 1 : i32
    scf.for %scan3A_72 = %scan3A_43 to %scan3A_45 step %scan3A_46  : i32 {
      %dma_start3A = arith.constant 0 : i32
      %dma_start3A_73 = tpu.memref_slice %arg6[%scan3A_72, %dma_start3A] : memref<15x128xi32, #tpu.memory_space<vmem>> -> memref<1x128xi32, #tpu.memory_space<vmem>>
      %dma_start3A_74 = tpu.memref_squeeze %dma_start3A_73 : memref<1x128xi32, #tpu.memory_space<vmem>> -> memref<128xi32, #tpu.memory_space<vmem>>
      %dma_start3A_75 = arith.constant 0 : i32
      %dma_start3A_76 = arith.constant 0 : i32
      %dma_start3A_77 = tpu.memref_slice %arg2[%dma_start3A_75, %dma_start3A_76] : memref<10248x128xf32, #tpu.memory_space<hbm>> -> memref<10248x128xf32, #tpu.memory_space<hbm>>
      tpu.enqueue_indirect_dma source(%dma_start3A_77 : memref<10248x128xf32, #tpu.memory_space<hbm>>) target(%arg8 : memref<128x128xf32, #tpu.memory_space<vmem>>) offsets(%dma_start3A_74 : memref<128xi32, #tpu.memory_space<vmem>>) semaphore(%arg12 : memref<!tpu.dma_semaphore, #tpu.memory_space<semaphore_mem>>)
      %dma_wait3A = arith.constant 0 : i32
      %dma_wait3A_78 = tpu.memref_slice %arg6[%scan3A_72, %dma_wait3A] : memref<15x128xi32, #tpu.memory_space<vmem>> -> memref<1x128xi32, #tpu.memory_space<vmem>>
      %dma_wait3A_79 = tpu.memref_squeeze %dma_wait3A_78 : memref<1x128xi32, #tpu.memory_space<vmem>> -> memref<128xi32, #tpu.memory_space<vmem>>
      %dma_wait3A_80 = arith.constant 0 : i32
      %dma_wait3A_81 = arith.constant 0 : i32
      %dma_wait3A_82 = tpu.memref_slice %arg2[%dma_wait3A_80, %dma_wait3A_81] : memref<10248x128xf32, #tpu.memory_space<hbm>> -> memref<10248x128xf32, #tpu.memory_space<hbm>>
      tpu.wait_indirect_dma semaphore(%arg12 : memref<!tpu.dma_semaphore, #tpu.memory_space<semaphore_mem>>) src(%dma_wait3A_82 : memref<10248x128xf32, #tpu.memory_space<hbm>>) dst(%arg8 : memref<128x128xf32, #tpu.memory_space<vmem>>)
      "tpu.region"() ({
        %run_scoped3A_83 = tpu.sem_alloc : memref<!tpu.dma_semaphore, #tpu.memory_space<semaphore_mem>>
        %dma_start3A_84 = arith.constant 0 : i32
        %dma_start3A_85 = tpu.memref_slice %arg7[%scan3A_72, %dma_start3A_84] : memref<15x128xi32, #tpu.memory_space<vmem>> -> memref<1x128xi32, #tpu.memory_space<vmem>>
        %dma_start3A_86 = tpu.memref_squeeze %dma_start3A_85 : memref<1x128xi32, #tpu.memory_space<vmem>> -> memref<128xi32, #tpu.memory_space<vmem>>
        %dma_start3A_87 = arith.constant 0 : i32
        %dma_start3A_88 = arith.constant 0 : i32
        %dma_start3A_89 = tpu.memref_slice %arg11[%dma_start3A_87, %dma_start3A_88] : memref<2816x128xf32, #tpu.memory_space<vmem_shared>> -> memref<2816x128xf32, #tpu.memory_space<vmem_shared>>
        tpu.enqueue_indirect_dma source(%arg8 : memref<128x128xf32, #tpu.memory_space<vmem>>) target(%dma_start3A_89 : memref<2816x128xf32, #tpu.memory_space<vmem_shared>>) offsets(%dma_start3A_86 : memref<128xi32, #tpu.memory_space<vmem>>) semaphore(%run_scoped3A_83 : memref<!tpu.dma_semaphore, #tpu.memory_space<semaphore_mem>>) {add = true}
        %dma_wait3A_90 = arith.constant 0 : i32
        %dma_wait3A_91 = tpu.memref_slice %arg7[%scan3A_72, %dma_wait3A_90] : memref<15x128xi32, #tpu.memory_space<vmem>> -> memref<1x128xi32, #tpu.memory_space<vmem>>
        %dma_wait3A_92 = tpu.memref_squeeze %dma_wait3A_91 : memref<1x128xi32, #tpu.memory_space<vmem>> -> memref<128xi32, #tpu.memory_space<vmem>>
        %dma_wait3A_93 = arith.constant 0 : i32
        %dma_wait3A_94 = arith.constant 0 : i32
        %dma_wait3A_95 = tpu.memref_slice %arg11[%dma_wait3A_93, %dma_wait3A_94] : memref<2816x128xf32, #tpu.memory_space<vmem_shared>> -> memref<2816x128xf32, #tpu.memory_space<vmem_shared>>
        tpu.wait_indirect_dma semaphore(%run_scoped3A_83 : memref<!tpu.dma_semaphore, #tpu.memory_space<semaphore_mem>>) src(%arg8 : memref<128x128xf32, #tpu.memory_space<vmem>>) dst(%dma_wait3A_95 : memref<2816x128xf32, #tpu.memory_space<vmem_shared>>)
        tpu.yield
      }) : () -> ()
    }
    %scan3A_47 = arith.constant 15 : i32
    %barrier3A_48 = arith.constant 0 : index
    tpu.barrier barrier_id(%barrier3A_48)
    %mul3A_49 = arith.constant 88 : i32
    %mul3A_50 = arith.muli %add3A, %mul3A_49 : i32
    "tpu.region"() ({
      %run_scoped3A_72 = tpu.sem_alloc : memref<!tpu.dma_semaphore, #tpu.memory_space<semaphore_mem>>
      %dma_start3A = arith.constant 0 : i32
      %dma_start3A_73 = tpu.memref_slice %arg11[%mul3A_50, %dma_start3A] : memref<2816x128xf32, #tpu.memory_space<vmem_shared>> -> memref<88x128xf32, #tpu.memory_space<vmem_shared>>
      %dma_start3A_74 = arith.constant 0 : i32
      %dma_start3A_75 = tpu.memref_slice %arg11[%mul3A_50, %dma_start3A_74] : memref<2816x128xf32, #tpu.memory_space<vmem_shared>> -> memref<88x128xf32, #tpu.memory_space<vmem_shared>>
      tpu.enqueue_dma source(%dma_start3A_75 : memref<88x128xf32, #tpu.memory_space<vmem_shared>>) target(%arg9 : memref<88x128xf32, #tpu.memory_space<vmem>>) target_semaphore(%run_scoped3A_72 : memref<!tpu.dma_semaphore, #tpu.memory_space<semaphore_mem>>)
      %dma_wait3A = arith.constant 0 : i32
      %dma_wait3A_76 = tpu.memref_slice %arg11[%mul3A_50, %dma_wait3A] : memref<2816x128xf32, #tpu.memory_space<vmem_shared>> -> memref<88x128xf32, #tpu.memory_space<vmem_shared>>
      %dma_wait3A_77 = arith.constant 0 : i32
      %dma_wait3A_78 = tpu.memref_slice %arg11[%mul3A_50, %dma_wait3A_77] : memref<2816x128xf32, #tpu.memory_space<vmem_shared>> -> memref<88x128xf32, #tpu.memory_space<vmem_shared>>
      tpu.wait_dma2 semaphore(%run_scoped3A_72 : memref<!tpu.dma_semaphore, #tpu.memory_space<semaphore_mem>>) src(%dma_wait3A_78 : memref<88x128xf32, #tpu.memory_space<vmem_shared>>) dst(%arg9 : memref<88x128xf32, #tpu.memory_space<vmem>>)
      tpu.yield
    }) : () -> ()
    %mul3A_51 = arith.constant 88 : i32
    %mul3A_52 = arith.muli %add3A, %mul3A_51 : i32
    %run_scoped3A_53 = arith.constant 2 : i32
    "tpu.region"() ({
      %run_scoped3A_72 = tpu.sem_alloc : memref<!tpu.dma_semaphore, #tpu.memory_space<semaphore_mem>>
      %dma_start3A = arith.constant 0 : i32
      %dma_start3A_73 = tpu.memref_slice %arg5[%run_scoped3A_53, %mul3A_52, %dma_start3A] : memref<4x2816x128xf32, #tpu.memory_space<hbm>> -> memref<1x88x128xf32, #tpu.memory_space<hbm>>
      %dma_start3A_74 = tpu.memref_squeeze %dma_start3A_73 : memref<1x88x128xf32, #tpu.memory_space<hbm>> -> memref<88x128xf32, #tpu.memory_space<hbm>>
      %dma_start3A_75 = arith.constant 0 : i32
      %dma_start3A_76 = tpu.memref_slice %arg5[%run_scoped3A_53, %mul3A_52, %dma_start3A_75] : memref<4x2816x128xf32, #tpu.memory_space<hbm>> -> memref<1x88x128xf32, #tpu.memory_space<hbm>>
      %dma_start3A_77 = tpu.memref_squeeze %dma_start3A_76 : memref<1x88x128xf32, #tpu.memory_space<hbm>> -> memref<88x128xf32, #tpu.memory_space<hbm>>
      tpu.enqueue_dma source(%arg9 : memref<88x128xf32, #tpu.memory_space<vmem>>) target(%dma_start3A_77 : memref<88x128xf32, #tpu.memory_space<hbm>>) target_semaphore(%run_scoped3A_72 : memref<!tpu.dma_semaphore, #tpu.memory_space<semaphore_mem>>)
      %dma_wait3A = arith.constant 0 : i32
      %dma_wait3A_78 = tpu.memref_slice %arg5[%run_scoped3A_53, %mul3A_52, %dma_wait3A] : memref<4x2816x128xf32, #tpu.memory_space<hbm>> -> memref<1x88x128xf32, #tpu.memory_space<hbm>>
      %dma_wait3A_79 = tpu.memref_squeeze %dma_wait3A_78 : memref<1x88x128xf32, #tpu.memory_space<hbm>> -> memref<88x128xf32, #tpu.memory_space<hbm>>
      %dma_wait3A_80 = arith.constant 0 : i32
      %dma_wait3A_81 = tpu.memref_slice %arg5[%run_scoped3A_53, %mul3A_52, %dma_wait3A_80] : memref<4x2816x128xf32, #tpu.memory_space<hbm>> -> memref<1x88x128xf32, #tpu.memory_space<hbm>>
      %dma_wait3A_82 = tpu.memref_squeeze %dma_wait3A_81 : memref<1x88x128xf32, #tpu.memory_space<hbm>> -> memref<88x128xf32, #tpu.memory_space<hbm>>
      tpu.wait_dma2 semaphore(%run_scoped3A_72 : memref<!tpu.dma_semaphore, #tpu.memory_space<semaphore_mem>>) src(%arg9 : memref<88x128xf32, #tpu.memory_space<vmem>>) dst(%dma_wait3A_82 : memref<88x128xf32, #tpu.memory_space<hbm>>)
      tpu.yield
    }) : () -> ()
    %barrier3A_54 = arith.constant 0 : index
    tpu.barrier barrier_id(%barrier3A_54)
    %run_scoped3A_55 = arith.constant 3 : i32
    "tpu.region"() ({
      %run_scoped3A_72 = tpu.sem_alloc : memref<!tpu.dma_semaphore, #tpu.memory_space<semaphore_mem>>
      %dma_start3A = arith.constant 0 : i32
      %dma_start3A_73 = arith.constant 0 : i32
      %dma_start3A_74 = tpu.memref_slice %arg3[%run_scoped3A_55, %arg1, %dma_start3A, %dma_start3A_73] : memref<4x16x15x128xi32, #tpu.memory_space<hbm>> -> memref<1x1x15x128xi32, #tpu.memory_space<hbm>>
      %dma_start3A_75 = tpu.memref_squeeze %dma_start3A_74 : memref<1x1x15x128xi32, #tpu.memory_space<hbm>> -> memref<15x128xi32, #tpu.memory_space<hbm>>
      %dma_start3A_76 = arith.constant 0 : i32
      %dma_start3A_77 = arith.constant 0 : i32
      %dma_start3A_78 = tpu.memref_slice %arg3[%run_scoped3A_55, %arg1, %dma_start3A_76, %dma_start3A_77] : memref<4x16x15x128xi32, #tpu.memory_space<hbm>> -> memref<1x1x15x128xi32, #tpu.memory_space<hbm>>
      %dma_start3A_79 = tpu.memref_squeeze %dma_start3A_78 : memref<1x1x15x128xi32, #tpu.memory_space<hbm>> -> memref<15x128xi32, #tpu.memory_space<hbm>>
      tpu.enqueue_dma source(%dma_start3A_79 : memref<15x128xi32, #tpu.memory_space<hbm>>) target(%arg6 : memref<15x128xi32, #tpu.memory_space<vmem>>) target_semaphore(%run_scoped3A_72 : memref<!tpu.dma_semaphore, #tpu.memory_space<semaphore_mem>>)
      %dma_wait3A = arith.constant 0 : i32
      %dma_wait3A_80 = arith.constant 0 : i32
      %dma_wait3A_81 = tpu.memref_slice %arg3[%run_scoped3A_55, %arg1, %dma_wait3A, %dma_wait3A_80] : memref<4x16x15x128xi32, #tpu.memory_space<hbm>> -> memref<1x1x15x128xi32, #tpu.memory_space<hbm>>
      %dma_wait3A_82 = tpu.memref_squeeze %dma_wait3A_81 : memref<1x1x15x128xi32, #tpu.memory_space<hbm>> -> memref<15x128xi32, #tpu.memory_space<hbm>>
      %dma_wait3A_83 = arith.constant 0 : i32
      %dma_wait3A_84 = arith.constant 0 : i32
      %dma_wait3A_85 = tpu.memref_slice %arg3[%run_scoped3A_55, %arg1, %dma_wait3A_83, %dma_wait3A_84] : memref<4x16x15x128xi32, #tpu.memory_space<hbm>> -> memref<1x1x15x128xi32, #tpu.memory_space<hbm>>
      %dma_wait3A_86 = tpu.memref_squeeze %dma_wait3A_85 : memref<1x1x15x128xi32, #tpu.memory_space<hbm>> -> memref<15x128xi32, #tpu.memory_space<hbm>>
      tpu.wait_dma2 semaphore(%run_scoped3A_72 : memref<!tpu.dma_semaphore, #tpu.memory_space<semaphore_mem>>) src(%dma_wait3A_86 : memref<15x128xi32, #tpu.memory_space<hbm>>) dst(%arg6 : memref<15x128xi32, #tpu.memory_space<vmem>>)
      tpu.yield
    }) : () -> ()
    %run_scoped3A_56 = arith.constant 3 : i32
    "tpu.region"() ({
      %run_scoped3A_72 = tpu.sem_alloc : memref<!tpu.dma_semaphore, #tpu.memory_space<semaphore_mem>>
      %dma_start3A = arith.constant 0 : i32
      %dma_start3A_73 = arith.constant 0 : i32
      %dma_start3A_74 = tpu.memref_slice %arg4[%run_scoped3A_56, %arg1, %dma_start3A, %dma_start3A_73] : memref<4x16x15x128xi32, #tpu.memory_space<hbm>> -> memref<1x1x15x128xi32, #tpu.memory_space<hbm>>
      %dma_start3A_75 = tpu.memref_squeeze %dma_start3A_74 : memref<1x1x15x128xi32, #tpu.memory_space<hbm>> -> memref<15x128xi32, #tpu.memory_space<hbm>>
      %dma_start3A_76 = arith.constant 0 : i32
      %dma_start3A_77 = arith.constant 0 : i32
      %dma_start3A_78 = tpu.memref_slice %arg4[%run_scoped3A_56, %arg1, %dma_start3A_76, %dma_start3A_77] : memref<4x16x15x128xi32, #tpu.memory_space<hbm>> -> memref<1x1x15x128xi32, #tpu.memory_space<hbm>>
      %dma_start3A_79 = tpu.memref_squeeze %dma_start3A_78 : memref<1x1x15x128xi32, #tpu.memory_space<hbm>> -> memref<15x128xi32, #tpu.memory_space<hbm>>
      tpu.enqueue_dma source(%dma_start3A_79 : memref<15x128xi32, #tpu.memory_space<hbm>>) target(%arg7 : memref<15x128xi32, #tpu.memory_space<vmem>>) target_semaphore(%run_scoped3A_72 : memref<!tpu.dma_semaphore, #tpu.memory_space<semaphore_mem>>)
      %dma_wait3A = arith.constant 0 : i32
      %dma_wait3A_80 = arith.constant 0 : i32
      %dma_wait3A_81 = tpu.memref_slice %arg4[%run_scoped3A_56, %arg1, %dma_wait3A, %dma_wait3A_80] : memref<4x16x15x128xi32, #tpu.memory_space<hbm>> -> memref<1x1x15x128xi32, #tpu.memory_space<hbm>>
      %dma_wait3A_82 = tpu.memref_squeeze %dma_wait3A_81 : memref<1x1x15x128xi32, #tpu.memory_space<hbm>> -> memref<15x128xi32, #tpu.memory_space<hbm>>
      %dma_wait3A_83 = arith.constant 0 : i32
      %dma_wait3A_84 = arith.constant 0 : i32
      %dma_wait3A_85 = tpu.memref_slice %arg4[%run_scoped3A_56, %arg1, %dma_wait3A_83, %dma_wait3A_84] : memref<4x16x15x128xi32, #tpu.memory_space<hbm>> -> memref<1x1x15x128xi32, #tpu.memory_space<hbm>>
      %dma_wait3A_86 = tpu.memref_squeeze %dma_wait3A_85 : memref<1x1x15x128xi32, #tpu.memory_space<hbm>> -> memref<15x128xi32, #tpu.memory_space<hbm>>
      tpu.wait_dma2 semaphore(%run_scoped3A_72 : memref<!tpu.dma_semaphore, #tpu.memory_space<semaphore_mem>>) src(%dma_wait3A_86 : memref<15x128xi32, #tpu.memory_space<hbm>>) dst(%arg7 : memref<15x128xi32, #tpu.memory_space<vmem>>)
      tpu.yield
    }) : () -> ()
    %mul3A_57 = arith.constant 88 : i32
    %mul3A_58 = arith.muli %add3A, %mul3A_57 : i32
    "tpu.region"() ({
      %run_scoped3A_72 = tpu.sem_alloc : memref<!tpu.dma_semaphore, #tpu.memory_space<semaphore_mem>>
      %dma_start3A = arith.constant 0 : i32
      %dma_start3A_73 = tpu.memref_slice %arg11[%mul3A_58, %dma_start3A] : memref<2816x128xf32, #tpu.memory_space<vmem_shared>> -> memref<88x128xf32, #tpu.memory_space<vmem_shared>>
      %dma_start3A_74 = arith.constant 0 : i32
      %dma_start3A_75 = tpu.memref_slice %arg11[%mul3A_58, %dma_start3A_74] : memref<2816x128xf32, #tpu.memory_space<vmem_shared>> -> memref<88x128xf32, #tpu.memory_space<vmem_shared>>
      tpu.enqueue_dma source(%arg10 : memref<88x128xf32, #tpu.memory_space<vmem>>) target(%dma_start3A_75 : memref<88x128xf32, #tpu.memory_space<vmem_shared>>) target_semaphore(%run_scoped3A_72 : memref<!tpu.dma_semaphore, #tpu.memory_space<semaphore_mem>>)
      %dma_wait3A = arith.constant 0 : i32
      %dma_wait3A_76 = tpu.memref_slice %arg11[%mul3A_58, %dma_wait3A] : memref<2816x128xf32, #tpu.memory_space<vmem_shared>> -> memref<88x128xf32, #tpu.memory_space<vmem_shared>>
      %dma_wait3A_77 = arith.constant 0 : i32
      %dma_wait3A_78 = tpu.memref_slice %arg11[%mul3A_58, %dma_wait3A_77] : memref<2816x128xf32, #tpu.memory_space<vmem_shared>> -> memref<88x128xf32, #tpu.memory_space<vmem_shared>>
      tpu.wait_dma2 semaphore(%run_scoped3A_72 : memref<!tpu.dma_semaphore, #tpu.memory_space<semaphore_mem>>) src(%arg10 : memref<88x128xf32, #tpu.memory_space<vmem>>) dst(%dma_wait3A_78 : memref<88x128xf32, #tpu.memory_space<vmem_shared>>)
      tpu.yield
    }) : () -> ()
    %barrier3A_59 = arith.constant 0 : index
    tpu.barrier barrier_id(%barrier3A_59)
    %scan3A_60 = arith.constant 0 : i32
    %scan3A_61 = arith.constant 15 : i32
    %scan3A_62 = arith.addi %scan3A_60, %scan3A_61 : i32
    %scan3A_63 = arith.constant 1 : i32
    scf.for %scan3A_72 = %scan3A_60 to %scan3A_62 step %scan3A_63  : i32 {
      %dma_start3A = arith.constant 0 : i32
      %dma_start3A_73 = tpu.memref_slice %arg6[%scan3A_72, %dma_start3A] : memref<15x128xi32, #tpu.memory_space<vmem>> -> memref<1x128xi32, #tpu.memory_space<vmem>>
      %dma_start3A_74 = tpu.memref_squeeze %dma_start3A_73 : memref<1x128xi32, #tpu.memory_space<vmem>> -> memref<128xi32, #tpu.memory_space<vmem>>
      %dma_start3A_75 = arith.constant 0 : i32
      %dma_start3A_76 = arith.constant 0 : i32
      %dma_start3A_77 = tpu.memref_slice %arg2[%dma_start3A_75, %dma_start3A_76] : memref<10248x128xf32, #tpu.memory_space<hbm>> -> memref<10248x128xf32, #tpu.memory_space<hbm>>
      tpu.enqueue_indirect_dma source(%dma_start3A_77 : memref<10248x128xf32, #tpu.memory_space<hbm>>) target(%arg8 : memref<128x128xf32, #tpu.memory_space<vmem>>) offsets(%dma_start3A_74 : memref<128xi32, #tpu.memory_space<vmem>>) semaphore(%arg12 : memref<!tpu.dma_semaphore, #tpu.memory_space<semaphore_mem>>)
      %dma_wait3A = arith.constant 0 : i32
      %dma_wait3A_78 = tpu.memref_slice %arg6[%scan3A_72, %dma_wait3A] : memref<15x128xi32, #tpu.memory_space<vmem>> -> memref<1x128xi32, #tpu.memory_space<vmem>>
      %dma_wait3A_79 = tpu.memref_squeeze %dma_wait3A_78 : memref<1x128xi32, #tpu.memory_space<vmem>> -> memref<128xi32, #tpu.memory_space<vmem>>
      %dma_wait3A_80 = arith.constant 0 : i32
      %dma_wait3A_81 = arith.constant 0 : i32
      %dma_wait3A_82 = tpu.memref_slice %arg2[%dma_wait3A_80, %dma_wait3A_81] : memref<10248x128xf32, #tpu.memory_space<hbm>> -> memref<10248x128xf32, #tpu.memory_space<hbm>>
      tpu.wait_indirect_dma semaphore(%arg12 : memref<!tpu.dma_semaphore, #tpu.memory_space<semaphore_mem>>) src(%dma_wait3A_82 : memref<10248x128xf32, #tpu.memory_space<hbm>>) dst(%arg8 : memref<128x128xf32, #tpu.memory_space<vmem>>)
      "tpu.region"() ({
        %run_scoped3A_83 = tpu.sem_alloc : memref<!tpu.dma_semaphore, #tpu.memory_space<semaphore_mem>>
        %dma_start3A_84 = arith.constant 0 : i32
        %dma_start3A_85 = tpu.memref_slice %arg7[%scan3A_72, %dma_start3A_84] : memref<15x128xi32, #tpu.memory_space<vmem>> -> memref<1x128xi32, #tpu.memory_space<vmem>>
        %dma_start3A_86 = tpu.memref_squeeze %dma_start3A_85 : memref<1x128xi32, #tpu.memory_space<vmem>> -> memref<128xi32, #tpu.memory_space<vmem>>
        %dma_start3A_87 = arith.constant 0 : i32
        %dma_start3A_88 = arith.constant 0 : i32
        %dma_start3A_89 = tpu.memref_slice %arg11[%dma_start3A_87, %dma_start3A_88] : memref<2816x128xf32, #tpu.memory_space<vmem_shared>> -> memref<2816x128xf32, #tpu.memory_space<vmem_shared>>
        tpu.enqueue_indirect_dma source(%arg8 : memref<128x128xf32, #tpu.memory_space<vmem>>) target(%dma_start3A_89 : memref<2816x128xf32, #tpu.memory_space<vmem_shared>>) offsets(%dma_start3A_86 : memref<128xi32, #tpu.memory_space<vmem>>) semaphore(%run_scoped3A_83 : memref<!tpu.dma_semaphore, #tpu.memory_space<semaphore_mem>>) {add = true}
        %dma_wait3A_90 = arith.constant 0 : i32
        %dma_wait3A_91 = tpu.memref_slice %arg7[%scan3A_72, %dma_wait3A_90] : memref<15x128xi32, #tpu.memory_space<vmem>> -> memref<1x128xi32, #tpu.memory_space<vmem>>
        %dma_wait3A_92 = tpu.memref_squeeze %dma_wait3A_91 : memref<1x128xi32, #tpu.memory_space<vmem>> -> memref<128xi32, #tpu.memory_space<vmem>>
        %dma_wait3A_93 = arith.constant 0 : i32
        %dma_wait3A_94 = arith.constant 0 : i32
        %dma_wait3A_95 = tpu.memref_slice %arg11[%dma_wait3A_93, %dma_wait3A_94] : memref<2816x128xf32, #tpu.memory_space<vmem_shared>> -> memref<2816x128xf32, #tpu.memory_space<vmem_shared>>
        tpu.wait_indirect_dma semaphore(%run_scoped3A_83 : memref<!tpu.dma_semaphore, #tpu.memory_space<semaphore_mem>>) src(%arg8 : memref<128x128xf32, #tpu.memory_space<vmem>>) dst(%dma_wait3A_95 : memref<2816x128xf32, #tpu.memory_space<vmem_shared>>)
        tpu.yield
      }) : () -> ()
    }
    %scan3A_64 = arith.constant 15 : i32
    %barrier3A_65 = arith.constant 0 : index
    tpu.barrier barrier_id(%barrier3A_65)
    %mul3A_66 = arith.constant 88 : i32
    %mul3A_67 = arith.muli %add3A, %mul3A_66 : i32
    "tpu.region"() ({
      %run_scoped3A_72 = tpu.sem_alloc : memref<!tpu.dma_semaphore, #tpu.memory_space<semaphore_mem>>
      %dma_start3A = arith.constant 0 : i32
      %dma_start3A_73 = tpu.memref_slice %arg11[%mul3A_67, %dma_start3A] : memref<2816x128xf32, #tpu.memory_space<vmem_shared>> -> memref<88x128xf32, #tpu.memory_space<vmem_shared>>
      %dma_start3A_74 = arith.constant 0 : i32
      %dma_start3A_75 = tpu.memref_slice %arg11[%mul3A_67, %dma_start3A_74] : memref<2816x128xf32, #tpu.memory_space<vmem_shared>> -> memref<88x128xf32, #tpu.memory_space<vmem_shared>>
      tpu.enqueue_dma source(%dma_start3A_75 : memref<88x128xf32, #tpu.memory_space<vmem_shared>>) target(%arg9 : memref<88x128xf32, #tpu.memory_space<vmem>>) target_semaphore(%run_scoped3A_72 : memref<!tpu.dma_semaphore, #tpu.memory_space<semaphore_mem>>)
      %dma_wait3A = arith.constant 0 : i32
      %dma_wait3A_76 = tpu.memref_slice %arg11[%mul3A_67, %dma_wait3A] : memref<2816x128xf32, #tpu.memory_space<vmem_shared>> -> memref<88x128xf32, #tpu.memory_space<vmem_shared>>
      %dma_wait3A_77 = arith.constant 0 : i32
      %dma_wait3A_78 = tpu.memref_slice %arg11[%mul3A_67, %dma_wait3A_77] : memref<2816x128xf32, #tpu.memory_space<vmem_shared>> -> memref<88x128xf32, #tpu.memory_space<vmem_shared>>
      tpu.wait_dma2 semaphore(%run_scoped3A_72 : memref<!tpu.dma_semaphore, #tpu.memory_space<semaphore_mem>>) src(%dma_wait3A_78 : memref<88x128xf32, #tpu.memory_space<vmem_shared>>) dst(%arg9 : memref<88x128xf32, #tpu.memory_space<vmem>>)
      tpu.yield
    }) : () -> ()
    %mul3A_68 = arith.constant 88 : i32
    %mul3A_69 = arith.muli %add3A, %mul3A_68 : i32
    %run_scoped3A_70 = arith.constant 3 : i32
    "tpu.region"() ({
      %run_scoped3A_72 = tpu.sem_alloc : memref<!tpu.dma_semaphore, #tpu.memory_space<semaphore_mem>>
      %dma_start3A = arith.constant 0 : i32
      %dma_start3A_73 = tpu.memref_slice %arg5[%run_scoped3A_70, %mul3A_69, %dma_start3A] : memref<4x2816x128xf32, #tpu.memory_space<hbm>> -> memref<1x88x128xf32, #tpu.memory_space<hbm>>
      %dma_start3A_74 = tpu.memref_squeeze %dma_start3A_73 : memref<1x88x128xf32, #tpu.memory_space<hbm>> -> memref<88x128xf32, #tpu.memory_space<hbm>>
      %dma_start3A_75 = arith.constant 0 : i32
      %dma_start3A_76 = tpu.memref_slice %arg5[%run_scoped3A_70, %mul3A_69, %dma_start3A_75] : memref<4x2816x128xf32, #tpu.memory_space<hbm>> -> memref<1x88x128xf32, #tpu.memory_space<hbm>>
      %dma_start3A_77 = tpu.memref_squeeze %dma_start3A_76 : memref<1x88x128xf32, #tpu.memory_space<hbm>> -> memref<88x128xf32, #tpu.memory_space<hbm>>
      tpu.enqueue_dma source(%arg9 : memref<88x128xf32, #tpu.memory_space<vmem>>) target(%dma_start3A_77 : memref<88x128xf32, #tpu.memory_space<hbm>>) target_semaphore(%run_scoped3A_72 : memref<!tpu.dma_semaphore, #tpu.memory_space<semaphore_mem>>)
      %dma_wait3A = arith.constant 0 : i32
      %dma_wait3A_78 = tpu.memref_slice %arg5[%run_scoped3A_70, %mul3A_69, %dma_wait3A] : memref<4x2816x128xf32, #tpu.memory_space<hbm>> -> memref<1x88x128xf32, #tpu.memory_space<hbm>>
      %dma_wait3A_79 = tpu.memref_squeeze %dma_wait3A_78 : memref<1x88x128xf32, #tpu.memory_space<hbm>> -> memref<88x128xf32, #tpu.memory_space<hbm>>
      %dma_wait3A_80 = arith.constant 0 : i32
      %dma_wait3A_81 = tpu.memref_slice %arg5[%run_scoped3A_70, %mul3A_69, %dma_wait3A_80] : memref<4x2816x128xf32, #tpu.memory_space<hbm>> -> memref<1x88x128xf32, #tpu.memory_space<hbm>>
      %dma_wait3A_82 = tpu.memref_squeeze %dma_wait3A_81 : memref<1x88x128xf32, #tpu.memory_space<hbm>> -> memref<88x128xf32, #tpu.memory_space<hbm>>
      tpu.wait_dma2 semaphore(%run_scoped3A_72 : memref<!tpu.dma_semaphore, #tpu.memory_space<semaphore_mem>>) src(%arg9 : memref<88x128xf32, #tpu.memory_space<vmem>>) dst(%dma_wait3A_82 : memref<88x128xf32, #tpu.memory_space<hbm>>)
      tpu.yield
    }) : () -> ()
    %barrier3A_71 = arith.constant 0 : index
    tpu.barrier barrier_id(%barrier3A_71)
    return
  }
}

module attributes {stable_mosaic.version = 14 : i64} {
  func.func @_pmd_body(%arg0: i32, %arg1: i32, %arg2: i32, %arg3: memref<1x3x256xf32, #tpu.memory_space<vmem>>, %arg4: memref<1x3x1280xf32, #tpu.memory_space<vmem>>, %arg5: memref<1x3x1280xf32, #tpu.memory_space<vmem>>, %arg6: memref<1x3x1280xf32, #tpu.memory_space<vmem>>, %arg7: memref<1x1x1xf32, #tpu.memory_space<vmem>>, %arg8: memref<1x1x1xf32, #tpu.memory_space<vmem>>, %arg9: memref<1x1x1xf32, #tpu.memory_space<vmem>>, %arg10: memref<1x3x1280xf32, #tpu.memory_space<vmem>>, %arg11: memref<1x2048xf32, #tpu.memory_space<vmem>>, %arg12: memref<1x1280xf32, #tpu.memory_space<vmem>>) attributes {dimension_semantics = [#tpu.dimension_semantics<arbitrary>, #tpu.dimension_semantics<arbitrary>, #tpu.dimension_semantics<arbitrary>], iteration_bounds = array<i64: 4, 4, 8>, scalar_prefetch = 0 : i64, scratch_operands = 2 : i64, tpu.core_type = #tpu.core_type<tc>, window_params = [{transform_indices = @transform_0, window_bounds = array<i64: 1, 3, 256>}, {transform_indices = @transform_1, window_bounds = array<i64: 1, 3, 1280>}, {transform_indices = @transform_2, window_bounds = array<i64: 1, 3, 1280>}, {transform_indices = @transform_3, window_bounds = array<i64: 1, 3, 1280>}, {transform_indices = @transform_4, window_bounds = array<i64: 1, 1, 1>}, {transform_indices = @transform_5, window_bounds = array<i64: 1, 1, 1>}, {transform_indices = @transform_6, window_bounds = array<i64: 1, 1, 1>}, {transform_indices = @transform_7, window_bounds = array<i64: 1, 3, 1280>}]} {
    %get3A = arith.constant 0 : index
    %get3A_0 = arith.constant 0 : index
    %get3A_1 = arith.constant 0 : index
    %get3A_2 = vector.load %arg3[%get3A, %get3A_0, %get3A_1] : memref<1x3x256xf32, #tpu.memory_space<vmem>>, vector<1x3x256xf32>
    %get3A_3 = vector.shape_cast %get3A_2 : vector<1x3x256xf32> to vector<3x256xf32>
    %get3A_4 = arith.constant 0 : index
    %get3A_5 = arith.constant 0 : index
    %get3A_6 = arith.constant 0 : index
    %get3A_7 = vector.load %arg4[%get3A_4, %get3A_5, %get3A_6] : memref<1x3x1280xf32, #tpu.memory_space<vmem>>, vector<1x3x1280xf32>
    %get3A_8 = vector.shape_cast %get3A_7 : vector<1x3x1280xf32> to vector<3x1280xf32>
    %get3A_9 = arith.constant 0 : index
    %get3A_10 = arith.constant 0 : index
    %get3A_11 = arith.constant 0 : index
    %get3A_12 = vector.load %arg5[%get3A_9, %get3A_10, %get3A_11] : memref<1x3x1280xf32, #tpu.memory_space<vmem>>, vector<1x3x1280xf32>
    %get3A_13 = vector.shape_cast %get3A_12 : vector<1x3x1280xf32> to vector<3x1280xf32>
    %get3A_14 = arith.constant 0 : index
    %get3A_15 = arith.constant 0 : index
    %get3A_16 = arith.constant 0 : index
    %get3A_17 = vector.load %arg6[%get3A_14, %get3A_15, %get3A_16] : memref<1x3x1280xf32, #tpu.memory_space<vmem>>, vector<1x3x1280xf32>
    %get3A_18 = vector.shape_cast %get3A_17 : vector<1x3x1280xf32> to vector<3x1280xf32>
    %slice3A = vector.extract_strided_slice %get3A_13 {offsets = [0, 0], sizes = [1, 1280], strides = [1, 1]} : vector<3x1280xf32> to vector<1x1280xf32>
    %slice3A_19 = vector.extract_strided_slice %get3A_8 {offsets = [0, 0], sizes = [1, 1280], strides = [1, 1]} : vector<3x1280xf32> to vector<1x1280xf32>
    %sub3A = arith.subf %slice3A, %slice3A_19 : vector<1x1280xf32>
    %slice3A_20 = vector.extract_strided_slice %get3A_13 {offsets = [1, 0], sizes = [1, 1280], strides = [1, 1]} : vector<3x1280xf32> to vector<1x1280xf32>
    %slice3A_21 = vector.extract_strided_slice %get3A_8 {offsets = [1, 0], sizes = [1, 1280], strides = [1, 1]} : vector<3x1280xf32> to vector<1x1280xf32>
    %sub3A_22 = arith.subf %slice3A_20, %slice3A_21 : vector<1x1280xf32>
    %slice3A_23 = vector.extract_strided_slice %get3A_13 {offsets = [2, 0], sizes = [1, 1280], strides = [1, 1]} : vector<3x1280xf32> to vector<1x1280xf32>
    %slice3A_24 = vector.extract_strided_slice %get3A_8 {offsets = [2, 0], sizes = [1, 1280], strides = [1, 1]} : vector<3x1280xf32> to vector<1x1280xf32>
    %sub3A_25 = arith.subf %slice3A_23, %slice3A_24 : vector<1x1280xf32>
    %slice3A_26 = vector.extract_strided_slice %get3A_18 {offsets = [0, 0], sizes = [1, 1280], strides = [1, 1]} : vector<3x1280xf32> to vector<1x1280xf32>
    %slice3A_27 = vector.extract_strided_slice %get3A_8 {offsets = [0, 0], sizes = [1, 1280], strides = [1, 1]} : vector<3x1280xf32> to vector<1x1280xf32>
    %sub3A_28 = arith.subf %slice3A_26, %slice3A_27 : vector<1x1280xf32>
    %slice3A_29 = vector.extract_strided_slice %get3A_18 {offsets = [1, 0], sizes = [1, 1280], strides = [1, 1]} : vector<3x1280xf32> to vector<1x1280xf32>
    %slice3A_30 = vector.extract_strided_slice %get3A_8 {offsets = [1, 0], sizes = [1, 1280], strides = [1, 1]} : vector<3x1280xf32> to vector<1x1280xf32>
    %sub3A_31 = arith.subf %slice3A_29, %slice3A_30 : vector<1x1280xf32>
    %slice3A_32 = vector.extract_strided_slice %get3A_18 {offsets = [2, 0], sizes = [1, 1280], strides = [1, 1]} : vector<3x1280xf32> to vector<1x1280xf32>
    %slice3A_33 = vector.extract_strided_slice %get3A_8 {offsets = [2, 0], sizes = [1, 1280], strides = [1, 1]} : vector<3x1280xf32> to vector<1x1280xf32>
    %sub3A_34 = arith.subf %slice3A_32, %slice3A_33 : vector<1x1280xf32>
    %mul3A = arith.mulf %sub3A, %sub3A : vector<1x1280xf32>
    %mul3A_35 = arith.mulf %sub3A_22, %sub3A_22 : vector<1x1280xf32>
    %add3A = arith.addf %mul3A, %mul3A_35 : vector<1x1280xf32>
    %mul3A_36 = arith.mulf %sub3A_25, %sub3A_25 : vector<1x1280xf32>
    %add3A_37 = arith.addf %add3A, %mul3A_36 : vector<1x1280xf32>
    %mul3A_38 = arith.mulf %sub3A_28, %sub3A_28 : vector<1x1280xf32>
    %mul3A_39 = arith.mulf %sub3A_31, %sub3A_31 : vector<1x1280xf32>
    %add3A_40 = arith.addf %mul3A_38, %mul3A_39 : vector<1x1280xf32>
    %mul3A_41 = arith.mulf %sub3A_34, %sub3A_34 : vector<1x1280xf32>
    %add3A_42 = arith.addf %add3A_40, %mul3A_41 : vector<1x1280xf32>
    %slice3A_43 = vector.extract_strided_slice %get3A_3 {offsets = [0, 0], sizes = [1, 256], strides = [1, 1]} : vector<3x256xf32> to vector<1x256xf32>
    %transpose3A = tpu.transpose %slice3A_43, [1, 0] : vector<1x256xf32> -> vector<256x1xf32>
    %slice3A_44 = vector.extract_strided_slice %get3A_3 {offsets = [1, 0], sizes = [1, 256], strides = [1, 1]} : vector<3x256xf32> to vector<1x256xf32>
    %transpose3A_45 = tpu.transpose %slice3A_44, [1, 0] : vector<1x256xf32> -> vector<256x1xf32>
    %slice3A_46 = vector.extract_strided_slice %get3A_3 {offsets = [2, 0], sizes = [1, 256], strides = [1, 1]} : vector<3x256xf32> to vector<1x256xf32>
    %transpose3A_47 = tpu.transpose %slice3A_46, [1, 0] : vector<1x256xf32> -> vector<256x1xf32>
    %slice3A_48 = vector.extract_strided_slice %get3A_8 {offsets = [0, 0], sizes = [1, 1280], strides = [1, 1]} : vector<3x1280xf32> to vector<1x1280xf32>
    %sub3A_49 = vector.broadcast %transpose3A : vector<256x1xf32> to vector<256x1280xf32>
    %sub3A_50 = vector.broadcast %slice3A_48 : vector<1x1280xf32> to vector<256x1280xf32>
    %sub3A_51 = arith.subf %sub3A_49, %sub3A_50 : vector<256x1280xf32>
    %slice3A_52 = vector.extract_strided_slice %get3A_8 {offsets = [1, 0], sizes = [1, 1280], strides = [1, 1]} : vector<3x1280xf32> to vector<1x1280xf32>
    %sub3A_53 = vector.broadcast %transpose3A_45 : vector<256x1xf32> to vector<256x1280xf32>
    %sub3A_54 = vector.broadcast %slice3A_52 : vector<1x1280xf32> to vector<256x1280xf32>
    %sub3A_55 = arith.subf %sub3A_53, %sub3A_54 : vector<256x1280xf32>
    %slice3A_56 = vector.extract_strided_slice %get3A_8 {offsets = [2, 0], sizes = [1, 1280], strides = [1, 1]} : vector<3x1280xf32> to vector<1x1280xf32>
    %sub3A_57 = vector.broadcast %transpose3A_47 : vector<256x1xf32> to vector<256x1280xf32>
    %sub3A_58 = vector.broadcast %slice3A_56 : vector<1x1280xf32> to vector<256x1280xf32>
    %sub3A_59 = arith.subf %sub3A_57, %sub3A_58 : vector<256x1280xf32>
    %slice3A_60 = vector.extract_strided_slice %get3A_13 {offsets = [0, 0], sizes = [1, 1280], strides = [1, 1]} : vector<3x1280xf32> to vector<1x1280xf32>
    %sub3A_61 = vector.broadcast %transpose3A : vector<256x1xf32> to vector<256x1280xf32>
    %sub3A_62 = vector.broadcast %slice3A_60 : vector<1x1280xf32> to vector<256x1280xf32>
    %sub3A_63 = arith.subf %sub3A_61, %sub3A_62 : vector<256x1280xf32>
    %slice3A_64 = vector.extract_strided_slice %get3A_13 {offsets = [1, 0], sizes = [1, 1280], strides = [1, 1]} : vector<3x1280xf32> to vector<1x1280xf32>
    %sub3A_65 = vector.broadcast %transpose3A_45 : vector<256x1xf32> to vector<256x1280xf32>
    %sub3A_66 = vector.broadcast %slice3A_64 : vector<1x1280xf32> to vector<256x1280xf32>
    %sub3A_67 = arith.subf %sub3A_65, %sub3A_66 : vector<256x1280xf32>
    %slice3A_68 = vector.extract_strided_slice %get3A_13 {offsets = [2, 0], sizes = [1, 1280], strides = [1, 1]} : vector<3x1280xf32> to vector<1x1280xf32>
    %sub3A_69 = vector.broadcast %transpose3A_47 : vector<256x1xf32> to vector<256x1280xf32>
    %sub3A_70 = vector.broadcast %slice3A_68 : vector<1x1280xf32> to vector<256x1280xf32>
    %sub3A_71 = arith.subf %sub3A_69, %sub3A_70 : vector<256x1280xf32>
    %slice3A_72 = vector.extract_strided_slice %get3A_18 {offsets = [0, 0], sizes = [1, 1280], strides = [1, 1]} : vector<3x1280xf32> to vector<1x1280xf32>
    %sub3A_73 = vector.broadcast %transpose3A : vector<256x1xf32> to vector<256x1280xf32>
    %sub3A_74 = vector.broadcast %slice3A_72 : vector<1x1280xf32> to vector<256x1280xf32>
    %sub3A_75 = arith.subf %sub3A_73, %sub3A_74 : vector<256x1280xf32>
    %slice3A_76 = vector.extract_strided_slice %get3A_18 {offsets = [1, 0], sizes = [1, 1280], strides = [1, 1]} : vector<3x1280xf32> to vector<1x1280xf32>
    %sub3A_77 = vector.broadcast %transpose3A_45 : vector<256x1xf32> to vector<256x1280xf32>
    %sub3A_78 = vector.broadcast %slice3A_76 : vector<1x1280xf32> to vector<256x1280xf32>
    %sub3A_79 = arith.subf %sub3A_77, %sub3A_78 : vector<256x1280xf32>
    %slice3A_80 = vector.extract_strided_slice %get3A_18 {offsets = [2, 0], sizes = [1, 1280], strides = [1, 1]} : vector<3x1280xf32> to vector<1x1280xf32>
    %sub3A_81 = vector.broadcast %transpose3A_47 : vector<256x1xf32> to vector<256x1280xf32>
    %sub3A_82 = vector.broadcast %slice3A_80 : vector<1x1280xf32> to vector<256x1280xf32>
    %sub3A_83 = arith.subf %sub3A_81, %sub3A_82 : vector<256x1280xf32>
    %mul3A_84 = vector.broadcast %sub3A : vector<1x1280xf32> to vector<256x1280xf32>
    %mul3A_85 = arith.mulf %mul3A_84, %sub3A_51 : vector<256x1280xf32>
    %mul3A_86 = vector.broadcast %sub3A_22 : vector<1x1280xf32> to vector<256x1280xf32>
    %mul3A_87 = arith.mulf %mul3A_86, %sub3A_55 : vector<256x1280xf32>
    %add3A_88 = arith.addf %mul3A_85, %mul3A_87 : vector<256x1280xf32>
    %mul3A_89 = vector.broadcast %sub3A_25 : vector<1x1280xf32> to vector<256x1280xf32>
    %mul3A_90 = arith.mulf %mul3A_89, %sub3A_59 : vector<256x1280xf32>
    %add3A_91 = arith.addf %add3A_88, %mul3A_90 : vector<256x1280xf32>
    %mul3A_92 = vector.broadcast %sub3A_28 : vector<1x1280xf32> to vector<256x1280xf32>
    %mul3A_93 = arith.mulf %mul3A_92, %sub3A_51 : vector<256x1280xf32>
    %mul3A_94 = vector.broadcast %sub3A_31 : vector<1x1280xf32> to vector<256x1280xf32>
    %mul3A_95 = arith.mulf %mul3A_94, %sub3A_55 : vector<256x1280xf32>
    %add3A_96 = arith.addf %mul3A_93, %mul3A_95 : vector<256x1280xf32>
    %mul3A_97 = vector.broadcast %sub3A_34 : vector<1x1280xf32> to vector<256x1280xf32>
    %mul3A_98 = arith.mulf %mul3A_97, %sub3A_59 : vector<256x1280xf32>
    %add3A_99 = arith.addf %add3A_96, %mul3A_98 : vector<256x1280xf32>
    %mul3A_100 = vector.broadcast %sub3A : vector<1x1280xf32> to vector<256x1280xf32>
    %mul3A_101 = arith.mulf %mul3A_100, %sub3A_63 : vector<256x1280xf32>
    %mul3A_102 = vector.broadcast %sub3A_22 : vector<1x1280xf32> to vector<256x1280xf32>
    %mul3A_103 = arith.mulf %mul3A_102, %sub3A_67 : vector<256x1280xf32>
    %add3A_104 = arith.addf %mul3A_101, %mul3A_103 : vector<256x1280xf32>
    %mul3A_105 = vector.broadcast %sub3A_25 : vector<1x1280xf32> to vector<256x1280xf32>
    %mul3A_106 = arith.mulf %mul3A_105, %sub3A_71 : vector<256x1280xf32>
    %add3A_107 = arith.addf %add3A_104, %mul3A_106 : vector<256x1280xf32>
    %mul3A_108 = vector.broadcast %sub3A_28 : vector<1x1280xf32> to vector<256x1280xf32>
    %mul3A_109 = arith.mulf %mul3A_108, %sub3A_63 : vector<256x1280xf32>
    %mul3A_110 = vector.broadcast %sub3A_31 : vector<1x1280xf32> to vector<256x1280xf32>
    %mul3A_111 = arith.mulf %mul3A_110, %sub3A_67 : vector<256x1280xf32>
    %add3A_112 = arith.addf %mul3A_109, %mul3A_111 : vector<256x1280xf32>
    %mul3A_113 = vector.broadcast %sub3A_34 : vector<1x1280xf32> to vector<256x1280xf32>
    %mul3A_114 = arith.mulf %mul3A_113, %sub3A_71 : vector<256x1280xf32>
    %add3A_115 = arith.addf %add3A_112, %mul3A_114 : vector<256x1280xf32>
    %mul3A_116 = vector.broadcast %sub3A : vector<1x1280xf32> to vector<256x1280xf32>
    %mul3A_117 = arith.mulf %mul3A_116, %sub3A_75 : vector<256x1280xf32>
    %mul3A_118 = vector.broadcast %sub3A_22 : vector<1x1280xf32> to vector<256x1280xf32>
    %mul3A_119 = arith.mulf %mul3A_118, %sub3A_79 : vector<256x1280xf32>
    %add3A_120 = arith.addf %mul3A_117, %mul3A_119 : vector<256x1280xf32>
    %mul3A_121 = vector.broadcast %sub3A_25 : vector<1x1280xf32> to vector<256x1280xf32>
    %mul3A_122 = arith.mulf %mul3A_121, %sub3A_83 : vector<256x1280xf32>
    %add3A_123 = arith.addf %add3A_120, %mul3A_122 : vector<256x1280xf32>
    %mul3A_124 = vector.broadcast %sub3A_28 : vector<1x1280xf32> to vector<256x1280xf32>
    %mul3A_125 = arith.mulf %mul3A_124, %sub3A_75 : vector<256x1280xf32>
    %mul3A_126 = vector.broadcast %sub3A_31 : vector<1x1280xf32> to vector<256x1280xf32>
    %mul3A_127 = arith.mulf %mul3A_126, %sub3A_79 : vector<256x1280xf32>
    %add3A_128 = arith.addf %mul3A_125, %mul3A_127 : vector<256x1280xf32>
    %mul3A_129 = vector.broadcast %sub3A_34 : vector<1x1280xf32> to vector<256x1280xf32>
    %mul3A_130 = arith.mulf %mul3A_129, %sub3A_83 : vector<256x1280xf32>
    %add3A_131 = arith.addf %add3A_128, %mul3A_130 : vector<256x1280xf32>
    %mul3A_132 = arith.mulf %add3A_107, %add3A_131 : vector<256x1280xf32>
    %mul3A_133 = arith.mulf %add3A_123, %add3A_115 : vector<256x1280xf32>
    %sub3A_134 = arith.subf %mul3A_132, %mul3A_133 : vector<256x1280xf32>
    %mul3A_135 = arith.mulf %add3A_123, %add3A_99 : vector<256x1280xf32>
    %mul3A_136 = arith.mulf %add3A_91, %add3A_131 : vector<256x1280xf32>
    %sub3A_137 = arith.subf %mul3A_135, %mul3A_136 : vector<256x1280xf32>
    %mul3A_138 = arith.mulf %add3A_91, %add3A_115 : vector<256x1280xf32>
    %mul3A_139 = arith.mulf %add3A_107, %add3A_99 : vector<256x1280xf32>
    %sub3A_140 = arith.subf %mul3A_138, %mul3A_139 : vector<256x1280xf32>
    %add3A_141 = arith.addf %sub3A_134, %sub3A_137 : vector<256x1280xf32>
    %add3A_142 = arith.addf %add3A_141, %sub3A_140 : vector<256x1280xf32>
    %abs3A = math.absf %add3A_142 : vector<256x1280xf32>
    %gt3A = arith.constant 9.99999996E-13 : f32
    %gt3A_143 = vector.broadcast %gt3A : f32 to vector<256x1280xf32>
    %gt3A_144 = arith.cmpf ogt, %abs3A, %gt3A_143 : vector<256x1280xf32>
    %broadcast_in_dim3A = arith.constant 1.000000e+00 : f32
    %broadcast_in_dim3A_145 = vector.broadcast %broadcast_in_dim3A : f32 to vector<256x1280xf32>
    %select_n3A = arith.select %gt3A_144, %add3A_142, %broadcast_in_dim3A_145 : vector<256x1280xi1>, vector<256x1280xf32>
    %div3A = arith.divf %sub3A_137, %select_n3A : vector<256x1280xf32>
    %abs3A_146 = math.absf %add3A_142 : vector<256x1280xf32>
    %gt3A_147 = arith.constant 9.99999996E-13 : f32
    %gt3A_148 = vector.broadcast %gt3A_147 : f32 to vector<256x1280xf32>
    %gt3A_149 = arith.cmpf ogt, %abs3A_146, %gt3A_148 : vector<256x1280xf32>
    %broadcast_in_dim3A_150 = arith.constant 1.000000e+00 : f32
    %broadcast_in_dim3A_151 = vector.broadcast %broadcast_in_dim3A_150 : f32 to vector<256x1280xf32>
    %select_n3A_152 = arith.select %gt3A_149, %add3A_142, %broadcast_in_dim3A_151 : vector<256x1280xi1>, vector<256x1280xf32>
    %div3A_153 = arith.divf %sub3A_140, %select_n3A_152 : vector<256x1280xf32>
    %sub3A_154 = arith.subf %add3A_115, %add3A_107 : vector<256x1280xf32>
    %sub3A_155 = arith.subf %add3A_115, %add3A_107 : vector<256x1280xf32>
    %sub3A_156 = arith.subf %add3A_123, %add3A_131 : vector<256x1280xf32>
    %add3A_157 = arith.addf %sub3A_155, %sub3A_156 : vector<256x1280xf32>
    %abs3A_158 = math.absf %add3A_157 : vector<256x1280xf32>
    %gt3A_159 = arith.constant 9.99999996E-13 : f32
    %gt3A_160 = vector.broadcast %gt3A_159 : f32 to vector<256x1280xf32>
    %gt3A_161 = arith.cmpf ogt, %abs3A_158, %gt3A_160 : vector<256x1280xf32>
    %broadcast_in_dim3A_162 = arith.constant 1.000000e+00 : f32
    %broadcast_in_dim3A_163 = vector.broadcast %broadcast_in_dim3A_162 : f32 to vector<256x1280xf32>
    %select_n3A_164 = arith.select %gt3A_161, %add3A_157, %broadcast_in_dim3A_163 : vector<256x1280xi1>, vector<256x1280xf32>
    %div3A_165 = arith.divf %sub3A_154, %select_n3A_164 : vector<256x1280xf32>
    %le3A = arith.constant 0.000000e+00 : f32
    %le3A_166 = vector.broadcast %le3A : f32 to vector<256x1280xf32>
    %le3A_167 = arith.cmpf ole, %sub3A_134, %le3A_166 : vector<256x1280xf32>
    %sub3A_168 = arith.subf %add3A_115, %add3A_107 : vector<256x1280xf32>
    %ge3A = arith.constant 0.000000e+00 : f32
    %ge3A_169 = vector.broadcast %ge3A : f32 to vector<256x1280xf32>
    %ge3A_170 = arith.cmpf oge, %sub3A_168, %ge3A_169 : vector<256x1280xf32>
    %and3A = arith.andi %le3A_167, %ge3A_170 : vector<256x1280xi1>
    %sub3A_171 = arith.subf %add3A_123, %add3A_131 : vector<256x1280xf32>
    %ge3A_172 = arith.constant 0.000000e+00 : f32
    %ge3A_173 = vector.broadcast %ge3A_172 : f32 to vector<256x1280xf32>
    %ge3A_174 = arith.cmpf oge, %sub3A_171, %ge3A_173 : vector<256x1280xf32>
    %and3A_175 = arith.andi %and3A, %ge3A_174 : vector<256x1280xi1>
    %sub3A_176 = arith.constant 1.000000e+00 : f32
    %sub3A_177 = vector.broadcast %sub3A_176 : f32 to vector<256x1280xf32>
    %sub3A_178 = arith.subf %sub3A_177, %div3A_165 : vector<256x1280xf32>
    %select_n3A_179 = arith.select %and3A_175, %sub3A_178, %div3A : vector<256x1280xi1>, vector<256x1280xf32>
    %select_n3A_180 = arith.select %and3A_175, %div3A_165, %div3A_153 : vector<256x1280xi1>, vector<256x1280xf32>
    %sub3A_181 = arith.subf %add3A_99, %add3A_131 : vector<256x1280xf32>
    %abs3A_182 = math.absf %sub3A_181 : vector<256x1280xf32>
    %gt3A_183 = arith.constant 9.99999996E-13 : f32
    %gt3A_184 = vector.broadcast %gt3A_183 : f32 to vector<256x1280xf32>
    %gt3A_185 = arith.cmpf ogt, %abs3A_182, %gt3A_184 : vector<256x1280xf32>
    %broadcast_in_dim3A_186 = arith.constant 1.000000e+00 : f32
    %broadcast_in_dim3A_187 = vector.broadcast %broadcast_in_dim3A_186 : f32 to vector<256x1280xf32>
    %select_n3A_188 = arith.select %gt3A_185, %sub3A_181, %broadcast_in_dim3A_187 : vector<256x1280xi1>, vector<256x1280xf32>
    %div3A_189 = arith.divf %add3A_99, %select_n3A_188 : vector<256x1280xf32>
    %le3A_190 = arith.constant 0.000000e+00 : f32
    %le3A_191 = vector.broadcast %le3A_190 : f32 to vector<256x1280xf32>
    %le3A_192 = arith.cmpf ole, %sub3A_137, %le3A_191 : vector<256x1280xf32>
    %ge3A_193 = arith.constant 0.000000e+00 : f32
    %ge3A_194 = vector.broadcast %ge3A_193 : f32 to vector<256x1280xf32>
    %ge3A_195 = arith.cmpf oge, %add3A_99, %ge3A_194 : vector<256x1280xf32>
    %and3A_196 = arith.andi %le3A_192, %ge3A_195 : vector<256x1280xi1>
    %le3A_197 = arith.constant 0.000000e+00 : f32
    %le3A_198 = vector.broadcast %le3A_197 : f32 to vector<256x1280xf32>
    %le3A_199 = arith.cmpf ole, %add3A_131, %le3A_198 : vector<256x1280xf32>
    %and3A_200 = arith.andi %and3A_196, %le3A_199 : vector<256x1280xi1>
    %jit3A = arith.constant 0.000000e+00 : f32
    %broadcast_in_dim3A_201 = vector.broadcast %jit3A : f32 to vector<256x1280xf32>
    %select_n3A_202 = arith.select %and3A_200, %broadcast_in_dim3A_201, %select_n3A_179 : vector<256x1280xi1>, vector<256x1280xf32>
    %select_n3A_203 = arith.select %and3A_200, %div3A_189, %select_n3A_180 : vector<256x1280xi1>, vector<256x1280xf32>
    %sub3A_204 = arith.subf %add3A_91, %add3A_107 : vector<256x1280xf32>
    %abs3A_205 = math.absf %sub3A_204 : vector<256x1280xf32>
    %gt3A_206 = arith.constant 9.99999996E-13 : f32
    %gt3A_207 = vector.broadcast %gt3A_206 : f32 to vector<256x1280xf32>
    %gt3A_208 = arith.cmpf ogt, %abs3A_205, %gt3A_207 : vector<256x1280xf32>
    %broadcast_in_dim3A_209 = arith.constant 1.000000e+00 : f32
    %broadcast_in_dim3A_210 = vector.broadcast %broadcast_in_dim3A_209 : f32 to vector<256x1280xf32>
    %select_n3A_211 = arith.select %gt3A_208, %sub3A_204, %broadcast_in_dim3A_210 : vector<256x1280xi1>, vector<256x1280xf32>
    %div3A_212 = arith.divf %add3A_91, %select_n3A_211 : vector<256x1280xf32>
    %le3A_213 = arith.constant 0.000000e+00 : f32
    %le3A_214 = vector.broadcast %le3A_213 : f32 to vector<256x1280xf32>
    %le3A_215 = arith.cmpf ole, %sub3A_140, %le3A_214 : vector<256x1280xf32>
    %ge3A_216 = arith.constant 0.000000e+00 : f32
    %ge3A_217 = vector.broadcast %ge3A_216 : f32 to vector<256x1280xf32>
    %ge3A_218 = arith.cmpf oge, %add3A_91, %ge3A_217 : vector<256x1280xf32>
    %and3A_219 = arith.andi %le3A_215, %ge3A_218 : vector<256x1280xi1>
    %le3A_220 = arith.constant 0.000000e+00 : f32
    %le3A_221 = vector.broadcast %le3A_220 : f32 to vector<256x1280xf32>
    %le3A_222 = arith.cmpf ole, %add3A_107, %le3A_221 : vector<256x1280xf32>
    %and3A_223 = arith.andi %and3A_219, %le3A_222 : vector<256x1280xi1>
    %select_n3A_224 = arith.select %and3A_223, %div3A_212, %select_n3A_202 : vector<256x1280xi1>, vector<256x1280xf32>
    %jit3A_225 = arith.constant 0.000000e+00 : f32
    %broadcast_in_dim3A_226 = vector.broadcast %jit3A_225 : f32 to vector<256x1280xf32>
    %select_n3A_227 = arith.select %and3A_223, %broadcast_in_dim3A_226, %select_n3A_203 : vector<256x1280xi1>, vector<256x1280xf32>
    %ge3A_228 = arith.constant 0.000000e+00 : f32
    %ge3A_229 = vector.broadcast %ge3A_228 : f32 to vector<256x1280xf32>
    %ge3A_230 = arith.cmpf oge, %add3A_131, %ge3A_229 : vector<256x1280xf32>
    %le3A_231 = arith.cmpf ole, %add3A_123, %add3A_131 : vector<256x1280xf32>
    %and3A_232 = arith.andi %ge3A_230, %le3A_231 : vector<256x1280xi1>
    %jit3A_233 = arith.constant 0.000000e+00 : f32
    %broadcast_in_dim3A_234 = vector.broadcast %jit3A_233 : f32 to vector<256x1280xf32>
    %select_n3A_235 = arith.select %and3A_232, %broadcast_in_dim3A_234, %select_n3A_224 : vector<256x1280xi1>, vector<256x1280xf32>
    %jit3A_236 = arith.constant 1.000000e+00 : f32
    %broadcast_in_dim3A_237 = vector.broadcast %jit3A_236 : f32 to vector<256x1280xf32>
    %select_n3A_238 = arith.select %and3A_232, %broadcast_in_dim3A_237, %select_n3A_227 : vector<256x1280xi1>, vector<256x1280xf32>
    %ge3A_239 = arith.constant 0.000000e+00 : f32
    %ge3A_240 = vector.broadcast %ge3A_239 : f32 to vector<256x1280xf32>
    %ge3A_241 = arith.cmpf oge, %add3A_107, %ge3A_240 : vector<256x1280xf32>
    %le3A_242 = arith.cmpf ole, %add3A_115, %add3A_107 : vector<256x1280xf32>
    %and3A_243 = arith.andi %ge3A_241, %le3A_242 : vector<256x1280xi1>
    %jit3A_244 = arith.constant 1.000000e+00 : f32
    %broadcast_in_dim3A_245 = vector.broadcast %jit3A_244 : f32 to vector<256x1280xf32>
    %select_n3A_246 = arith.select %and3A_243, %broadcast_in_dim3A_245, %select_n3A_235 : vector<256x1280xi1>, vector<256x1280xf32>
    %jit3A_247 = arith.constant 0.000000e+00 : f32
    %broadcast_in_dim3A_248 = vector.broadcast %jit3A_247 : f32 to vector<256x1280xf32>
    %select_n3A_249 = arith.select %and3A_243, %broadcast_in_dim3A_248, %select_n3A_238 : vector<256x1280xi1>, vector<256x1280xf32>
    %le3A_250 = arith.constant 0.000000e+00 : f32
    %le3A_251 = vector.broadcast %le3A_250 : f32 to vector<256x1280xf32>
    %le3A_252 = arith.cmpf ole, %add3A_91, %le3A_251 : vector<256x1280xf32>
    %le3A_253 = arith.constant 0.000000e+00 : f32
    %le3A_254 = vector.broadcast %le3A_253 : f32 to vector<256x1280xf32>
    %le3A_255 = arith.cmpf ole, %add3A_99, %le3A_254 : vector<256x1280xf32>
    %and3A_256 = arith.andi %le3A_252, %le3A_255 : vector<256x1280xi1>
    %jit3A_257 = arith.constant 0.000000e+00 : f32
    %broadcast_in_dim3A_258 = vector.broadcast %jit3A_257 : f32 to vector<256x1280xf32>
    %select_n3A_259 = arith.select %and3A_256, %broadcast_in_dim3A_258, %select_n3A_246 : vector<256x1280xi1>, vector<256x1280xf32>
    %jit3A_260 = arith.constant 0.000000e+00 : f32
    %broadcast_in_dim3A_261 = vector.broadcast %jit3A_260 : f32 to vector<256x1280xf32>
    %select_n3A_262 = arith.select %and3A_256, %broadcast_in_dim3A_261, %select_n3A_249 : vector<256x1280xi1>, vector<256x1280xf32>
    %mul3A_263 = vector.broadcast %sub3A : vector<1x1280xf32> to vector<256x1280xf32>
    %mul3A_264 = arith.mulf %select_n3A_259, %mul3A_263 : vector<256x1280xf32>
    %sub3A_265 = arith.subf %sub3A_51, %mul3A_264 : vector<256x1280xf32>
    %mul3A_266 = vector.broadcast %sub3A_28 : vector<1x1280xf32> to vector<256x1280xf32>
    %mul3A_267 = arith.mulf %select_n3A_262, %mul3A_266 : vector<256x1280xf32>
    %sub3A_268 = arith.subf %sub3A_265, %mul3A_267 : vector<256x1280xf32>
    %mul3A_269 = arith.mulf %sub3A_268, %sub3A_268 : vector<256x1280xf32>
    %mul3A_270 = vector.broadcast %sub3A_22 : vector<1x1280xf32> to vector<256x1280xf32>
    %mul3A_271 = arith.mulf %select_n3A_259, %mul3A_270 : vector<256x1280xf32>
    %sub3A_272 = arith.subf %sub3A_55, %mul3A_271 : vector<256x1280xf32>
    %mul3A_273 = vector.broadcast %sub3A_31 : vector<1x1280xf32> to vector<256x1280xf32>
    %mul3A_274 = arith.mulf %select_n3A_262, %mul3A_273 : vector<256x1280xf32>
    %sub3A_275 = arith.subf %sub3A_272, %mul3A_274 : vector<256x1280xf32>
    %mul3A_276 = arith.mulf %sub3A_275, %sub3A_275 : vector<256x1280xf32>
    %add3A_277 = arith.addf %mul3A_269, %mul3A_276 : vector<256x1280xf32>
    %mul3A_278 = vector.broadcast %sub3A_25 : vector<1x1280xf32> to vector<256x1280xf32>
    %mul3A_279 = arith.mulf %select_n3A_259, %mul3A_278 : vector<256x1280xf32>
    %sub3A_280 = arith.subf %sub3A_59, %mul3A_279 : vector<256x1280xf32>
    %mul3A_281 = vector.broadcast %sub3A_34 : vector<1x1280xf32> to vector<256x1280xf32>
    %mul3A_282 = arith.mulf %select_n3A_262, %mul3A_281 : vector<256x1280xf32>
    %sub3A_283 = arith.subf %sub3A_280, %mul3A_282 : vector<256x1280xf32>
    %mul3A_284 = arith.mulf %sub3A_283, %sub3A_283 : vector<256x1280xf32>
    %add3A_285 = arith.addf %add3A_277, %mul3A_284 : vector<256x1280xf32>
    %reduce_min3A = arith.constant dense<0x7F800000> : vector<256xf32>
    %reduce_min3A_286 = vector.multi_reduction <minimumf>, %add3A_285, %reduce_min3A [1] : vector<256x1280xf32> to vector<256xf32>
    %reduce_min3A_287 = arith.constant dense<0x7F800000> : vector<1280xf32>
    %reduce_min3A_288 = vector.multi_reduction <minimumf>, %add3A_285, %reduce_min3A_287 [0] : vector<256x1280xf32> to vector<1280xf32>
    %broadcast_in_dim3A_289 = vector.shape_cast %reduce_min3A_288 : vector<1280xf32> to vector<1x1280xf32>
    %eq3A = arith.constant 0 : i32
    %eq3A_290 = arith.cmpi eq, %arg1, %eq3A : i32
    %convert_element_type3A = arith.extui %eq3A_290 : i1 to i32
    %cond3A = arith.constant 0 : i32
    %cond3A_291 = arith.cmpi ne, %convert_element_type3A, %cond3A : i32
    scf.if %cond3A_291 {
      %mul3A_408 = arith.constant 256 : i32
      %mul3A_409 = arith.muli %arg2, %mul3A_408 : i32
      %swap3A_410 = arith.constant 0 : index
      %swap3A_411 = arith.index_cast %mul3A_409 : i32 to index
      %swap3A_412 = vector.load %arg11[%swap3A_410, %swap3A_411] : memref<1x2048xf32, #tpu.memory_space<vmem>>, vector<1x256xf32>
      %swap3A_413 = vector.shape_cast %swap3A_412 : vector<1x256xf32> to vector<256xf32>
      %swap3A_414 = vector.shape_cast %reduce_min3A_286 : vector<256xf32> to vector<1x256xf32>
      tpu.vector_store %arg11[%swap3A_410, %swap3A_411], %swap3A_414 {strides = array<i32>} : memref<1x2048xf32, #tpu.memory_space<vmem>>, vector<1x256xf32>,
    } else {
    }
    %gt3A_292 = arith.constant 0 : i32
    %gt3A_293 = arith.cmpi sgt, %arg1, %gt3A_292 : i32
    %convert_element_type3A_294 = arith.extui %gt3A_293 : i1 to i32
    %cond3A_295 = arith.constant 0 : i32
    %cond3A_296 = arith.cmpi ne, %convert_element_type3A_294, %cond3A_295 : i32
    scf.if %cond3A_296 {
      %mul3A_408 = arith.constant 256 : i32
      %mul3A_409 = arith.muli %arg2, %mul3A_408 : i32
      %get3A_410 = arith.constant 0 : index
      %get3A_411 = arith.index_cast %mul3A_409 : i32 to index
      %get3A_412 = vector.load %arg11[%get3A_410, %get3A_411] : memref<1x2048xf32, #tpu.memory_space<vmem>>, vector<1x256xf32>
      %get3A_413 = vector.shape_cast %get3A_412 : vector<1x256xf32> to vector<256xf32>
      %min3A = arith.minimumf %get3A_413, %reduce_min3A_286 : vector<256xf32>
      %mul3A_414 = arith.constant 256 : i32
      %mul3A_415 = arith.muli %arg2, %mul3A_414 : i32
      %swap3A_416 = arith.constant 0 : index
      %swap3A_417 = arith.index_cast %mul3A_415 : i32 to index
      %swap3A_418 = vector.load %arg11[%swap3A_416, %swap3A_417] : memref<1x2048xf32, #tpu.memory_space<vmem>>, vector<1x256xf32>
      %swap3A_419 = vector.shape_cast %swap3A_418 : vector<1x256xf32> to vector<256xf32>
      %swap3A_420 = vector.shape_cast %min3A : vector<256xf32> to vector<1x256xf32>
      tpu.vector_store %arg11[%swap3A_416, %swap3A_417], %swap3A_420 {strides = array<i32>} : memref<1x2048xf32, #tpu.memory_space<vmem>>, vector<1x256xf32>,
    } else {
    }
    %eq3A_297 = arith.constant 0 : i32
    %eq3A_298 = arith.cmpi eq, %arg2, %eq3A_297 : i32
    %convert_element_type3A_299 = arith.extui %eq3A_298 : i1 to i32
    %cond3A_300 = arith.constant 0 : i32
    %cond3A_301 = arith.cmpi ne, %convert_element_type3A_299, %cond3A_300 : i32
    scf.if %cond3A_301 {
      %squeeze3A_408 = vector.shape_cast %broadcast_in_dim3A_289 : vector<1x1280xf32> to vector<1280xf32>
      %swap3A_409 = arith.constant 0 : index
      %swap3A_410 = arith.constant 0 : index
      %swap3A_411 = vector.load %arg12[%swap3A_409, %swap3A_410] : memref<1x1280xf32, #tpu.memory_space<vmem>>, vector<1x1280xf32>
      %swap3A_412 = vector.shape_cast %swap3A_411 : vector<1x1280xf32> to vector<1280xf32>
      %swap3A_413 = vector.shape_cast %squeeze3A_408 : vector<1280xf32> to vector<1x1280xf32>
      tpu.vector_store %arg12[%swap3A_409, %swap3A_410], %swap3A_413 {strides = array<i32>} : memref<1x1280xf32, #tpu.memory_space<vmem>>, vector<1x1280xf32>,
    } else {
    }
    %gt3A_302 = arith.constant 0 : i32
    %gt3A_303 = arith.cmpi sgt, %arg2, %gt3A_302 : i32
    %convert_element_type3A_304 = arith.extui %gt3A_303 : i1 to i32
    %cond3A_305 = arith.constant 0 : i32
    %cond3A_306 = arith.cmpi ne, %convert_element_type3A_304, %cond3A_305 : i32
    scf.if %cond3A_306 {
      %get3A_408 = arith.constant 0 : index
      %get3A_409 = arith.constant 0 : index
      %get3A_410 = vector.load %arg12[%get3A_408, %get3A_409] : memref<1x1280xf32, #tpu.memory_space<vmem>>, vector<1x1280xf32>
      %get3A_411 = vector.shape_cast %get3A_410 : vector<1x1280xf32> to vector<1280xf32>
      %squeeze3A_412 = vector.shape_cast %broadcast_in_dim3A_289 : vector<1x1280xf32> to vector<1280xf32>
      %min3A = arith.minimumf %get3A_411, %squeeze3A_412 : vector<1280xf32>
      %swap3A_413 = arith.constant 0 : index
      %swap3A_414 = arith.constant 0 : index
      %swap3A_415 = vector.load %arg12[%swap3A_413, %swap3A_414] : memref<1x1280xf32, #tpu.memory_space<vmem>>, vector<1x1280xf32>
      %swap3A_416 = vector.shape_cast %swap3A_415 : vector<1x1280xf32> to vector<1280xf32>
      %swap3A_417 = vector.shape_cast %min3A : vector<1280xf32> to vector<1x1280xf32>
      tpu.vector_store %arg12[%swap3A_413, %swap3A_414], %swap3A_417 {strides = array<i32>} : memref<1x1280xf32, #tpu.memory_space<vmem>>, vector<1x1280xf32>,
    } else {
    }
    %mul3A_307 = arith.constant 256 : i32
    %mul3A_308 = arith.muli %arg2, %mul3A_307 : i32
    %get3A_309 = arith.constant 0 : index
    %get3A_310 = arith.index_cast %mul3A_308 : i32 to index
    %get3A_311 = vector.load %arg11[%get3A_309, %get3A_310] : memref<1x2048xf32, #tpu.memory_space<vmem>>, vector<1x256xf32>
    %get3A_312 = vector.shape_cast %get3A_311 : vector<1x256xf32> to vector<256xf32>
    %reduce_sum3A = vector.shape_cast %get3A_312 : vector<256xf32> to vector<1x256xf32>
    %reduce_sum3A_313 = arith.constant dense<0.000000e+00> : vector<1xf32>
    %reduce_sum3A_314 = vector.multi_reduction <add>, %reduce_sum3A, %reduce_sum3A_313 [1] : vector<1x256xf32> to vector<1xf32>
    %reduce_sum3A_315 = vector.shape_cast %reduce_sum3A_314 : vector<1xf32> to vector<1x1xf32>
    %reduce_sum3A_316 = vector.extract %reduce_sum3A_315[0, 0] : f32 from vector<1x1xf32>
    %reshape3A = vector.broadcast %reduce_sum3A_316 : f32 to vector<1x1xf32>
    %swap3A = arith.constant 0 : index
    %swap3A_317 = arith.constant 0 : index
    %swap3A_318 = arith.constant 0 : index
    %swap3A_319 = vector.load %arg7[%swap3A, %swap3A_317, %swap3A_318] : memref<1x1x1xf32, #tpu.memory_space<vmem>>, vector<1x1x1xf32>
    %swap3A_320 = vector.shape_cast %swap3A_319 : vector<1x1x1xf32> to vector<1x1xf32>
    %swap3A_321 = vector.shape_cast %reshape3A : vector<1x1xf32> to vector<1x1x1xf32>
    tpu.vector_store %arg7[%swap3A, %swap3A_317, %swap3A_318], %swap3A_321 {strides = array<i32>} : memref<1x1x1xf32, #tpu.memory_space<vmem>>, vector<1x1x1xf32>,
    %mul3A_322 = arith.constant 1280 : i32
    %mul3A_323 = arith.muli %arg1, %mul3A_322 : i32
    %iota3A = tpu.iota {dimensions = array<i32: 1>} : vector<1x1280xi32>
    %add3A_324 = vector.broadcast %mul3A_323 : i32 to vector<1x1280xi32>
    %add3A_325 = arith.addi %add3A_324, %iota3A : vector<1x1280xi32>
    %lt3A = arith.constant 5000 : i32
    %lt3A_326 = vector.broadcast %lt3A : i32 to vector<1x1280xi32>
    %lt3A_327 = arith.cmpi slt, %add3A_325, %lt3A_326 : vector<1x1280xi32>
    %convert_element_type3A_328 = arith.extui %lt3A_327 : vector<1x1280xi1> to vector<1x1280xi32>
    %convert_element_type3A_329 = arith.sitofp %convert_element_type3A_328 : vector<1x1280xi32> to vector<1x1280xf32>
    %get3A_330 = arith.constant 0 : index
    %get3A_331 = arith.constant 0 : index
    %get3A_332 = vector.load %arg12[%get3A_330, %get3A_331] : memref<1x1280xf32, #tpu.memory_space<vmem>>, vector<1x1280xf32>
    %get3A_333 = vector.shape_cast %get3A_332 : vector<1x1280xf32> to vector<1280xf32>
    %squeeze3A = vector.shape_cast %convert_element_type3A_329 : vector<1x1280xf32> to vector<1280xf32>
    %mul3A_334 = arith.mulf %get3A_333, %squeeze3A : vector<1280xf32>
    %reduce_sum3A_335 = vector.shape_cast %mul3A_334 : vector<1280xf32> to vector<1x1280xf32>
    %reduce_sum3A_336 = arith.constant dense<0.000000e+00> : vector<1xf32>
    %reduce_sum3A_337 = vector.multi_reduction <add>, %reduce_sum3A_335, %reduce_sum3A_336 [1] : vector<1x1280xf32> to vector<1xf32>
    %reduce_sum3A_338 = vector.shape_cast %reduce_sum3A_337 : vector<1xf32> to vector<1x1xf32>
    %reduce_sum3A_339 = vector.extract %reduce_sum3A_338[0, 0] : f32 from vector<1x1xf32>
    %reshape3A_340 = vector.broadcast %reduce_sum3A_339 : f32 to vector<1x1xf32>
    %swap3A_341 = arith.constant 0 : index
    %swap3A_342 = arith.constant 0 : index
    %swap3A_343 = arith.constant 0 : index
    %swap3A_344 = vector.load %arg8[%swap3A_341, %swap3A_342, %swap3A_343] : memref<1x1x1xf32, #tpu.memory_space<vmem>>, vector<1x1x1xf32>
    %swap3A_345 = vector.shape_cast %swap3A_344 : vector<1x1x1xf32> to vector<1x1xf32>
    %swap3A_346 = vector.shape_cast %reshape3A_340 : vector<1x1xf32> to vector<1x1x1xf32>
    tpu.vector_store %arg8[%swap3A_341, %swap3A_342, %swap3A_343], %swap3A_346 {strides = array<i32>} : memref<1x1x1xf32, #tpu.memory_space<vmem>>, vector<1x1x1xf32>,
    %sub3A_347 = arith.subf %sub3A_28, %sub3A : vector<1x1280xf32>
    %mul3A_348 = arith.mulf %sub3A_347, %sub3A_347 : vector<1x1280xf32>
    %sub3A_349 = arith.subf %sub3A_31, %sub3A_22 : vector<1x1280xf32>
    %mul3A_350 = arith.mulf %sub3A_349, %sub3A_349 : vector<1x1280xf32>
    %add3A_351 = arith.addf %mul3A_348, %mul3A_350 : vector<1x1280xf32>
    %sub3A_352 = arith.subf %sub3A_34, %sub3A_25 : vector<1x1280xf32>
    %mul3A_353 = arith.mulf %sub3A_352, %sub3A_352 : vector<1x1280xf32>
    %add3A_354 = arith.addf %add3A_351, %mul3A_353 : vector<1x1280xf32>
    %add3A_355 = arith.addf %add3A_37, %add3A_354 : vector<1x1280xf32>
    %add3A_356 = arith.addf %add3A_355, %add3A_42 : vector<1x1280xf32>
    %mul3A_357 = arith.mulf %add3A_356, %convert_element_type3A_329 : vector<1x1280xf32>
    %reduce_sum3A_358 = vector.shape_cast %mul3A_357 : vector<1x1280xf32> to vector<1x1x1280xf32>
    %reduce_sum3A_359 = arith.constant dense<0.000000e+00> : vector<1xf32>
    %reduce_sum3A_360 = vector.multi_reduction <add>, %reduce_sum3A_358, %reduce_sum3A_359 [1, 2] : vector<1x1x1280xf32> to vector<1xf32>
    %reduce_sum3A_361 = vector.shape_cast %reduce_sum3A_360 : vector<1xf32> to vector<1x1x1xf32>
    %reduce_sum3A_362 = vector.extract %reduce_sum3A_361[0, 0, 0] : f32 from vector<1x1x1xf32>
    %reshape3A_363 = vector.broadcast %reduce_sum3A_362 : f32 to vector<1x1xf32>
    %swap3A_364 = arith.constant 0 : index
    %swap3A_365 = arith.constant 0 : index
    %swap3A_366 = arith.constant 0 : index
    %swap3A_367 = vector.load %arg9[%swap3A_364, %swap3A_365, %swap3A_366] : memref<1x1x1xf32, #tpu.memory_space<vmem>>, vector<1x1x1xf32>
    %swap3A_368 = vector.shape_cast %swap3A_367 : vector<1x1x1xf32> to vector<1x1xf32>
    %swap3A_369 = vector.shape_cast %reshape3A_363 : vector<1x1xf32> to vector<1x1x1xf32>
    tpu.vector_store %arg9[%swap3A_364, %swap3A_365, %swap3A_366], %swap3A_369 {strides = array<i32>} : memref<1x1x1xf32, #tpu.memory_space<vmem>>, vector<1x1x1xf32>,
    %mul3A_370 = arith.mulf %sub3A_22, %sub3A_34 : vector<1x1280xf32>
    %mul3A_371 = arith.mulf %sub3A_25, %sub3A_31 : vector<1x1280xf32>
    %sub3A_372 = arith.subf %mul3A_370, %mul3A_371 : vector<1x1280xf32>
    %mul3A_373 = arith.mulf %sub3A_25, %sub3A_28 : vector<1x1280xf32>
    %mul3A_374 = arith.mulf %sub3A, %sub3A_34 : vector<1x1280xf32>
    %sub3A_375 = arith.subf %mul3A_373, %mul3A_374 : vector<1x1280xf32>
    %mul3A_376 = arith.mulf %sub3A, %sub3A_31 : vector<1x1280xf32>
    %mul3A_377 = arith.mulf %sub3A_22, %sub3A_28 : vector<1x1280xf32>
    %sub3A_378 = arith.subf %mul3A_376, %mul3A_377 : vector<1x1280xf32>
    %mul3A_379 = arith.mulf %sub3A_372, %sub3A_372 : vector<1x1280xf32>
    %mul3A_380 = arith.mulf %sub3A_375, %sub3A_375 : vector<1x1280xf32>
    %add3A_381 = arith.addf %mul3A_379, %mul3A_380 : vector<1x1280xf32>
    %mul3A_382 = arith.mulf %sub3A_378, %sub3A_378 : vector<1x1280xf32>
    %add3A_383 = arith.addf %add3A_381, %mul3A_382 : vector<1x1280xf32>
    %add3A_384 = arith.constant 9.99999968E-21 : f32
    %add3A_385 = vector.broadcast %add3A_384 : f32 to vector<1x1280xf32>
    %add3A_386 = arith.addf %add3A_383, %add3A_385 : vector<1x1280xf32>
    %rsqrt3A = math.rsqrt %add3A_386 : vector<1x1280xf32>
    %mul3A_387 = arith.mulf %sub3A_372, %rsqrt3A : vector<1x1280xf32>
    %swap3A_388 = arith.constant 0 : index
    %swap3A_389 = arith.constant 0 : index
    %swap3A_390 = arith.constant 0 : index
    %swap3A_391 = vector.load %arg10[%swap3A_388, %swap3A_389, %swap3A_390] : memref<1x3x1280xf32, #tpu.memory_space<vmem>>, vector<1x1x1280xf32>
    %swap3A_392 = vector.shape_cast %swap3A_391 : vector<1x1x1280xf32> to vector<1x1280xf32>
    %swap3A_393 = vector.shape_cast %mul3A_387 : vector<1x1280xf32> to vector<1x1x1280xf32>
    tpu.vector_store %arg10[%swap3A_388, %swap3A_389, %swap3A_390], %swap3A_393 {strides = array<i32>} : memref<1x3x1280xf32, #tpu.memory_space<vmem>>, vector<1x1x1280xf32>,
    %mul3A_394 = arith.mulf %sub3A_375, %rsqrt3A : vector<1x1280xf32>
    %swap3A_395 = arith.constant 0 : index
    %swap3A_396 = arith.constant 1 : index
    %swap3A_397 = arith.constant 0 : index
    %swap3A_398 = vector.load %arg10[%swap3A_395, %swap3A_396, %swap3A_397] : memref<1x3x1280xf32, #tpu.memory_space<vmem>>, vector<1x1x1280xf32>
    %swap3A_399 = vector.shape_cast %swap3A_398 : vector<1x1x1280xf32> to vector<1x1280xf32>
    %swap3A_400 = vector.shape_cast %mul3A_394 : vector<1x1280xf32> to vector<1x1x1280xf32>
    tpu.vector_store %arg10[%swap3A_395, %swap3A_396, %swap3A_397], %swap3A_400 {strides = array<i32>} : memref<1x3x1280xf32, #tpu.memory_space<vmem>>, vector<1x1x1280xf32>,
    %mul3A_401 = arith.mulf %sub3A_378, %rsqrt3A : vector<1x1280xf32>
    %swap3A_402 = arith.constant 0 : index
    %swap3A_403 = arith.constant 2 : index
    %swap3A_404 = arith.constant 0 : index
    %swap3A_405 = vector.load %arg10[%swap3A_402, %swap3A_403, %swap3A_404] : memref<1x3x1280xf32, #tpu.memory_space<vmem>>, vector<1x1x1280xf32>
    %swap3A_406 = vector.shape_cast %swap3A_405 : vector<1x1x1280xf32> to vector<1x1280xf32>
    %swap3A_407 = vector.shape_cast %mul3A_401 : vector<1x1280xf32> to vector<1x1x1280xf32>
    tpu.vector_store %arg10[%swap3A_402, %swap3A_403, %swap3A_404], %swap3A_407 {strides = array<i32>} : memref<1x3x1280xf32, #tpu.memory_space<vmem>>, vector<1x1x1280xf32>,
    return
  }
  func.func @transform_0(%arg0: i32, %arg1: i32, %arg2: i32) -> (i32, i32, i32) {
    %c0_i32 = arith.constant 0 : i32
    %c0_i32_0 = arith.constant 0 : i32
    return %arg0, %c0_i32, %arg2 : i32, i32, i32
  }
  func.func @transform_1(%arg0: i32, %arg1: i32, %arg2: i32) -> (i32, i32, i32) {
    %c0_i32 = arith.constant 0 : i32
    %c0_i32_0 = arith.constant 0 : i32
    return %arg0, %c0_i32, %arg1 : i32, i32, i32
  }
  func.func @transform_2(%arg0: i32, %arg1: i32, %arg2: i32) -> (i32, i32, i32) {
    %c0_i32 = arith.constant 0 : i32
    %c0_i32_0 = arith.constant 0 : i32
    return %arg0, %c0_i32, %arg1 : i32, i32, i32
  }
  func.func @transform_3(%arg0: i32, %arg1: i32, %arg2: i32) -> (i32, i32, i32) {
    %c0_i32 = arith.constant 0 : i32
    %c0_i32_0 = arith.constant 0 : i32
    return %arg0, %c0_i32, %arg1 : i32, i32, i32
  }
  func.func @transform_4(%arg0: i32, %arg1: i32, %arg2: i32) -> (i32, i32, i32) {
    %mul3A = arith.constant 4 : i32
    %mul3A_0 = arith.muli %arg0, %mul3A : i32
    %mul3A_1 = arith.constant 8 : i32
    %mul3A_2 = arith.muli %mul3A_0, %mul3A_1 : i32
    %mul3A_3 = arith.constant 8 : i32
    %mul3A_4 = arith.muli %arg1, %mul3A_3 : i32
    %add3A = arith.addi %mul3A_2, %mul3A_4 : i32
    %add3A_5 = arith.addi %add3A, %arg2 : i32
    %c0_i32 = arith.constant 0 : i32
    %c0_i32_6 = arith.constant 0 : i32
    %c0_i32_7 = arith.constant 0 : i32
    return %add3A_5, %c0_i32, %c0_i32_6 : i32, i32, i32
  }
  func.func @transform_5(%arg0: i32, %arg1: i32, %arg2: i32) -> (i32, i32, i32) {
    %mul3A = arith.constant 4 : i32
    %mul3A_0 = arith.muli %arg0, %mul3A : i32
    %add3A = arith.addi %mul3A_0, %arg1 : i32
    %c0_i32 = arith.constant 0 : i32
    %c0_i32_1 = arith.constant 0 : i32
    %c0_i32_2 = arith.constant 0 : i32
    return %add3A, %c0_i32, %c0_i32_1 : i32, i32, i32
  }
  func.func @transform_6(%arg0: i32, %arg1: i32, %arg2: i32) -> (i32, i32, i32) {
    %mul3A = arith.constant 4 : i32
    %mul3A_0 = arith.muli %arg0, %mul3A : i32
    %add3A = arith.addi %mul3A_0, %arg1 : i32
    %c0_i32 = arith.constant 0 : i32
    %c0_i32_1 = arith.constant 0 : i32
    %c0_i32_2 = arith.constant 0 : i32
    return %add3A, %c0_i32, %c0_i32_1 : i32, i32, i32
  }
  func.func @transform_7(%arg0: i32, %arg1: i32, %arg2: i32) -> (i32, i32, i32) {
    %c0_i32 = arith.constant 0 : i32
    %c0_i32_0 = arith.constant 0 : i32
    return %arg0, %c0_i32, %arg1 : i32, i32, i32
  }
}

module attributes {stable_mosaic.version = 14 : i64} {
  func.func @_chamfer_body(%arg0: i32, %arg1: i32, %arg2: memref<1x3x512xf32, #tpu.memory_space<vmem>>, %arg3: memref<1x3x2048xf32, #tpu.memory_space<vmem>>, %arg4: memref<1x3x512xf32, #tpu.memory_space<vmem>>, %arg5: memref<1x3x512xf32, #tpu.memory_space<vmem>>, %arg6: memref<1x1x1xf32, #tpu.memory_space<vmem>>, %arg7: memref<1x1x1xf32, #tpu.memory_space<vmem>>, %arg8: memref<1x1x1xf32, #tpu.memory_space<vmem>>, %arg9: memref<1x2048xf32, #tpu.memory_space<vmem>>) attributes {dimension_semantics = [#tpu.dimension_semantics<arbitrary>, #tpu.dimension_semantics<arbitrary>], iteration_bounds = array<i64: 4, 4>, scalar_prefetch = 0 : i64, scratch_operands = 1 : i64, tpu.core_type = #tpu.core_type<tc>, window_params = [{transform_indices = @transform_0, window_bounds = array<i64: 1, 3, 512>}, {transform_indices = @transform_1, window_bounds = array<i64: 1, 3, 2048>}, {transform_indices = @transform_2, window_bounds = array<i64: 1, 3, 512>}, {transform_indices = @transform_3, window_bounds = array<i64: 1, 3, 512>}, {transform_indices = @transform_4, window_bounds = array<i64: 1, 1, 1>}, {transform_indices = @transform_5, window_bounds = array<i64: 1, 1, 1>}, {transform_indices = @transform_6, window_bounds = array<i64: 1, 1, 1>}]} {
    %get3A = arith.constant 0 : index
    %get3A_0 = arith.constant 0 : index
    %get3A_1 = arith.constant 0 : index
    %get3A_2 = vector.load %arg2[%get3A, %get3A_0, %get3A_1] : memref<1x3x512xf32, #tpu.memory_space<vmem>>, vector<1x3x512xf32>
    %get3A_3 = vector.shape_cast %get3A_2 : vector<1x3x512xf32> to vector<3x512xf32>
    %get3A_4 = arith.constant 0 : index
    %get3A_5 = arith.constant 0 : index
    %get3A_6 = arith.constant 0 : index
    %get3A_7 = vector.load %arg3[%get3A_4, %get3A_5, %get3A_6] : memref<1x3x2048xf32, #tpu.memory_space<vmem>>, vector<1x3x2048xf32>
    %get3A_8 = vector.shape_cast %get3A_7 : vector<1x3x2048xf32> to vector<3x2048xf32>
    %mul3A = arith.mulf %get3A_3, %get3A_3 : vector<3x512xf32>
    %reduce_sum3A = arith.constant dense<0.000000e+00> : vector<512xf32>
    %reduce_sum3A_9 = vector.multi_reduction <add>, %mul3A, %reduce_sum3A [0] : vector<3x512xf32> to vector<512xf32>
    %broadcast_in_dim3A = vector.shape_cast %reduce_sum3A_9 : vector<512xf32> to vector<1x512xf32>
    %transpose3A = tpu.transpose %broadcast_in_dim3A, [1, 0] : vector<1x512xf32> -> vector<512x1xf32>
    %mul3A_10 = arith.mulf %get3A_8, %get3A_8 : vector<3x2048xf32>
    %reduce_sum3A_11 = arith.constant dense<0.000000e+00> : vector<2048xf32>
    %reduce_sum3A_12 = vector.multi_reduction <add>, %mul3A_10, %reduce_sum3A_11 [0] : vector<3x2048xf32> to vector<2048xf32>
    %broadcast_in_dim3A_13 = vector.shape_cast %reduce_sum3A_12 : vector<2048xf32> to vector<1x2048xf32>
    %transpose3A_14 = tpu.transpose %get3A_3, [1, 0] : vector<3x512xf32> -> vector<512x3xf32>
    %dot_general3A = arith.constant dense<0.000000e+00> : vector<512x2048xf32>
    %dot_general3A_15 = tpu.matmul %transpose3A_14, %get3A_8, %dot_general3A {dimension_numbers = #tpu.dot_dimension_numbers<[1], [0], [0], [1], [0, 0, 1, 1], [], []>, transpose_lhs_hint = false} : vector<512x3xf32>, vector<3x2048xf32>, vector<512x2048xf32> -> vector<512x2048xf32>
    %add3A = vector.broadcast %transpose3A : vector<512x1xf32> to vector<512x2048xf32>
    %add3A_16 = vector.broadcast %broadcast_in_dim3A_13 : vector<1x2048xf32> to vector<512x2048xf32>
    %add3A_17 = arith.addf %add3A, %add3A_16 : vector<512x2048xf32>
    %mul3A_18 = arith.constant 2.000000e+00 : f32
    %mul3A_19 = vector.broadcast %mul3A_18 : f32 to vector<512x2048xf32>
    %mul3A_20 = arith.mulf %mul3A_19, %dot_general3A_15 : vector<512x2048xf32>
    %sub3A = arith.subf %add3A_17, %mul3A_20 : vector<512x2048xf32>
    %max3A = arith.constant 0.000000e+00 : f32
    %max3A_21 = vector.broadcast %max3A : f32 to vector<512x2048xf32>
    %max3A_22 = arith.maximumf %sub3A, %max3A_21 : vector<512x2048xf32>
    %reduce_min3A = arith.constant dense<0x7F800000> : vector<512xf32>
    %reduce_min3A_23 = vector.multi_reduction <minimumf>, %max3A_22, %reduce_min3A [1] : vector<512x2048xf32> to vector<512xf32>
    %reduce_min3A_24 = arith.constant dense<0x7F800000> : vector<2048xf32>
    %reduce_min3A_25 = vector.multi_reduction <minimumf>, %max3A_22, %reduce_min3A_24 [0] : vector<512x2048xf32> to vector<2048xf32>
    %broadcast_in_dim3A_26 = vector.shape_cast %reduce_min3A_25 : vector<2048xf32> to vector<1x2048xf32>
    %eq3A = arith.constant 0 : i32
    %eq3A_27 = arith.cmpi eq, %arg1, %eq3A : i32
    %convert_element_type3A = arith.extui %eq3A_27 : i1 to i32
    %cond3A = arith.constant 0 : i32
    %cond3A_28 = arith.cmpi ne, %convert_element_type3A, %cond3A : i32
    scf.if %cond3A_28 {
      %swap3A_82 = arith.constant 0 : index
      %swap3A_83 = arith.constant 0 : index
      %swap3A_84 = vector.load %arg9[%swap3A_82, %swap3A_83] : memref<1x2048xf32, #tpu.memory_space<vmem>>, vector<1x2048xf32>
      tpu.vector_store %arg9[%swap3A_82, %swap3A_83], %broadcast_in_dim3A_26 {strides = array<i32>} : memref<1x2048xf32, #tpu.memory_space<vmem>>, vector<1x2048xf32>,
    } else {
    }
    %gt3A = arith.constant 0 : i32
    %gt3A_29 = arith.cmpi sgt, %arg1, %gt3A : i32
    %convert_element_type3A_30 = arith.extui %gt3A_29 : i1 to i32
    %cond3A_31 = arith.constant 0 : i32
    %cond3A_32 = arith.cmpi ne, %convert_element_type3A_30, %cond3A_31 : i32
    scf.if %cond3A_32 {
      %get3A_82 = arith.constant 0 : index
      %get3A_83 = arith.constant 0 : index
      %get3A_84 = vector.load %arg9[%get3A_82, %get3A_83] : memref<1x2048xf32, #tpu.memory_space<vmem>>, vector<1x2048xf32>
      %min3A = arith.minimumf %get3A_84, %broadcast_in_dim3A_26 : vector<1x2048xf32>
      %swap3A_85 = arith.constant 0 : index
      %swap3A_86 = arith.constant 0 : index
      %swap3A_87 = vector.load %arg9[%swap3A_85, %swap3A_86] : memref<1x2048xf32, #tpu.memory_space<vmem>>, vector<1x2048xf32>
      tpu.vector_store %arg9[%swap3A_85, %swap3A_86], %min3A {strides = array<i32>} : memref<1x2048xf32, #tpu.memory_space<vmem>>, vector<1x2048xf32>,
    } else {
    }
    %reduce_sum3A_33 = vector.shape_cast %reduce_min3A_23 : vector<512xf32> to vector<1x512xf32>
    %reduce_sum3A_34 = arith.constant dense<0.000000e+00> : vector<1xf32>
    %reduce_sum3A_35 = vector.multi_reduction <add>, %reduce_sum3A_33, %reduce_sum3A_34 [1] : vector<1x512xf32> to vector<1xf32>
    %reduce_sum3A_36 = vector.shape_cast %reduce_sum3A_35 : vector<1xf32> to vector<1x1xf32>
    %reduce_sum3A_37 = vector.extract %reduce_sum3A_36[0, 0] : f32 from vector<1x1xf32>
    %reshape3A = vector.broadcast %reduce_sum3A_37 : f32 to vector<1x1xf32>
    %swap3A = arith.constant 0 : index
    %swap3A_38 = arith.constant 0 : index
    %swap3A_39 = arith.constant 0 : index
    %swap3A_40 = vector.load %arg6[%swap3A, %swap3A_38, %swap3A_39] : memref<1x1x1xf32, #tpu.memory_space<vmem>>, vector<1x1x1xf32>
    %swap3A_41 = vector.shape_cast %swap3A_40 : vector<1x1x1xf32> to vector<1x1xf32>
    %swap3A_42 = vector.shape_cast %reshape3A : vector<1x1xf32> to vector<1x1x1xf32>
    tpu.vector_store %arg6[%swap3A, %swap3A_38, %swap3A_39], %swap3A_42 {strides = array<i32>} : memref<1x1x1xf32, #tpu.memory_space<vmem>>, vector<1x1x1xf32>,
    %get3A_43 = arith.constant 0 : index
    %get3A_44 = arith.constant 0 : index
    %get3A_45 = vector.load %arg9[%get3A_43, %get3A_44] : memref<1x2048xf32, #tpu.memory_space<vmem>>, vector<1x2048xf32>
    %reduce_sum3A_46 = vector.shape_cast %get3A_45 : vector<1x2048xf32> to vector<1x1x2048xf32>
    %reduce_sum3A_47 = arith.constant dense<0.000000e+00> : vector<1xf32>
    %reduce_sum3A_48 = vector.multi_reduction <add>, %reduce_sum3A_46, %reduce_sum3A_47 [1, 2] : vector<1x1x2048xf32> to vector<1xf32>
    %reduce_sum3A_49 = vector.shape_cast %reduce_sum3A_48 : vector<1xf32> to vector<1x1x1xf32>
    %reduce_sum3A_50 = vector.extract %reduce_sum3A_49[0, 0, 0] : f32 from vector<1x1x1xf32>
    %reshape3A_51 = vector.broadcast %reduce_sum3A_50 : f32 to vector<1x1xf32>
    %swap3A_52 = arith.constant 0 : index
    %swap3A_53 = arith.constant 0 : index
    %swap3A_54 = arith.constant 0 : index
    %swap3A_55 = vector.load %arg7[%swap3A_52, %swap3A_53, %swap3A_54] : memref<1x1x1xf32, #tpu.memory_space<vmem>>, vector<1x1x1xf32>
    %swap3A_56 = vector.shape_cast %swap3A_55 : vector<1x1x1xf32> to vector<1x1xf32>
    %swap3A_57 = vector.shape_cast %reshape3A_51 : vector<1x1xf32> to vector<1x1x1xf32>
    tpu.vector_store %arg7[%swap3A_52, %swap3A_53, %swap3A_54], %swap3A_57 {strides = array<i32>} : memref<1x1x1xf32, #tpu.memory_space<vmem>>, vector<1x1x1xf32>,
    %get3A_58 = arith.constant 0 : index
    %get3A_59 = arith.constant 0 : index
    %get3A_60 = arith.constant 0 : index
    %get3A_61 = vector.load %arg4[%get3A_58, %get3A_59, %get3A_60] : memref<1x3x512xf32, #tpu.memory_space<vmem>>, vector<1x3x512xf32>
    %get3A_62 = vector.shape_cast %get3A_61 : vector<1x3x512xf32> to vector<3x512xf32>
    %get3A_63 = arith.constant 0 : index
    %get3A_64 = arith.constant 0 : index
    %get3A_65 = arith.constant 0 : index
    %get3A_66 = vector.load %arg5[%get3A_63, %get3A_64, %get3A_65] : memref<1x3x512xf32, #tpu.memory_space<vmem>>, vector<1x3x512xf32>
    %get3A_67 = vector.shape_cast %get3A_66 : vector<1x3x512xf32> to vector<3x512xf32>
    %sub3A_68 = arith.subf %get3A_62, %get3A_67 : vector<3x512xf32>
    %mul3A_69 = arith.mulf %sub3A_68, %sub3A_68 : vector<3x512xf32>
    %reduce_sum3A_70 = vector.shape_cast %mul3A_69 : vector<3x512xf32> to vector<1x3x512xf32>
    %reduce_sum3A_71 = arith.constant dense<0.000000e+00> : vector<1xf32>
    %reduce_sum3A_72 = vector.multi_reduction <add>, %reduce_sum3A_70, %reduce_sum3A_71 [1, 2] : vector<1x3x512xf32> to vector<1xf32>
    %reduce_sum3A_73 = vector.shape_cast %reduce_sum3A_72 : vector<1xf32> to vector<1x1x1xf32>
    %reduce_sum3A_74 = vector.extract %reduce_sum3A_73[0, 0, 0] : f32 from vector<1x1x1xf32>
    %reshape3A_75 = vector.broadcast %reduce_sum3A_74 : f32 to vector<1x1xf32>
    %swap3A_76 = arith.constant 0 : index
    %swap3A_77 = arith.constant 0 : index
    %swap3A_78 = arith.constant 0 : index
    %swap3A_79 = vector.load %arg8[%swap3A_76, %swap3A_77, %swap3A_78] : memref<1x1x1xf32, #tpu.memory_space<vmem>>, vector<1x1x1xf32>
    %swap3A_80 = vector.shape_cast %swap3A_79 : vector<1x1x1xf32> to vector<1x1xf32>
    %swap3A_81 = vector.shape_cast %reshape3A_75 : vector<1x1xf32> to vector<1x1x1xf32>
    tpu.vector_store %arg8[%swap3A_76, %swap3A_77, %swap3A_78], %swap3A_81 {strides = array<i32>} : memref<1x1x1xf32, #tpu.memory_space<vmem>>, vector<1x1x1xf32>,
    return
  }
  func.func @transform_0(%arg0: i32, %arg1: i32) -> (i32, i32, i32) {
    %c0_i32 = arith.constant 0 : i32
    %c0_i32_0 = arith.constant 0 : i32
    return %arg0, %c0_i32, %arg1 : i32, i32, i32
  }
  func.func @transform_1(%arg0: i32, %arg1: i32) -> (i32, i32, i32) {
    %c0_i32 = arith.constant 0 : i32
    %c0_i32_0 = arith.constant 0 : i32
    %c0_i32_1 = arith.constant 0 : i32
    return %arg0, %c0_i32, %c0_i32_0 : i32, i32, i32
  }
  func.func @transform_2(%arg0: i32, %arg1: i32) -> (i32, i32, i32) {
    %c0_i32 = arith.constant 0 : i32
    %c0_i32_0 = arith.constant 0 : i32
    return %arg0, %c0_i32, %arg1 : i32, i32, i32
  }
  func.func @transform_3(%arg0: i32, %arg1: i32) -> (i32, i32, i32) {
    %c0_i32 = arith.constant 0 : i32
    %c0_i32_0 = arith.constant 0 : i32
    return %arg0, %c0_i32, %arg1 : i32, i32, i32
  }
  func.func @transform_4(%arg0: i32, %arg1: i32) -> (i32, i32, i32) {
    %mul3A = arith.constant 4 : i32
    %mul3A_0 = arith.muli %arg0, %mul3A : i32
    %add3A = arith.addi %mul3A_0, %arg1 : i32
    %c0_i32 = arith.constant 0 : i32
    %c0_i32_1 = arith.constant 0 : i32
    %c0_i32_2 = arith.constant 0 : i32
    return %add3A, %c0_i32, %c0_i32_1 : i32, i32, i32
  }
  func.func @transform_5(%arg0: i32, %arg1: i32) -> (i32, i32, i32) {
    %mul3A = arith.constant 4 : i32
    %mul3A_0 = arith.muli %arg0, %mul3A : i32
    %add3A = arith.addi %mul3A_0, %arg1 : i32
    %c0_i32 = arith.constant 0 : i32
    %c0_i32_1 = arith.constant 0 : i32
    %c0_i32_2 = arith.constant 0 : i32
    return %add3A, %c0_i32, %c0_i32_1 : i32, i32, i32
  }
  func.func @transform_6(%arg0: i32, %arg1: i32) -> (i32, i32, i32) {
    %mul3A = arith.constant 4 : i32
    %mul3A_0 = arith.muli %arg0, %mul3A : i32
    %add3A = arith.addi %mul3A_0, %arg1 : i32
    %c0_i32 = arith.constant 0 : i32
    %c0_i32_1 = arith.constant 0 : i32
    %c0_i32_2 = arith.constant 0 : i32
    return %add3A, %c0_i32, %c0_i32_1 : i32, i32, i32
  }
}

module attributes {stable_mosaic.version = 14 : i64} {
  func.func @_lap_finish_body(%arg0: i32, %arg1: memref<1x2560x128xf32, #tpu.memory_space<vmem>>, %arg2: memref<1x2560x128xf32, #tpu.memory_space<vmem>>, %arg3: memref<1x1x1xf32, #tpu.memory_space<vmem>>) attributes {dimension_semantics = [#tpu.dimension_semantics<arbitrary>], iteration_bounds = array<i64: 4>, scalar_prefetch = 0 : i64, scratch_operands = 0 : i64, tpu.core_type = #tpu.core_type<tc>, window_params = [{transform_indices = @transform_0, window_bounds = array<i64: 1, 2560, 128>}, {transform_indices = @transform_1, window_bounds = array<i64: 1, 2560, 128>}, {transform_indices = @transform_2, window_bounds = array<i64: 1, 1, 1>}]} {
    %get3A = arith.constant 0 : index
    %get3A_0 = arith.constant 0 : index
    %get3A_1 = arith.constant 0 : index
    %get3A_2 = vector.load %arg1[%get3A, %get3A_0, %get3A_1] : memref<1x2560x128xf32, #tpu.memory_space<vmem>>, vector<1x2560x128xf32>
    %get3A_3 = vector.shape_cast %get3A_2 : vector<1x2560x128xf32> to vector<2560x128xf32>
    %get3A_4 = arith.constant 0 : index
    %get3A_5 = arith.constant 0 : index
    %get3A_6 = arith.constant 0 : index
    %get3A_7 = vector.load %arg2[%get3A_4, %get3A_5, %get3A_6] : memref<1x2560x128xf32, #tpu.memory_space<vmem>>, vector<1x2560x128xf32>
    %get3A_8 = vector.shape_cast %get3A_7 : vector<1x2560x128xf32> to vector<2560x128xf32>
    %slice3A = vector.extract_strided_slice %get3A_3 {offsets = [0, 3], sizes = [2560, 1], strides = [1, 1]} : vector<2560x128xf32> to vector<2560x1xf32>
    %max3A = arith.constant 1.000000e+00 : f32
    %max3A_9 = vector.broadcast %max3A : f32 to vector<2560x1xf32>
    %max3A_10 = arith.maximumf %slice3A, %max3A_9 : vector<2560x1xf32>
    %slice3A_11 = vector.extract_strided_slice %get3A_3 {offsets = [0, 0], sizes = [2560, 3], strides = [1, 1]} : vector<2560x128xf32> to vector<2560x3xf32>
    %div3A = vector.broadcast %max3A_10 : vector<2560x1xf32> to vector<2560x3xf32>
    %div3A_12 = arith.divf %slice3A_11, %div3A : vector<2560x3xf32>
    %slice3A_13 = vector.extract_strided_slice %get3A_8 {offsets = [0, 0], sizes = [2560, 3], strides = [1, 1]} : vector<2560x128xf32> to vector<2560x3xf32>
    %sub3A = arith.subf %div3A_12, %slice3A_13 : vector<2560x3xf32>
    %mul3A = arith.mulf %sub3A, %sub3A : vector<2560x3xf32>
    %reduce_sum3A = arith.constant dense<0.000000e+00> : vector<2560xf32>
    %reduce_sum3A_14 = vector.multi_reduction <add>, %mul3A, %reduce_sum3A [1] : vector<2560x3xf32> to vector<2560xf32>
    %broadcast_in_dim3A = vector.shape_cast %reduce_sum3A_14 : vector<2560xf32> to vector<2560x1xf32>
    %add3A = arith.constant 9.99999968E-21 : f32
    %add3A_15 = vector.broadcast %add3A : f32 to vector<2560x1xf32>
    %add3A_16 = arith.addf %broadcast_in_dim3A, %add3A_15 : vector<2560x1xf32>
    %sqrt3A = math.sqrt %add3A_16 : vector<2560x1xf32>
    %iota3A = tpu.iota {dimensions = array<i32: 0>} : vector<2560x1xi32>
    %lt3A = arith.constant 2500 : i32
    %lt3A_17 = vector.broadcast %lt3A : i32 to vector<2560x1xi32>
    %lt3A_18 = arith.cmpi slt, %iota3A, %lt3A_17 : vector<2560x1xi32>
    %jit3A = arith.constant 0.000000e+00 : f32
    %broadcast_in_dim3A_19 = vector.broadcast %jit3A : f32 to vector<2560x1xf32>
    %select_n3A = arith.select %lt3A_18, %sqrt3A, %broadcast_in_dim3A_19 : vector<2560x1xi1>, vector<2560x1xf32>
    %reduce_sum3A_20 = vector.shape_cast %select_n3A : vector<2560x1xf32> to vector<1x2560x1xf32>
    %reduce_sum3A_21 = arith.constant dense<0.000000e+00> : vector<1xf32>
    %reduce_sum3A_22 = vector.multi_reduction <add>, %reduce_sum3A_20, %reduce_sum3A_21 [1, 2] : vector<1x2560x1xf32> to vector<1xf32>
    %reduce_sum3A_23 = vector.shape_cast %reduce_sum3A_22 : vector<1xf32> to vector<1x1x1xf32>
    %reduce_sum3A_24 = vector.extract %reduce_sum3A_23[0, 0, 0] : f32 from vector<1x1x1xf32>
    %reshape3A = vector.broadcast %reduce_sum3A_24 : f32 to vector<1x1xf32>
    %swap3A = arith.constant 0 : index
    %swap3A_25 = arith.constant 0 : index
    %swap3A_26 = arith.constant 0 : index
    %swap3A_27 = vector.load %arg3[%swap3A, %swap3A_25, %swap3A_26] : memref<1x1x1xf32, #tpu.memory_space<vmem>>, vector<1x1x1xf32>
    %swap3A_28 = vector.shape_cast %swap3A_27 : vector<1x1x1xf32> to vector<1x1xf32>
    %swap3A_29 = vector.shape_cast %reshape3A : vector<1x1xf32> to vector<1x1x1xf32>
    tpu.vector_store %arg3[%swap3A, %swap3A_25, %swap3A_26], %swap3A_29 {strides = array<i32>} : memref<1x1x1xf32, #tpu.memory_space<vmem>>, vector<1x1x1xf32>,
    return
  }
  func.func @transform_0(%arg0: i32) -> (i32, i32, i32) {
    %c0_i32 = arith.constant 0 : i32
    %c0_i32_0 = arith.constant 0 : i32
    %c0_i32_1 = arith.constant 0 : i32
    return %arg0, %c0_i32, %c0_i32_0 : i32, i32, i32
  }
  func.func @transform_1(%arg0: i32) -> (i32, i32, i32) {
    %c0_i32 = arith.constant 0 : i32
    %c0_i32_0 = arith.constant 0 : i32
    %c0_i32_1 = arith.constant 0 : i32
    return %arg0, %c0_i32, %c0_i32_0 : i32, i32, i32
  }
  func.func @transform_2(%arg0: i32) -> (i32, i32, i32) {
    %c0_i32 = arith.constant 0 : i32
    %c0_i32_0 = arith.constant 0 : i32
    %c0_i32_1 = arith.constant 0 : i32
    return %arg0, %c0_i32, %c0_i32_0 : i32, i32, i32
  }
}

</mosaic_0001>

<sc_bundles>
// kernel: gather_offload_async_start.1
scs
__scs_entry_jumppad:
0x0: {  	(pc) =	sbr.rel $0x88, $3  }
0x1: {  	(tag) =	ssettag $0x0;
	lr =	simm.s32 $0x1  }
0x2: {  	[smem:$0x3F9B] =	sst lr;
	_ =	strace $0xD0000000  }
0x3: {  	_ = 	snop  }
0x4: {  	_ = 	snop  }
0x5: {  	_ = 	snop  }
0x6: {  	_ = 	snop  }
0x7: {  	_ = 	snop  }
__scs_overlays_trampoline_lowered:
0x8: {  	[smem:$0x3FAA] =	sst s0  }
0x9: {  	[smem:$0x3FAB] =	sst s1  }
0xa: {  	[smem:$0x3FAC] =	sst s2  }
0xb: {  	[smem:$0x3FAD] =	sst s3  }
0xc: {  	[smem:$0x3FAE] =	sst s4  }
0xd: {  	[smem:$0x3FAF] =	sst s5  }
0xe: {  	[smem:$0x3FB0] =	sst s6  }
0xf: {  	[smem:$0x3FB1] =	sst s7  }
0x10: {  	[smem:$0x3FB2] =	sst s8  }
0x11: {  	[smem:$0x3FB3] =	sst s9;
	s0 =	simm.s32 @!p0 $0x0  }
0x12: {  	s1 =	sld [smem:$0x3F99];
	s0 =	simm.s32 @p0 $0x1  }
0x13: {  	[smem:$0x3FB4] =	sst s0;
	s0 =	simm.s32 @!p1 $0x0  }
0x14: {  	s2 =	sld [smem:$0x3F98];
	s0 =	simm.s32 @p1 $0x1  }
0x15: {  	[smem:$0x3FB5] =	sst s0;
	s0 =	simm.s32 @!p2 $0x0  }
0x16: {  	s3 =	sld [smem:$0x3FDB];
	s0 =	simm.s32 @p2 $0x1  }
0x17: {  	s4 =	simm.s32 $0x1BF5;
	[smem:$0x3FB7] =	sst s0  }
0x18: {  	s0 =	sld [smem:$0x3F9A];
	_ =	swait.ge [sflag:s4], $0x0  }
0x19: {  	s7 =	sld [smem:$0x3F9B]  }
0x1a: {  	s8 =	sadd.s32 $0xFFFFE003, lr  }
0x1b: {  	s9 =	sadd.s32 $0xFFFFFEF7, lr;
	s5 =	simm.s32 $0xFFFFFFFF;
	p2 =	slt.u32 s8, $0xFFFFF086  }
0x1c: {  	p1 =	slt.u32 s9, $0xF7A;
	s5 =	simm.s32 @!p2 $0x0  }
0x1d: {  	s5 =	simm.s32 @p1 $0x1;
	p0 =	seq.s32 s7, s2  }
0x1e: {  	s7 =	smul.u32 @!p0 $0xF7A, s2;
	p2 =	seq.s32 @!p0 s5, $0x0  }
0x1f: {  	s9 =	smul.u32 $0xF7A, s1;
	s8 =	simm.s32 @!p0 $0x1BF5;
	p2 =	por !p2, p0  }
0x20: {  	[sflag:s8] =	ssyncset.s32 @!p0 $0xFFFFF086;
	s6 =	sadd.s32 @!p0 s3, s7;
	s7 =	simm.s32 @!p0 $0x108  }
0x21: {  	s3 =	sadd.s32 s3, s9;
	s6 =	sadd.s32 @!p0 $0x88, s6;
	s7 =	simm.s32 @p2 $0x1082  }
0x22: {  	[simem:s7], [sflag:s8] =	dma.local @!p0 [hbm:s6], $0xF7A  }
0x23: {  	s9 =	sor.u32 $0xD0000000, s2;
	s6 =	simm.s32 $0x108;
	_ =	swait.ge @!p0 [sflag:s8], $0x0  }
0x24: {  	s3 =	sadd.s32 $0x88, s3;
	s6 =	simm.s32 @!p1 $0x1082;
	[sflag:s4] =	ssyncset.s32 $0xFFFFF086  }
0x25: {  	[simem:s6], [sflag:s4] =	dma.local [hbm:s3], $0xF7A  }
0x26: {  	[smem:$0x3F9B] =	sst s1;
	(tag) =	ssettag s2;
	_ =	strace s9  }
0x27: {  	s1 =	sld [smem:$0x3FAB]  }
0x28: {  	s2 =	sld [smem:$0x3FAC]  }
0x29: {  	s4 =	sld [smem:$0x3FAE]  }
0x2a: {  	p0 =	seq.s32 s5, $0x0;
	s5 =	sld [smem:$0x3FAF]  }
0x2b: {  	s6 =	sld [smem:$0x3FB0]  }
0x2c: {  	s7 =	sld [smem:$0x3FB1]  }
0x2d: {  	s3 =	simm.s32 $0x108;
	s8 =	sld [smem:$0x3FB2]  }
0x2e: {  	s3 =	simm.s32 @!p0 $0x1082;
	s9 =	sld [smem:$0x3FB3]  }
0x2f: {  	lr =	sadd.s32 s0, s3;
	s0 =	sld [smem:$0x3FAA]  }
0x30: {  	s3 =	sld [smem:$0x3FAD]  }
0x31: {  	[smem:$0x3FB6] =	sst s10  }
0x32: {  	s10 =	sld [smem:$0x3FB4];
	_ =	sdelay $0x3  }
0x33: {  	p0 =	seq.s32 s10, $0x1;
	s10 =	sld [smem:$0x3FB6];
	_ =	sdelay $0x3  }
0x34: {  	[smem:$0x3FB6] =	sst s10  }
0x35: {  	s10 =	sld [smem:$0x3FB5];
	_ =	sdelay $0x3  }
0x36: {  	p1 =	seq.s32 s10, $0x1;
	s10 =	sld [smem:$0x3FB6];
	_ =	sdelay $0x3  }
0x37: {  	[smem:$0x3FB6] =	sst s10  }
0x38: {  	s10 =	sld [smem:$0x3FB7]  }
0x39: {  	_ = 	snop;
	(pc) =	sbr.ind lr, $3  }
0x3a: {  	_ = 	snop  }
0x3b: {  	_ = 	snop  }
0x3c: {  	p2 =	seq.s32 s10, $0x1;
	s10 =	sld [smem:$0x3FB6]  }
0x3d: {  	_ =	shalt  }
0x3e: {  	_ =	shalt  }
0x3f: {  	_ =	shalt  }
0x40: {  	_ =	shalt  }
0x41: {  	_ =	shalt  }
0x42: {  	_ =	shalt  }
0x43: {  	_ =	shalt  }
0x44: {  	_ =	shalt  }
0x45: {  	_ =	shalt  }
0x46: {  	_ =	shalt  }
0x47: {  	_ =	shalt  }
0x48: {  	_ =	shalt  }
0x49: {  	_ =	shalt  }
0x4a: {  	_ =	shalt  }
0x4b: {  	_ =	shalt  }
0x4c: {  	_ =	shalt  }
0x4d: {  	_ =	shalt  }
0x4e: {  	_ =	shalt  }
0x4f: {  	_ =	shalt  }
0x50: {  	_ =	shalt  }
0x51: {  	_ =	shalt  }
0x52: {  	_ =	shalt  }
0x53: {  	_ =	shalt  }
0x54: {  	_ =	shalt  }
0x55: {  	_ =	shalt  }
0x56: {  	_ =	shalt  }
0x57: {  	_ =	shalt  }
0x58: {  	_ =	shalt  }
0x59: {  	_ =	shalt  }
0x5a: {  	_ =	shalt  }
0x5b: {  	_ =	shalt  }
0x5c: {  	_ =	shalt  }
0x5d: {  	_ =	shalt  }
0x5e: {  	_ =	shalt  }
0x5f: {  	_ =	shalt  }
0x60: {  	_ =	shalt  }
0x61: {  	_ =	shalt  }
0x62: {  	_ =	shalt  }
0x63: {  	_ =	shalt  }
0x64: {  	_ =	shalt  }
0x65: {  	_ =	shalt  }
0x66: {  	_ =	shalt  }
0x67: {  	_ =	shalt  }
0x68: {  	_ =	shalt  }
0x69: {  	_ =	shalt  }
0x6a: {  	_ =	shalt  }
0x6b: {  	_ =	shalt  }
0x6c: {  	_ =	shalt  }
0x6d: {  	_ =	shalt  }
0x6e: {  	_ =	shalt  }
0x6f: {  	_ =	shalt  }
0x70: {  	_ =	shalt  }
0x71: {  	_ =	shalt  }
0x72: {  	_ =	shalt  }
0x73: {  	_ =	shalt  }
0x74: {  	_ =	shalt  }
0x75: {  	_ =	shalt  }
0x76: {  	_ =	shalt  }
0x77: {  	_ =	shalt  }
0x78: {  	_ =	shalt  }
0x79: {  	_ =	shalt  }
0x7a: {  	_ =	shalt  }
0x7b: {  	_ =	shalt  }
0x7c: {  	_ =	shalt  }
0x7d: {  	_ =	shalt  }
0x7e: {  	_ =	shalt  }
0x7f: {  	_ =	shalt  }
0x80: {  	_ =	shalt  }
0x81: {  	_ =	shalt  }
0x82: {  	_ =	shalt  }
0x83: {  	_ =	shalt  }
0x84: {  	_ =	shalt  }
0x85: {  	_ =	shalt  }
0x86: {  	_ =	shalt  }
0x87: {  	_ =	shalt  }
.Lfunc_end0:
.L_simem_size_0:
called_computation.1_lowered:
.L_overlay_start_0:
0x88: {  	s2 =	sld [smem:$0x3FD9]  }
0x89: {  	s3 =	sld [smem:$0x3FFE];
	_ =	sdelay $0x1  }
0x8a: {  	s1 =	srdreg.scid  }
0x8b: {  	s0 =	sand.u32 $0x1, s1  }
0x8c: {  	s16 =	sshll.u32 s0, $0xA;
	s2 =	sadd.s32 s3, s2  }
0x8d: {  	s2 =	sadd.s32 s2, s16  }
0x8e: {  	[smem:$0x3FC2] =	sst s2  }
0x8f: {  	_ = 	snop  }
0x90: {  	(tm) =	ssettm $0x1  }
0x91: {  	s17 =	sld [smem:$0x3FFB];
	_ =	sdelay $0x3  }
0x92: {  	_ =	strace s17  }
0x93: {  	s2 =	sld [smem:$0x3FFC];
	_ =	sdelay $0x3  }
0x94: {  	_ =	strace s2  }
0x95: {  	s2 =	sld [smem:$0x3FFD];
	_ =	sdelay $0x3  }
0x96: {  	_ =	strace s2  }
0x97: {  	_ =	strace $0x8FFFFFFF  }
0x98: {  	s18 =	sld [smem:$0x3FDB];
	_ =	sdelay $0x1  }
0x99: {  	s19 =	simm.s32 $_scs_section_size  }
0x9a: {  	s4 =	simm.s32 $_size__tile_overlayer_lowered;
	s5 =	simm.s32 $_tile_overlayer_lowered  }
0x9b: {  	s22 =	simm.s32 $0x1BFF;
	s21 =	sshll.u32 s5, $0x1;
	s2 =	sadd.s32 s19, s18  }
0x9c: {  	s6 =	simm.s32 $0x0;
	s20 =	sshll.u32 s4, $0x1;
	s4 =	sadd.s32 s21, s2  }
0x9d: {  	[timem:s6], [sflag:s22] =	dma.local [hbm:s4], s20  }
0x9e: {  	_ =	swait.ge [sflag:s22], s20  }
0x9f: {  	s3 =	ssub.s32 $0x0, s20;
	[sflag:s22] =	ssyncset.done $0x0  }
0xa0: {  	[sflag:s22] =	ssyncadd.s32 s3;
	_ =	sdelay $0x1  }
0xa1: {  	s23 =	simm.s32 $0x1B8B  }
0xa2: {  	_ =	swait.ge [sflag:s23], $0x1  }
0xa3: {  	[sflag:s23] =	ssyncset.done $0x0  }
0xa4: {  	s25 =	simm.s32 $0x1B8E;
	s24 =	sld [smem:$0x3FFE];
	[sflag:s23] =	ssyncadd.s32 $0xFFFFFFFF  }
0xa5: {  	s26 =	simm.s32 $execute0_lowered;
	[smem:$0x3FD2] =	sst s25  }
0xa6: {  	s4 =	sshll.u32 s26, $0x1;
	_ =	strace $0x80000046;
	[dreg:$0x1] =	wrdreg $0xFFFFFFFF  }
0xa7: {  	s28 =	simm.s32 $_size_execute0_lowered;
	s2 =	sadd.s32 s2, s4;
	[dreg:$0x0] =	wrdreg $0x0  }
0xa8: {  	s4 =	sshll.u32 s28, $0x1;
	[dreg:$0x2] =	wrdreg s2  }
0xa9: {  	[dreg:$0x3] =	wrdreg s4  }
0xaa: {  	[dreg:$0x4] =	wrdreg $0xC0  }
0xab: {  	_ =	task [dreg:s6], $0x5FFFF  }
0xac: {  	[dreg:$0x1] =	wrdreg $0xFFFFFFFF  }
0xad: {  	[dreg:$0x0] =	wrdreg $0x60  }
0xae: {  	[dreg:$0x2] =	wrdreg s24  }
0xaf: {  	[dreg:$0x3] =	wrdreg $0xA  }
0xb0: {  	_ =	task.clear_ibuf [dreg:s6], $0x4FFFF;
	_ =	strace $0x90000046  }
0xb1: {  	s29 =	simm.s32 $0xA;
	_ =	strace $0x80000048  }
0xb2: {  	_ =	swait.ge [sflag:s29], $0x1  }
0xb3: {  	[sflag:s29] =	ssyncadd.s32 $0xFFFFFFFF  }
0xb4: {  	_ =	strace $0x90000048  }
0xb5: {  	_ =	sfence  }
0xb6: {  	s30 =	sld [smem:$0x0];
	_ =	sdelay $0x2  }
0xb7: {  	s31 =	sshll.u32 s1, $0xD;
	s1 =	sshrl.u32 s1, $0x2  }
0xb8: {  	s3 =	sand.u32 $0x4000, s31;
	s1 =	sadd.s32 s1, s30  }
0xb9: {  	s0 =	sor.u32 s3, s0;
	s1 =	sshll.u32 s1, $0x11  }
0xba: {  	s0 =	sor.u32 s1, s0  }
0xbb: {  	s0 =	sadd.s32 $0x8F2B, s0  }
0xbc: {  	[sflag:s0] =	ssyncadd.remote.s32 $0x1  }
0xbd: {  	_ =	sfence.sel $0xFFFF  }
0xbe: {  	[dreg:$0x0] =	wrdreg $0xFFFFFFFF;
	(pc) =	sbr.abs _section_cstart, $3  }
0xbf: {  	[dreg:$0x1] =	wrdreg $0xFFFFFFFF  }
0xc0: {  	_ =	task.clear_ibuf [dreg:s6], $0x2FFFF;
	_ =	strace $0x9FFFFFFF  }
0xc1: {  	(tm) =	ssettm $0x7FFFFFFF  }
tec
execute0_lowered:
.L_overlay_start_1:
0x0: {  	(tag) =	ssettag $0x1  }
0x1: {  	s7 =	rddreg [dreg:$0x0]  }
0x2: {  	s0 =	rddreg [dreg:$0x1];
	_ =	strace $0x80000047  }
0x3: {  	s1 =	srdreg.scid;
	s4 =	simm.s32 $0x1;
	s9 =	simm.s32 $0x3  }
0x4: {  	s11 =	simm.s32 $0x0;
	p0 =	por $0x0, $0x0;
	s5 =	sshll.u32 s1, $0x4  }
.Ltmp0:
0x5: {  	s1 =	stileid.u32;
	s5 =	sand.u32 $0x10, s5;
	(pc) =	sbr.rel .LBB2_1-.Ltmp0, $4  }
0x6: {  	s2 =	sadd.s32 $0xA0800, s7;
	s3 =	sadd.s32 $0x1D9000, s7;
	s6 =	sor.u32 s1, s5  }
0x7: {  	[sflag:s4] =	ssyncpa.u1 $0x0;
	s5 =	simm.s32 $0x2;
	s6 =	sshll.u32 s6, $0x9  }
0x8: {  	s7 =	sadd.s32 $0x1D9800, s7;
	[sflag:s5] =	ssyncpa.u1 $0x0;
	s8 =	sadd.s32 $0x200, s6  }
0x9: {  	vm0 =	vmmov $0xff;
	vm1 =	vcmask $0x3F20;
	[sflag:s9] =	ssyncpa.u1 $0x0;
	s10 =	smov.u32 s6;
	s9 =	simm.s32 $0x0  }
.LBB2_7:
0xa: {  	p1 =	slt.u32 s9, $0x2;
	s11 =	sadd.s32 $0x100, s10  }
0xb: {  	s13 =	smov.u32 s6;
	s9 =	sadd.s32 $0x1, s9;
	p2 =	slt.s32 s11, s8  }
0xc: {  	s13 =	smov.u32 @p2 s11;
	p2 =	sne.s32 s9, $0x4  }
.Ltmp1:
0xd: {  	_ = 	snop;
	(pc) =	sbr.rel @!p2 .LBB2_8-.Ltmp1, $4  }
0xe: {  	s12 =	simm.s32 @!p1 $0x3  }
0xf: {  	_ =	swait.ge @!p1 [sflag:s12], $0x8000  }
0x10: {  	p0 =	por !p0, !p0;
	[sflag:s12] =	ssyncset.done @!p1 $0x0  }
0x11: {  	s11 =	smov.u32 s10;
	s10 =	smov.u32 s13;
	[sflag:s12] =	ssyncadd.s32 @!p1 $0xFFFF8000  }
.LBB2_1:
0x12: {  	p1 =	sgt.u32 s9, $0x1  }
0x13: {  	s12 =	sshll.u32 @!p1 s9, $0x8;
	s13 =	sshrl.u32 @!p1 s10, $0x3  }
0x14: {  	s14 =	sand.u32 @!p1 $0x7, s10;
	s12 =	sxor.u32 @!p1 $0x100, s12;
	s13 =	sadd.s32 @!p1 s3, s13  }
0x15: {  	[tilespmem:s12], [sflag:$0x2] =	stream.linear.gather @!p1 [hbm4b:s13+s14], $0x100, $0x38;
	[tilespmem:$0x10200] =	vst v63  }
0x16: {  	p1 =	seq.s32 s9, $0x0  }
0x17: {  	p2 =	seq.s32 @!p1 s9, $0x3  }
0x18: {  	p1 =	por p1, p2  }
.Ltmp2:
0x19: {  	_ = 	snop;
	(pc) =	sbr.rel @p1 .LBB2_7-.Ltmp2, $1  }
0x1a: {  	_ =	sdelay $0x3  }
0x1b: {  	s12 =	simm.s32 $0x1  }
0x1c: {  	_ =	swait.ge [sflag:s5], $0x100;
	s12 =	simm.s32 @!p0 $0x0  }
0x1d: {  	[sflag:s5] =	ssyncset.done $0x0;
	s14 =	sshll.u32 s12, $0x8  }
0x1e: {  	[sflag:s5] =	ssyncadd.s32 $0xFFFFFF00;
	s13 =	sadd.s32 $0x0, s14  }
0x1f: {  	v0 =	vld.msk [tilespmem:s13+$0x0 ss:$0x1], $0xffff;
	_ =	sdelay $0x4  }
0x20: {  	v1 =	vand.u32 $0x7, v0;
	v2 =	vshll.u32 v0, $0x4  }
0x21: {  	vm2 =	veq.s32 v0, $0x80000000;
	v0 =	vmul.u32 $0x9C400, v1;
	v1 =	vand.u32 $0xFFF80, v2  }
0x22: {  	v1 =	vsel vm2, $0xFFFFFF80, v1  }
0x23: {  	v0 =	vsel vm2, $0xFFF63C00, v0;
	v2 =	vand.u32 $0xFFFFFC00, v1  }
0x24: {  	v1 =	vand.u32 $0x380, v1;
	v0 =	vadd.s32 v0, v2  }
0x25: {  	v0 =	vor.u32 v1, v0  }
0x26: {  	v0 =	vshrl.u32 v0, $0x3;
	_ =	sdelay $0x2  }
0x27: {  	s12 =	sshll.u32 s12, $0xF  }
0x28: {  	s12 =	sor.u32 $0x200, s12  }
0x29: {  	[tilespmem:s12], [sflag:$0x1] =	stream.indirect_vreg.gather [hbm:s2], $0x80, v0, vm0, $0x38;
	[tilespmem:$0x10200] =	vst v63  }
0x2a: {  	s15 =	sadd.s32 $0x10, s14;
	s13 =	sadd.s32 $0x400, s12  }
0x2b: {  	[tilespmem:s13], [sflag:$0x1] =	stream.indirect_vreg.gather [hbm:s2], $0x80, v0, vm1, $0x38;
	[tilespmem:$0x10200] =	vst v63  }
0x2c: {  	s16 =	simm.s32 $0x80;
	v0 =	vld.msk [tilespmem:s15+$0x0 ss:$0x1], $0xffff;
	s15 =	smov.u32 s12  }
.LBB2_3:
0x2d: {  	p1 =	sne.s32 s16, $0x3C0;
	_ =	sdelay $0x4  }
0x2e: {  	v1 =	vand.u32 $0x7, v0;
	v2 =	vshll.u32 v0, $0x4  }
0x2f: {  	vm2 =	veq.s32 v0, $0x80000000;
	v0 =	vmul.u32 $0x9C400, v1;
	v1 =	vand.u32 $0xFFF80, v2  }
0x30: {  	v1 =	vsel vm2, $0xFFFFFF80, v1  }
0x31: {  	v0 =	vsel vm2, $0xFFF63C00, v0;
	v2 =	vand.u32 $0xFFFFFC00, v1  }
0x32: {  	v1 =	vand.u32 $0x380, v1;
	v0 =	vadd.s32 v0, v2  }
0x33: {  	v0 =	vor.u32 v1, v0  }
0x34: {  	v0 =	vshrl.u32 v0, $0x3;
	_ =	sdelay $0x3  }
.Ltmp3:
0x35: {  	s17 =	sshra.s32 s16, $0x2;
	s15 =	sadd.s32 $0x800, s15;
	(pc) =	sbr.rel @p1 .LBB2_3-.Ltmp3, $4  }
0x36: {  	[tilespmem:s15], [sflag:$0x1] =	stream.indirect_vreg.gather [hbm:s2], $0x80, v0, vm0, $0x38;
	[tilespmem:$0x10200] =	vst v63  }
0x37: {  	s17 =	sadd.s32 s17, s14;
	s18 =	sadd.s32 $0x400, s15  }
0x38: {  	[tilespmem:s18], [sflag:$0x1] =	stream.indirect_vreg.gather [hbm:s2], $0x80, v0, vm1, $0x38;
	[tilespmem:$0x10200] =	vst v63  }
0x39: {  	s16 =	sadd.s32 $0x40, s16;
	v0 =	vld.msk [tilespmem:s17+$0x0 ss:$0x1], $0xffff  }
0x3a: {  	_ =	sdelay $0x3  }
0x3b: {  	v1 =	vand.u32 $0x7, v0;
	v2 =	vshll.u32 v0, $0x4  }
0x3c: {  	vm2 =	veq.s32 v0, $0x80000000;
	v61 =	vmul.u32 $0x9C400, v1;
	v62 =	vand.u32 $0xFFF80, v2  }
0x3d: {  	v1 =	vsel vm2, $0xFFFFFF80, v62  }
0x3e: {  	v0 =	vsel vm2, $0xFFF63C00, v61;
	v63 =	vand.u32 $0xFFFFFC00, v1  }
0x3f: {  	v1 =	vand.u32 $0x380, v1;
	v0 =	vadd.s32 v0, v63  }
0x40: {  	v0 =	vor.u32 v1, v0  }
0x41: {  	v0 =	vshrl.u32 v0, $0x3;
	_ =	sdelay $0x3  }
0x42: {  	s14 =	sadd.s32 $0x800, s15  }
0x43: {  	[tilespmem:s14], [sflag:$0x1] =	stream.indirect_vreg.gather [hbm:s2], $0x80, v0, vm0, $0x38;
	[tilespmem:$0x10200] =	vst v63  }
0x44: {  	s14 =	sadd.s32 $0x400, s14  }
0x45: {  	[tilespmem:s14], [sflag:$0x1] =	stream.indirect_vreg.gather [hbm:s2], $0x80, v0, vm1, $0x38;
	[tilespmem:$0x10200] =	vst v63  }
0x46: {  	s11 =	sshll.u32 s11, $0x4;
	_ =	swait.ge [sflag:s4], $0x8000  }
0x47: {  	s11 =	sadd.s32 s11, s7;
	[sflag:s4] =	ssyncset.done $0x0  }
0x48: {  	s15 =	sadd.s32 $0x0, s11;
	s14 =	simm.s32 $0x80;
	[sflag:s4] =	ssyncadd.s32 $0xFFFF8000  }
.LBB2_5:
0x49: {  	[hbm:s15] =	stream.linear.scatter [tilespmem:s12], [sflag:$0x3], $0x400, $0x38;
	[tilespmem:$0x10200] =	vst v63  }
0x4a: {  	s15 =	smov.u32 s14;
	s12 =	smov.u32 s13;
	p1 =	sne.s32 s14, $0xF80  }
.Ltmp4:
0x4b: {  	s14 =	sadd.s32 $0x80, s14;
	(pc) =	sbr.rel @p1 .LBB2_5-.Ltmp4, $2  }
0x4c: {  	_ =	sdelay $0x2  }
0x4d: {  	s13 =	sadd.s32 $0x400, s13;
	s15 =	sadd.s32 s15, s11  }
.Ltmp5:
0x4e: {  	(pc) =	sbr.rel .LBB2_7-.Ltmp5, $2  }
0x4f: {  	_ =	sdelay $0x2  }
0x50: {  	[hbm:s15] =	stream.linear.scatter [tilespmem:s12], [sflag:$0x3], $0x400, $0x38;
	[tilespmem:$0x10200] =	vst v63  }
.LBB2_8:
0x51: {  	_ =	sfence.sel $0x180000  }
0x52: {  	s2 =	simm.s32 $0x2;
	[bflag:$0x0] =	sbarrier.arrive $0xFFFF  }
0x53: {  	s30 =	simm.s32 $0x3;
	[sflag:s2] =	ssyncpa.u1 $0x1  }
0x54: {  	s31 =	simm.s32 $0x1;
	[sflag:s30] =	ssyncpa.u1 $0x1  }
0x55: {  	[sflag:s31] =	ssyncpa.u1 $0x1  }
0x56: {  	p0 =	sne.s32 s1, $0x0;
	_ =	strace $0x90000047  }
0x57: {  	s0 =	sadd.s32 @!p0 $0x100000, s0;
	[bflag:$0x2] =	sbarrier.arrive $0xFFFF  }
0x58: {  	[sflag:s0] =	ssyncadd.tile.s32 @!p0 $0x1;
	_ =	shalt  }
.Lfunc_end2:
_tile_overlayer_lowered:
.L_overlay_start_2:
0x59: {  	(tag) =	ssettag $0x2  }
0x5a: {  	s0 =	rddreg [dreg:$0x0];
	s2 =	stileid.u32  }
0x5b: {  	s1 =	rddreg [dreg:$0x1];
	p0 =	sne.s32 s2, $0x0  }
0x5c: {  	s3 =	rddreg [dreg:$0x2];
	[bflag:$0x3] =	sbarrier.arrive $0xFFFF;
	s2 =	simm.s32 @!p0 $0x1C01  }
0x5d: {  	[timem:s3], [sflag:s2] =	dma.local @!p0 [hbm:s0], s1  }
0x5e: {  	s0 =	simm.s32 @!p0 $0x1  }
0x5f: {  	_ =	swait.ge @!p0 [sflag:s0], s1  }
0x60: {  	s1 =	ssub.s32 @!p0 $0x0, s1;
	[sflag:s0] =	ssyncset.done @!p0 $0x0  }
0x61: {  	[sflag:s0] =	ssyncadd.s32 @!p0 s1  }
0x62: {  	[bflag:$0x3] =	sbarrier.arrive $0xFFFF  }
0x63: {  	_ =	shalt  }

// kernel: gather_offload_async_start.2
scs
__scs_entry_jumppad:
0x0: {  	(pc) =	sbr.rel $0x88, $3  }
0x1: {  	(tag) =	ssettag $0x0;
	lr =	simm.s32 $0x1  }
0x2: {  	[smem:$0x3F9B] =	sst lr;
	_ =	strace $0xD0000000  }
0x3: {  	_ = 	snop  }
0x4: {  	_ = 	snop  }
0x5: {  	_ = 	snop  }
0x6: {  	_ = 	snop  }
0x7: {  	_ = 	snop  }
__scs_overlays_trampoline_lowered:
0x8: {  	[smem:$0x3FAA] =	sst s0  }
0x9: {  	[smem:$0x3FAB] =	sst s1  }
0xa: {  	[smem:$0x3FAC] =	sst s2  }
0xb: {  	[smem:$0x3FAD] =	sst s3  }
0xc: {  	[smem:$0x3FAE] =	sst s4  }
0xd: {  	[smem:$0x3FAF] =	sst s5  }
0xe: {  	[smem:$0x3FB0] =	sst s6  }
0xf: {  	[smem:$0x3FB1] =	sst s7  }
0x10: {  	[smem:$0x3FB2] =	sst s8  }
0x11: {  	[smem:$0x3FB3] =	sst s9;
	s0 =	simm.s32 @!p0 $0x0  }
0x12: {  	s1 =	sld [smem:$0x3F99];
	s0 =	simm.s32 @p0 $0x1  }
0x13: {  	[smem:$0x3FB4] =	sst s0;
	s0 =	simm.s32 @!p1 $0x0  }
0x14: {  	s2 =	sld [smem:$0x3F98];
	s0 =	simm.s32 @p1 $0x1  }
0x15: {  	[smem:$0x3FB5] =	sst s0;
	s0 =	simm.s32 @!p2 $0x0  }
0x16: {  	s3 =	sld [smem:$0x3FDB];
	s0 =	simm.s32 @p2 $0x1  }
0x17: {  	s4 =	simm.s32 $0x1BF5;
	[smem:$0x3FB7] =	sst s0  }
0x18: {  	s0 =	sld [smem:$0x3F9A];
	_ =	swait.ge [sflag:s4], $0x0  }
0x19: {  	s7 =	sld [smem:$0x3F9B]  }
0x1a: {  	s8 =	sadd.s32 $0xFFFFE003, lr  }
0x1b: {  	s9 =	sadd.s32 $0xFFFFFEF7, lr;
	s5 =	simm.s32 $0xFFFFFFFF;
	p2 =	slt.u32 s8, $0xFFFFF086  }
0x1c: {  	p1 =	slt.u32 s9, $0xF7A;
	s5 =	simm.s32 @!p2 $0x0  }
0x1d: {  	s5 =	simm.s32 @p1 $0x1;
	p0 =	seq.s32 s7, s2  }
0x1e: {  	s7 =	smul.u32 @!p0 $0xF7A, s2;
	p2 =	seq.s32 @!p0 s5, $0x0  }
0x1f: {  	s9 =	smul.u32 $0xF7A, s1;
	s8 =	simm.s32 @!p0 $0x1BF5;
	p2 =	por !p2, p0  }
0x20: {  	[sflag:s8] =	ssyncset.s32 @!p0 $0xFFFFF086;
	s6 =	sadd.s32 @!p0 s3, s7;
	s7 =	simm.s32 @!p0 $0x108  }
0x21: {  	s3 =	sadd.s32 s3, s9;
	s6 =	sadd.s32 @!p0 $0x88, s6;
	s7 =	simm.s32 @p2 $0x1082  }
0x22: {  	[simem:s7], [sflag:s8] =	dma.local @!p0 [hbm:s6], $0xF7A  }
0x23: {  	s9 =	sor.u32 $0xD0000000, s2;
	s6 =	simm.s32 $0x108;
	_ =	swait.ge @!p0 [sflag:s8], $0x0  }
0x24: {  	s3 =	sadd.s32 $0x88, s3;
	s6 =	simm.s32 @!p1 $0x1082;
	[sflag:s4] =	ssyncset.s32 $0xFFFFF086  }
0x25: {  	[simem:s6], [sflag:s4] =	dma.local [hbm:s3], $0xF7A  }
0x26: {  	[smem:$0x3F9B] =	sst s1;
	(tag) =	ssettag s2;
	_ =	strace s9  }
0x27: {  	s1 =	sld [smem:$0x3FAB]  }
0x28: {  	s2 =	sld [smem:$0x3FAC]  }
0x29: {  	s4 =	sld [smem:$0x3FAE]  }
0x2a: {  	p0 =	seq.s32 s5, $0x0;
	s5 =	sld [smem:$0x3FAF]  }
0x2b: {  	s6 =	sld [smem:$0x3FB0]  }
0x2c: {  	s7 =	sld [smem:$0x3FB1]  }
0x2d: {  	s3 =	simm.s32 $0x108;
	s8 =	sld [smem:$0x3FB2]  }
0x2e: {  	s3 =	simm.s32 @!p0 $0x1082;
	s9 =	sld [smem:$0x3FB3]  }
0x2f: {  	lr =	sadd.s32 s0, s3;
	s0 =	sld [smem:$0x3FAA]  }
0x30: {  	s3 =	sld [smem:$0x3FAD]  }
0x31: {  	[smem:$0x3FB6] =	sst s10  }
0x32: {  	s10 =	sld [smem:$0x3FB4];
	_ =	sdelay $0x3  }
0x33: {  	p0 =	seq.s32 s10, $0x1;
	s10 =	sld [smem:$0x3FB6];
	_ =	sdelay $0x3  }
0x34: {  	[smem:$0x3FB6] =	sst s10  }
0x35: {  	s10 =	sld [smem:$0x3FB5];
	_ =	sdelay $0x3  }
0x36: {  	p1 =	seq.s32 s10, $0x1;
	s10 =	sld [smem:$0x3FB6];
	_ =	sdelay $0x3  }
0x37: {  	[smem:$0x3FB6] =	sst s10  }
0x38: {  	s10 =	sld [smem:$0x3FB7]  }
0x39: {  	_ = 	snop;
	(pc) =	sbr.ind lr, $3  }
0x3a: {  	_ = 	snop  }
0x3b: {  	_ = 	snop  }
0x3c: {  	p2 =	seq.s32 s10, $0x1;
	s10 =	sld [smem:$0x3FB6]  }
0x3d: {  	_ =	shalt  }
0x3e: {  	_ =	shalt  }
0x3f: {  	_ =	shalt  }
0x40: {  	_ =	shalt  }
0x41: {  	_ =	shalt  }
0x42: {  	_ =	shalt  }
0x43: {  	_ =	shalt  }
0x44: {  	_ =	shalt  }
0x45: {  	_ =	shalt  }
0x46: {  	_ =	shalt  }
0x47: {  	_ =	shalt  }
0x48: {  	_ =	shalt  }
0x49: {  	_ =	shalt  }
0x4a: {  	_ =	shalt  }
0x4b: {  	_ =	shalt  }
0x4c: {  	_ =	shalt  }
0x4d: {  	_ =	shalt  }
0x4e: {  	_ =	shalt  }
0x4f: {  	_ =	shalt  }
0x50: {  	_ =	shalt  }
0x51: {  	_ =	shalt  }
0x52: {  	_ =	shalt  }
0x53: {  	_ =	shalt  }
0x54: {  	_ =	shalt  }
0x55: {  	_ =	shalt  }
0x56: {  	_ =	shalt  }
0x57: {  	_ =	shalt  }
0x58: {  	_ =	shalt  }
0x59: {  	_ =	shalt  }
0x5a: {  	_ =	shalt  }
0x5b: {  	_ =	shalt  }
0x5c: {  	_ =	shalt  }
0x5d: {  	_ =	shalt  }
0x5e: {  	_ =	shalt  }
0x5f: {  	_ =	shalt  }
0x60: {  	_ =	shalt  }
0x61: {  	_ =	shalt  }
0x62: {  	_ =	shalt  }
0x63: {  	_ =	shalt  }
0x64: {  	_ =	shalt  }
0x65: {  	_ =	shalt  }
0x66: {  	_ =	shalt  }
0x67: {  	_ =	shalt  }
0x68: {  	_ =	shalt  }
0x69: {  	_ =	shalt  }
0x6a: {  	_ =	shalt  }
0x6b: {  	_ =	shalt  }
0x6c: {  	_ =	shalt  }
0x6d: {  	_ =	shalt  }
0x6e: {  	_ =	shalt  }
0x6f: {  	_ =	shalt  }
0x70: {  	_ =	shalt  }
0x71: {  	_ =	shalt  }
0x72: {  	_ =	shalt  }
0x73: {  	_ =	shalt  }
0x74: {  	_ =	shalt  }
0x75: {  	_ =	shalt  }
0x76: {  	_ =	shalt  }
0x77: {  	_ =	shalt  }
0x78: {  	_ =	shalt  }
0x79: {  	_ =	shalt  }
0x7a: {  	_ =	shalt  }
0x7b: {  	_ =	shalt  }
0x7c: {  	_ =	shalt  }
0x7d: {  	_ =	shalt  }
0x7e: {  	_ =	shalt  }
0x7f: {  	_ =	shalt  }
0x80: {  	_ =	shalt  }
0x81: {  	_ =	shalt  }
0x82: {  	_ =	shalt  }
0x83: {  	_ =	shalt  }
0x84: {  	_ =	shalt  }
0x85: {  	_ =	shalt  }
0x86: {  	_ =	shalt  }
0x87: {  	_ =	shalt  }
.Lfunc_end0:
.L_simem_size_0:
called_computation.2_lowered:
.L_overlay_start_0:
0x88: {  	s2 =	sld [smem:$0x3FD9]  }
0x89: {  	s3 =	sld [smem:$0x3FFE];
	_ =	sdelay $0x1  }
0x8a: {  	s1 =	srdreg.scid  }
0x8b: {  	s0 =	sand.u32 $0x1, s1  }
0x8c: {  	s17 =	sshll.u32 s0, $0xA;
	s2 =	sadd.s32 s3, s2  }
0x8d: {  	s2 =	sadd.s32 s2, s17  }
0x8e: {  	[smem:$0x3FC2] =	sst s2  }
0x8f: {  	_ = 	snop  }
0x90: {  	(tm) =	ssettm $0x1  }
0x91: {  	s18 =	sld [smem:$0x3FFB];
	_ =	sdelay $0x3  }
0x92: {  	_ =	strace s18  }
0x93: {  	s2 =	sld [smem:$0x3FFC];
	_ =	sdelay $0x3  }
0x94: {  	_ =	strace s2  }
0x95: {  	s2 =	sld [smem:$0x3FFD];
	_ =	sdelay $0x3  }
0x96: {  	_ =	strace s2  }
0x97: {  	_ =	strace $0x8FFFFFFF  }
0x98: {  	s19 =	sld [smem:$0x3FDB];
	_ =	sdelay $0x1  }
0x99: {  	s20 =	simm.s32 $_scs_section_size  }
0x9a: {  	s4 =	simm.s32 $_size__tile_overlayer_lowered;
	s5 =	simm.s32 $_tile_overlayer_lowered  }
0x9b: {  	s6 =	simm.s32 $0x1BFF;
	s21 =	sshll.u32 s5, $0x1;
	s3 =	sadd.s32 s20, s19  }
0x9c: {  	s22 =	simm.s32 $0x0;
	s4 =	sshll.u32 s4, $0x1;
	s5 =	sadd.s32 s21, s3  }
0x9d: {  	[timem:s22], [sflag:s6] =	dma.local [hbm:s5], s4  }
0x9e: {  	_ =	swait.ge [sflag:s6], s4  }
0x9f: {  	s4 =	ssub.s32 $0x0, s4;
	[sflag:s6] =	ssyncset.done $0x0  }
0xa0: {  	[sflag:s6] =	ssyncadd.s32 s4;
	_ =	sdelay $0x1  }
0xa1: {  	s23 =	simm.s32 $0x1B8B  }
0xa2: {  	_ =	swait.ge [sflag:s23], $0x1  }
0xa3: {  	[sflag:s23] =	ssyncset.done $0x0  }
0xa4: {  	[sflag:s23] =	ssyncadd.s32 $0xFFFFFFFF  }
0xa5: {  	s4 =	sld [smem:$0x0]  }
0xa6: {  	s5 =	sand.u32 $0xFFFFFFFE, s1  }
0xa7: {  	p0 =	sne.s32 s1, s5  }
0xa8: {  	s5 =	sshll.u32 @p0 s5, $0xE  }
0xa9: {  	s5 =	sadd.s32 @p0 $0x11B8D, s5;
	s6 =	sshll.u32 @p0 s4, $0x11  }
0xaa: {  	s5 =	sor.u32 @p0 s6, s5  }
0xab: {  	[sflag:s5] =	ssyncadd.remote.s32 @p0 $0x1;
	_ =	sdelay $0x1  }
0xac: {  	s5 =	simm.s32 @p0 $0x1B8D  }
0xad: {  	_ =	swait.eq @p0 [sflag:s5], $0x1  }
0xae: {  	[sflag:s5] =	ssyncadd.s32 @p0 $0xFFFFFFFF  }
0xaf: {  	s6 =	sshll.u32 @!p0 s1, $0xE  }
0xb0: {  	s6 =	sor.u32 @!p0 $0x4000, s6;
	s5 =	simm.s32 @!p0 $0x1B8D  }
0xb1: {  	s4 =	sshll.u32 @!p0 s4, $0x11;
	s6 =	sadd.s32 @!p0 $0x11B8D, s6;
	_ =	swait.eq @!p0 [sflag:s5], $0x1  }
0xb2: {  	s4 =	sor.u32 @!p0 s4, s6;
	[sflag:s5] =	ssyncadd.s32 @!p0 $0xFFFFFFFF  }
0xb3: {  	s25 =	simm.s32 $0x1B8E;
	s24 =	sld [smem:$0x3FFE];
	[sflag:s4] =	ssyncadd.remote.s32 @!p0 $0x1  }
0xb4: {  	s26 =	simm.s32 $execute0_lowered;
	[smem:$0x3FD2] =	sst s25  }
0xb5: {  	s5 =	sshll.u32 s26, $0x1;
	_ =	strace $0x80000049;
	[dreg:$0x1] =	wrdreg $0xFFFFFFFF  }
0xb6: {  	s28 =	simm.s32 $_size_execute0_lowered;
	s3 =	sadd.s32 s3, s5;
	[dreg:$0x0] =	wrdreg $0x0  }
0xb7: {  	s5 =	sshll.u32 s28, $0x1;
	[dreg:$0x2] =	wrdreg s3  }
0xb8: {  	[dreg:$0x3] =	wrdreg s5  }
0xb9: {  	[dreg:$0x4] =	wrdreg $0xC0  }
0xba: {  	_ =	task [dreg:s22], $0x5FFFF  }
0xbb: {  	[dreg:$0x1] =	wrdreg $0xFFFFFFFF  }
0xbc: {  	[dreg:$0x0] =	wrdreg $0x60  }
0xbd: {  	[dreg:$0x2] =	wrdreg s24  }
0xbe: {  	[dreg:$0x3] =	wrdreg $0xB  }
0xbf: {  	_ =	task.clear_ibuf [dreg:s22], $0x4FFFF;
	_ =	strace $0x90000049  }
0xc0: {  	s29 =	simm.s32 $0xB;
	_ =	strace $0x8000004B  }
0xc1: {  	_ =	swait.ge [sflag:s29], $0x1  }
0xc2: {  	[sflag:s29] =	ssyncadd.s32 $0xFFFFFFFF  }
0xc3: {  	_ =	strace $0x9000004B  }
0xc4: {  	_ =	sfence  }
0xc5: {  	s30 =	sld [smem:$0x0];
	_ =	sdelay $0x2  }
0xc6: {  	s31 =	sshll.u32 s1, $0xD;
	s1 =	sshrl.u32 s1, $0x2  }
0xc7: {  	s4 =	sand.u32 $0x4000, s31;
	s1 =	sadd.s32 s1, s30  }
0xc8: {  	s0 =	sor.u32 s4, s0;
	s1 =	sshll.u32 s1, $0x11  }
0xc9: {  	s0 =	sor.u32 s1, s0  }
0xca: {  	s0 =	sadd.s32 $0x8F2B, s0  }
0xcb: {  	[sflag:s0] =	ssyncadd.remote.s32 $0x1  }
0xcc: {  	_ =	sfence.sel $0xFFFF  }
0xcd: {  	[dreg:$0x0] =	wrdreg $0xFFFFFFFF;
	(pc) =	sbr.abs _section_cstart, $3  }
0xce: {  	[dreg:$0x1] =	wrdreg $0xFFFFFFFF  }
0xcf: {  	_ =	task.clear_ibuf [dreg:s22], $0x2FFFF;
	_ =	strace $0x9FFFFFFF  }
0xd0: {  	(tm) =	ssettm $0x7FFFFFFF  }
0xd1: {  	_ =	shalt  }
tec
execute0_lowered:
.L_overlay_start_1:
0x0: {  	(tag) =	ssettag $0x1  }
0x1: {  	s7 =	rddreg [dreg:$0x0]  }
0x2: {  	s0 =	rddreg [dreg:$0x1];
	_ =	strace $0x8000004A  }
0x3: {  	s1 =	srdreg.scid;
	s4 =	simm.s32 $0x1;
	s9 =	simm.s32 $0x3  }
0x4: {  	s11 =	simm.s32 $0x0;
	p0 =	por $0x0, $0x0;
	s5 =	sshll.u32 s1, $0x4  }
.Ltmp0:
0x5: {  	s1 =	stileid.u32;
	s5 =	sand.u32 $0x10, s5;
	(pc) =	sbr.rel .LBB2_1-.Ltmp0, $4  }
0x6: {  	s2 =	sadd.s32 $0x13CC00, s7;
	s3 =	sadd.s32 $0x1D9000, s7;
	s6 =	sor.u32 s1, s5  }
0x7: {  	[sflag:s4] =	ssyncpa.u1 $0x0;
	s5 =	simm.s32 $0x2;
	s6 =	sshll.u32 s6, $0x9  }
0x8: {  	s7 =	sadd.s32 $0x219800, s7;
	[sflag:s5] =	ssyncpa.u1 $0x0;
	s8 =	sadd.s32 $0x200, s6  }
0x9: {  	vm0 =	vmmov $0xff;
	vm1 =	vcmask $0x3F20;
	[sflag:s9] =	ssyncpa.u1 $0x0;
	s10 =	smov.u32 s6;
	s9 =	simm.s32 $0x0  }
.LBB2_7:
0xa: {  	p1 =	slt.u32 s9, $0x2;
	s11 =	sadd.s32 $0x100, s10  }
0xb: {  	s13 =	smov.u32 s6;
	s9 =	sadd.s32 $0x1, s9;
	p2 =	slt.s32 s11, s8  }
0xc: {  	s13 =	smov.u32 @p2 s11;
	p2 =	sne.s32 s9, $0x4  }
.Ltmp1:
0xd: {  	_ = 	snop;
	(pc) =	sbr.rel @!p2 .LBB2_8-.Ltmp1, $4  }
0xe: {  	s12 =	simm.s32 @!p1 $0x3  }
0xf: {  	_ =	swait.ge @!p1 [sflag:s12], $0x8000  }
0x10: {  	p0 =	por !p0, !p0;
	[sflag:s12] =	ssyncset.done @!p1 $0x0  }
0x11: {  	s11 =	smov.u32 s10;
	s10 =	smov.u32 s13;
	[sflag:s12] =	ssyncadd.s32 @!p1 $0xFFFF8000  }
.LBB2_1:
0x12: {  	p1 =	sgt.u32 s9, $0x1  }
0x13: {  	s12 =	sshll.u32 @!p1 s9, $0x8;
	s13 =	sshrl.u32 @!p1 s10, $0x3  }
0x14: {  	s14 =	sand.u32 @!p1 $0x7, s10;
	s12 =	sxor.u32 @!p1 $0x100, s12;
	s13 =	sadd.s32 @!p1 s3, s13  }
0x15: {  	[tilespmem:s12], [sflag:$0x2] =	stream.linear.gather @!p1 [hbm4b:s13+s14], $0x100, $0x38;
	[tilespmem:$0x10200] =	vst v63  }
0x16: {  	p1 =	seq.s32 s9, $0x0  }
0x17: {  	p2 =	seq.s32 @!p1 s9, $0x3  }
0x18: {  	p1 =	por p1, p2  }
.Ltmp2:
0x19: {  	_ = 	snop;
	(pc) =	sbr.rel @p1 .LBB2_7-.Ltmp2, $1  }
0x1a: {  	_ =	sdelay $0x3  }
0x1b: {  	s12 =	simm.s32 $0x1  }
0x1c: {  	_ =	swait.ge [sflag:s5], $0x100;
	s12 =	simm.s32 @!p0 $0x0  }
0x1d: {  	[sflag:s5] =	ssyncset.done $0x0;
	s14 =	sshll.u32 s12, $0x8  }
0x1e: {  	[sflag:s5] =	ssyncadd.s32 $0xFFFFFF00;
	s13 =	sadd.s32 $0x0, s14  }
0x1f: {  	v0 =	vld.msk [tilespmem:s13+$0x0 ss:$0x1], $0xffff;
	_ =	sdelay $0x4  }
0x20: {  	v1 =	vand.u32 $0x7, v0;
	v2 =	vshll.u32 v0, $0x4  }
0x21: {  	vm2 =	veq.s32 v0, $0x80000000;
	v0 =	vmul.u32 $0x9C400, v1;
	v1 =	vand.u32 $0xFFF80, v2  }
0x22: {  	v1 =	vsel vm2, $0xFFFFFF80, v1  }
0x23: {  	v0 =	vsel vm2, $0xFFF63C00, v0;
	v2 =	vand.u32 $0xFFFFFC00, v1  }
0x24: {  	v1 =	vand.u32 $0x380, v1;
	v0 =	vadd.s32 v0, v2  }
0x25: {  	v0 =	vor.u32 v1, v0  }
0x26: {  	v0 =	vshrl.u32 v0, $0x3;
	_ =	sdelay $0x2  }
0x27: {  	s12 =	sshll.u32 s12, $0xF  }
0x28: {  	s12 =	sor.u32 $0x200, s12  }
0x29: {  	[tilespmem:s12], [sflag:$0x1] =	stream.indirect_vreg.gather [hbm:s2], $0x80, v0, vm0, $0x38;
	[tilespmem:$0x10200] =	vst v63  }
0x2a: {  	s15 =	sadd.s32 $0x10, s14;
	s13 =	sadd.s32 $0x400, s12  }
0x2b: {  	[tilespmem:s13], [sflag:$0x1] =	stream.indirect_vreg.gather [hbm:s2], $0x80, v0, vm1, $0x38;
	[tilespmem:$0x10200] =	vst v63  }
0x2c: {  	s16 =	simm.s32 $0x80;
	v0 =	vld.msk [tilespmem:s15+$0x0 ss:$0x1], $0xffff;
	s15 =	smov.u32 s12  }
.LBB2_3:
0x2d: {  	p1 =	sne.s32 s16, $0x3C0;
	_ =	sdelay $0x4  }
0x2e: {  	v1 =	vand.u32 $0x7, v0;
	v2 =	vshll.u32 v0, $0x4  }
0x2f: {  	vm2 =	veq.s32 v0, $0x80000000;
	v0 =	vmul.u32 $0x9C400, v1;
	v1 =	vand.u32 $0xFFF80, v2  }
0x30: {  	v1 =	vsel vm2, $0xFFFFFF80, v1  }
0x31: {  	v0 =	vsel vm2, $0xFFF63C00, v0;
	v2 =	vand.u32 $0xFFFFFC00, v1  }
0x32: {  	v1 =	vand.u32 $0x380, v1;
	v0 =	vadd.s32 v0, v2  }
0x33: {  	v0 =	vor.u32 v1, v0  }
0x34: {  	v0 =	vshrl.u32 v0, $0x3;
	_ =	sdelay $0x3  }
.Ltmp3:
0x35: {  	s17 =	sshra.s32 s16, $0x2;
	s15 =	sadd.s32 $0x800, s15;
	(pc) =	sbr.rel @p1 .LBB2_3-.Ltmp3, $4  }
0x36: {  	[tilespmem:s15], [sflag:$0x1] =	stream.indirect_vreg.gather [hbm:s2], $0x80, v0, vm0, $0x38;
	[tilespmem:$0x10200] =	vst v63  }
0x37: {  	s17 =	sadd.s32 s17, s14;
	s18 =	sadd.s32 $0x400, s15  }
0x38: {  	[tilespmem:s18], [sflag:$0x1] =	stream.indirect_vreg.gather [hbm:s2], $0x80, v0, vm1, $0x38;
	[tilespmem:$0x10200] =	vst v63  }
0x39: {  	s16 =	sadd.s32 $0x40, s16;
	v0 =	vld.msk [tilespmem:s17+$0x0 ss:$0x1], $0xffff  }
0x3a: {  	_ =	sdelay $0x3  }
0x3b: {  	v1 =	vand.u32 $0x7, v0;
	v2 =	vshll.u32 v0, $0x4  }
0x3c: {  	vm2 =	veq.s32 v0, $0x80000000;
	v61 =	vmul.u32 $0x9C400, v1;
	v62 =	vand.u32 $0xFFF80, v2  }
0x3d: {  	v1 =	vsel vm2, $0xFFFFFF80, v62  }
0x3e: {  	v0 =	vsel vm2, $0xFFF63C00, v61;
	v63 =	vand.u32 $0xFFFFFC00, v1  }
0x3f: {  	v1 =	vand.u32 $0x380, v1;
	v0 =	vadd.s32 v0, v63  }
0x40: {  	v0 =	vor.u32 v1, v0  }
0x41: {  	v0 =	vshrl.u32 v0, $0x3;
	_ =	sdelay $0x3  }
0x42: {  	s14 =	sadd.s32 $0x800, s15  }
0x43: {  	[tilespmem:s14], [sflag:$0x1] =	stream.indirect_vreg.gather [hbm:s2], $0x80, v0, vm0, $0x38;
	[tilespmem:$0x10200] =	vst v63  }
0x44: {  	s14 =	sadd.s32 $0x400, s14  }
0x45: {  	[tilespmem:s14], [sflag:$0x1] =	stream.indirect_vreg.gather [hbm:s2], $0x80, v0, vm1, $0x38;
	[tilespmem:$0x10200] =	vst v63  }
0x46: {  	s11 =	sshll.u32 s11, $0x4;
	_ =	swait.ge [sflag:s4], $0x8000  }
0x47: {  	s11 =	sadd.s32 s11, s7;
	[sflag:s4] =	ssyncset.done $0x0  }
0x48: {  	s15 =	sadd.s32 $0x0, s11;
	s14 =	simm.s32 $0x80;
	[sflag:s4] =	ssyncadd.s32 $0xFFFF8000  }
.LBB2_5:
0x49: {  	[hbm:s15] =	stream.linear.scatter [tilespmem:s12], [sflag:$0x3], $0x400, $0x38;
	[tilespmem:$0x10200] =	vst v63  }
0x4a: {  	s15 =	smov.u32 s14;
	s12 =	smov.u32 s13;
	p1 =	sne.s32 s14, $0xF80  }
.Ltmp4:
0x4b: {  	s14 =	sadd.s32 $0x80, s14;
	(pc) =	sbr.rel @p1 .LBB2_5-.Ltmp4, $2  }
0x4c: {  	_ =	sdelay $0x2  }
0x4d: {  	s13 =	sadd.s32 $0x400, s13;
	s15 =	sadd.s32 s15, s11  }
.Ltmp5:
0x4e: {  	(pc) =	sbr.rel .LBB2_7-.Ltmp5, $2  }
0x4f: {  	_ =	sdelay $0x2  }
0x50: {  	[hbm:s15] =	stream.linear.scatter [tilespmem:s12], [sflag:$0x3], $0x400, $0x38;
	[tilespmem:$0x10200] =	vst v63  }
.LBB2_8:
0x51: {  	_ =	sfence.sel $0x180000  }
0x52: {  	s2 =	simm.s32 $0x2;
	[bflag:$0x0] =	sbarrier.arrive $0xFFFF  }
0x53: {  	s30 =	simm.s32 $0x3;
	[sflag:s2] =	ssyncpa.u1 $0x1  }
0x54: {  	s31 =	simm.s32 $0x1;
	[sflag:s30] =	ssyncpa.u1 $0x1  }
0x55: {  	[sflag:s31] =	ssyncpa.u1 $0x1  }
0x56: {  	p0 =	sne.s32 s1, $0x0;
	_ =	strace $0x9000004A  }
0x57: {  	s0 =	sadd.s32 @!p0 $0x100000, s0;
	[bflag:$0x2] =	sbarrier.arrive $0xFFFF  }
0x58: {  	[sflag:s0] =	ssyncadd.tile.s32 @!p0 $0x1;
	_ =	shalt  }
.Lfunc_end2:
_tile_overlayer_lowered:
.L_overlay_start_2:
0x59: {  	(tag) =	ssettag $0x2  }
0x5a: {  	s0 =	rddreg [dreg:$0x0];
	s2 =	stileid.u32  }
0x5b: {  	s1 =	rddreg [dreg:$0x1];
	p0 =	sne.s32 s2, $0x0  }
0x5c: {  	s3 =	rddreg [dreg:$0x2];
	[bflag:$0x3] =	sbarrier.arrive $0xFFFF;
	s2 =	simm.s32 @!p0 $0x1C01  }
0x5d: {  	[timem:s3], [sflag:s2] =	dma.local @!p0 [hbm:s0], s1  }
0x5e: {  	s0 =	simm.s32 @!p0 $0x1  }
0x5f: {  	_ =	swait.ge @!p0 [sflag:s0], s1  }
0x60: {  	s1 =	ssub.s32 @!p0 $0x0, s1;
	[sflag:s0] =	ssyncset.done @!p0 $0x0  }
0x61: {  	[sflag:s0] =	ssyncadd.s32 @!p0 s1  }
0x62: {  	[bflag:$0x3] =	sbarrier.arrive $0xFFFF  }
0x63: {  	_ =	shalt  }

// kernel: gather_offload_async_start
scs
__scs_entry_jumppad:
0x0: {  	(pc) =	sbr.rel $0x88, $3  }
0x1: {  	(tag) =	ssettag $0x0;
	lr =	simm.s32 $0x1  }
0x2: {  	[smem:$0x3F9B] =	sst lr;
	_ =	strace $0xD0000000  }
0x3: {  	_ = 	snop  }
0x4: {  	_ = 	snop  }
0x5: {  	_ = 	snop  }
0x6: {  	_ = 	snop  }
0x7: {  	_ = 	snop  }
__scs_overlays_trampoline_lowered:
0x8: {  	[smem:$0x3FAA] =	sst s0  }
0x9: {  	[smem:$0x3FAB] =	sst s1  }
0xa: {  	[smem:$0x3FAC] =	sst s2  }
0xb: {  	[smem:$0x3FAD] =	sst s3  }
0xc: {  	[smem:$0x3FAE] =	sst s4  }
0xd: {  	[smem:$0x3FAF] =	sst s5  }
0xe: {  	[smem:$0x3FB0] =	sst s6  }
0xf: {  	[smem:$0x3FB1] =	sst s7  }
0x10: {  	[smem:$0x3FB2] =	sst s8  }
0x11: {  	[smem:$0x3FB3] =	sst s9;
	s0 =	simm.s32 @!p0 $0x0  }
0x12: {  	s1 =	sld [smem:$0x3F99];
	s0 =	simm.s32 @p0 $0x1  }
0x13: {  	[smem:$0x3FB4] =	sst s0;
	s0 =	simm.s32 @!p1 $0x0  }
0x14: {  	s2 =	sld [smem:$0x3F98];
	s0 =	simm.s32 @p1 $0x1  }
0x15: {  	[smem:$0x3FB5] =	sst s0;
	s0 =	simm.s32 @!p2 $0x0  }
0x16: {  	s3 =	sld [smem:$0x3FDB];
	s0 =	simm.s32 @p2 $0x1  }
0x17: {  	s4 =	simm.s32 $0x1BF5;
	[smem:$0x3FB7] =	sst s0  }
0x18: {  	s0 =	sld [smem:$0x3F9A];
	_ =	swait.ge [sflag:s4], $0x0  }
0x19: {  	s7 =	sld [smem:$0x3F9B]  }
0x1a: {  	s8 =	sadd.s32 $0xFFFFE003, lr  }
0x1b: {  	s9 =	sadd.s32 $0xFFFFFEF7, lr;
	s5 =	simm.s32 $0xFFFFFFFF;
	p2 =	slt.u32 s8, $0xFFFFF086  }
0x1c: {  	p1 =	slt.u32 s9, $0xF7A;
	s5 =	simm.s32 @!p2 $0x0  }
0x1d: {  	s5 =	simm.s32 @p1 $0x1;
	p0 =	seq.s32 s7, s2  }
0x1e: {  	s7 =	smul.u32 @!p0 $0xF7A, s2;
	p2 =	seq.s32 @!p0 s5, $0x0  }
0x1f: {  	s9 =	smul.u32 $0xF7A, s1;
	s8 =	simm.s32 @!p0 $0x1BF5;
	p2 =	por !p2, p0  }
0x20: {  	[sflag:s8] =	ssyncset.s32 @!p0 $0xFFFFF086;
	s6 =	sadd.s32 @!p0 s3, s7;
	s7 =	simm.s32 @!p0 $0x108  }
0x21: {  	s3 =	sadd.s32 s3, s9;
	s6 =	sadd.s32 @!p0 $0x88, s6;
	s7 =	simm.s32 @p2 $0x1082  }
0x22: {  	[simem:s7], [sflag:s8] =	dma.local @!p0 [hbm:s6], $0xF7A  }
0x23: {  	s9 =	sor.u32 $0xD0000000, s2;
	s6 =	simm.s32 $0x108;
	_ =	swait.ge @!p0 [sflag:s8], $0x0  }
0x24: {  	s3 =	sadd.s32 $0x88, s3;
	s6 =	simm.s32 @!p1 $0x1082;
	[sflag:s4] =	ssyncset.s32 $0xFFFFF086  }
0x25: {  	[simem:s6], [sflag:s4] =	dma.local [hbm:s3], $0xF7A  }
0x26: {  	[smem:$0x3F9B] =	sst s1;
	(tag) =	ssettag s2;
	_ =	strace s9  }
0x27: {  	s1 =	sld [smem:$0x3FAB]  }
0x28: {  	s2 =	sld [smem:$0x3FAC]  }
0x29: {  	s4 =	sld [smem:$0x3FAE]  }
0x2a: {  	p0 =	seq.s32 s5, $0x0;
	s5 =	sld [smem:$0x3FAF]  }
0x2b: {  	s6 =	sld [smem:$0x3FB0]  }
0x2c: {  	s7 =	sld [smem:$0x3FB1]  }
0x2d: {  	s3 =	simm.s32 $0x108;
	s8 =	sld [smem:$0x3FB2]  }
0x2e: {  	s3 =	simm.s32 @!p0 $0x1082;
	s9 =	sld [smem:$0x3FB3]  }
0x2f: {  	lr =	sadd.s32 s0, s3;
	s0 =	sld [smem:$0x3FAA]  }
0x30: {  	s3 =	sld [smem:$0x3FAD]  }
0x31: {  	[smem:$0x3FB6] =	sst s10  }
0x32: {  	s10 =	sld [smem:$0x3FB4];
	_ =	sdelay $0x3  }
0x33: {  	p0 =	seq.s32 s10, $0x1;
	s10 =	sld [smem:$0x3FB6];
	_ =	sdelay $0x3  }
0x34: {  	[smem:$0x3FB6] =	sst s10  }
0x35: {  	s10 =	sld [smem:$0x3FB5];
	_ =	sdelay $0x3  }
0x36: {  	p1 =	seq.s32 s10, $0x1;
	s10 =	sld [smem:$0x3FB6];
	_ =	sdelay $0x3  }
0x37: {  	[smem:$0x3FB6] =	sst s10  }
0x38: {  	s10 =	sld [smem:$0x3FB7]  }
0x39: {  	_ = 	snop;
	(pc) =	sbr.ind lr, $3  }
0x3a: {  	_ = 	snop  }
0x3b: {  	_ = 	snop  }
0x3c: {  	p2 =	seq.s32 s10, $0x1;
	s10 =	sld [smem:$0x3FB6]  }
0x3d: {  	_ =	shalt  }
0x3e: {  	_ =	shalt  }
0x3f: {  	_ =	shalt  }
0x40: {  	_ =	shalt  }
0x41: {  	_ =	shalt  }
0x42: {  	_ =	shalt  }
0x43: {  	_ =	shalt  }
0x44: {  	_ =	shalt  }
0x45: {  	_ =	shalt  }
0x46: {  	_ =	shalt  }
0x47: {  	_ =	shalt  }
0x48: {  	_ =	shalt  }
0x49: {  	_ =	shalt  }
0x4a: {  	_ =	shalt  }
0x4b: {  	_ =	shalt  }
0x4c: {  	_ =	shalt  }
0x4d: {  	_ =	shalt  }
0x4e: {  	_ =	shalt  }
0x4f: {  	_ =	shalt  }
0x50: {  	_ =	shalt  }
0x51: {  	_ =	shalt  }
0x52: {  	_ =	shalt  }
0x53: {  	_ =	shalt  }
0x54: {  	_ =	shalt  }
0x55: {  	_ =	shalt  }
0x56: {  	_ =	shalt  }
0x57: {  	_ =	shalt  }
0x58: {  	_ =	shalt  }
0x59: {  	_ =	shalt  }
0x5a: {  	_ =	shalt  }
0x5b: {  	_ =	shalt  }
0x5c: {  	_ =	shalt  }
0x5d: {  	_ =	shalt  }
0x5e: {  	_ =	shalt  }
0x5f: {  	_ =	shalt  }
0x60: {  	_ =	shalt  }
0x61: {  	_ =	shalt  }
0x62: {  	_ =	shalt  }
0x63: {  	_ =	shalt  }
0x64: {  	_ =	shalt  }
0x65: {  	_ =	shalt  }
0x66: {  	_ =	shalt  }
0x67: {  	_ =	shalt  }
0x68: {  	_ =	shalt  }
0x69: {  	_ =	shalt  }
0x6a: {  	_ =	shalt  }
0x6b: {  	_ =	shalt  }
0x6c: {  	_ =	shalt  }
0x6d: {  	_ =	shalt  }
0x6e: {  	_ =	shalt  }
0x6f: {  	_ =	shalt  }
0x70: {  	_ =	shalt  }
0x71: {  	_ =	shalt  }
0x72: {  	_ =	shalt  }
0x73: {  	_ =	shalt  }
0x74: {  	_ =	shalt  }
0x75: {  	_ =	shalt  }
0x76: {  	_ =	shalt  }
0x77: {  	_ =	shalt  }
0x78: {  	_ =	shalt  }
0x79: {  	_ =	shalt  }
0x7a: {  	_ =	shalt  }
0x7b: {  	_ =	shalt  }
0x7c: {  	_ =	shalt  }
0x7d: {  	_ =	shalt  }
0x7e: {  	_ =	shalt  }
0x7f: {  	_ =	shalt  }
0x80: {  	_ =	shalt  }
0x81: {  	_ =	shalt  }
0x82: {  	_ =	shalt  }
0x83: {  	_ =	shalt  }
0x84: {  	_ =	shalt  }
0x85: {  	_ =	shalt  }
0x86: {  	_ =	shalt  }
0x87: {  	_ =	shalt  }
.Lfunc_end0:
.L_simem_size_0:
called_computation_lowered:
.L_overlay_start_0:
0x88: {  	s2 =	sld [smem:$0x3FD9]  }
0x89: {  	s3 =	sld [smem:$0x3FFE];
	_ =	sdelay $0x1  }
0x8a: {  	s1 =	srdreg.scid  }
0x8b: {  	s0 =	sand.u32 $0x1, s1  }
0x8c: {  	s17 =	sshll.u32 s0, $0xA;
	s2 =	sadd.s32 s3, s2  }
0x8d: {  	s2 =	sadd.s32 s2, s17  }
0x8e: {  	[smem:$0x3FC2] =	sst s2  }
0x8f: {  	_ = 	snop  }
0x90: {  	(tm) =	ssettm $0x1  }
0x91: {  	s18 =	sld [smem:$0x3FFB];
	_ =	sdelay $0x3  }
0x92: {  	_ =	strace s18  }
0x93: {  	s2 =	sld [smem:$0x3FFC];
	_ =	sdelay $0x3  }
0x94: {  	_ =	strace s2  }
0x95: {  	s2 =	sld [smem:$0x3FFD];
	_ =	sdelay $0x3  }
0x96: {  	_ =	strace s2  }
0x97: {  	_ =	strace $0x8FFFFFFF  }
0x98: {  	s19 =	sld [smem:$0x3FDB];
	_ =	sdelay $0x1  }
0x99: {  	s20 =	simm.s32 $_scs_section_size  }
0x9a: {  	s4 =	simm.s32 $_size__tile_overlayer_lowered;
	s5 =	simm.s32 $_tile_overlayer_lowered  }
0x9b: {  	s6 =	simm.s32 $0x1BFF;
	s21 =	sshll.u32 s5, $0x1;
	s3 =	sadd.s32 s20, s19  }
0x9c: {  	s22 =	simm.s32 $0x0;
	s4 =	sshll.u32 s4, $0x1;
	s5 =	sadd.s32 s21, s3  }
0x9d: {  	[timem:s22], [sflag:s6] =	dma.local [hbm:s5], s4  }
0x9e: {  	_ =	swait.ge [sflag:s6], s4  }
0x9f: {  	s4 =	ssub.s32 $0x0, s4;
	[sflag:s6] =	ssyncset.done $0x0  }
0xa0: {  	[sflag:s6] =	ssyncadd.s32 s4;
	_ =	sdelay $0x1  }
0xa1: {  	s23 =	simm.s32 $0x1B8B  }
0xa2: {  	_ =	swait.ge [sflag:s23], $0x1  }
0xa3: {  	[sflag:s23] =	ssyncset.done $0x0  }
0xa4: {  	[sflag:s23] =	ssyncadd.s32 $0xFFFFFFFF  }
0xa5: {  	s4 =	sld [smem:$0x0]  }
0xa6: {  	s5 =	sand.u32 $0xFFFFFFFE, s1  }
0xa7: {  	p0 =	sne.s32 s1, s5  }
0xa8: {  	s5 =	sshll.u32 @p0 s5, $0xE  }
0xa9: {  	s5 =	sadd.s32 @p0 $0x11B8D, s5;
	s6 =	sshll.u32 @p0 s4, $0x11  }
0xaa: {  	s5 =	sor.u32 @p0 s6, s5  }
0xab: {  	[sflag:s5] =	ssyncadd.remote.s32 @p0 $0x1;
	_ =	sdelay $0x1  }
0xac: {  	s5 =	simm.s32 @p0 $0x1B8D  }
0xad: {  	_ =	swait.eq @p0 [sflag:s5], $0x1  }
0xae: {  	[sflag:s5] =	ssyncadd.s32 @p0 $0xFFFFFFFF  }
0xaf: {  	s6 =	sshll.u32 @!p0 s1, $0xE  }
0xb0: {  	s6 =	sor.u32 @!p0 $0x4000, s6;
	s5 =	simm.s32 @!p0 $0x1B8D  }
0xb1: {  	s4 =	sshll.u32 @!p0 s4, $0x11;
	s6 =	sadd.s32 @!p0 $0x11B8D, s6;
	_ =	swait.eq @!p0 [sflag:s5], $0x1  }
0xb2: {  	s4 =	sor.u32 @!p0 s4, s6;
	[sflag:s5] =	ssyncadd.s32 @!p0 $0xFFFFFFFF  }
0xb3: {  	s25 =	simm.s32 $0x1B8E;
	s24 =	sld [smem:$0x3FFE];
	[sflag:s4] =	ssyncadd.remote.s32 @!p0 $0x1  }
0xb4: {  	s26 =	simm.s32 $execute0_lowered;
	[smem:$0x3FD2] =	sst s25  }
0xb5: {  	s5 =	sshll.u32 s26, $0x1;
	_ =	strace $0x8000004C;
	[dreg:$0x1] =	wrdreg $0xFFFFFFFF  }
0xb6: {  	s28 =	simm.s32 $_size_execute0_lowered;
	s3 =	sadd.s32 s3, s5;
	[dreg:$0x0] =	wrdreg $0x0  }
0xb7: {  	s5 =	sshll.u32 s28, $0x1;
	[dreg:$0x2] =	wrdreg s3  }
0xb8: {  	[dreg:$0x3] =	wrdreg s5  }
0xb9: {  	[dreg:$0x4] =	wrdreg $0xC0  }
0xba: {  	_ =	task [dreg:s22], $0x5FFFF  }
0xbb: {  	[dreg:$0x1] =	wrdreg $0xFFFFFFFF  }
0xbc: {  	[dreg:$0x0] =	wrdreg $0x60  }
0xbd: {  	[dreg:$0x2] =	wrdreg s24  }
0xbe: {  	[dreg:$0x3] =	wrdreg $0x9  }
0xbf: {  	_ =	task.clear_ibuf [dreg:s22], $0x4FFFF;
	_ =	strace $0x9000004C  }
0xc0: {  	s29 =	simm.s32 $0x9;
	_ =	strace $0x8000004E  }
0xc1: {  	_ =	swait.ge [sflag:s29], $0x1  }
0xc2: {  	[sflag:s29] =	ssyncadd.s32 $0xFFFFFFFF  }
0xc3: {  	_ =	strace $0x9000004E  }
0xc4: {  	_ =	sfence  }
0xc5: {  	s30 =	sld [smem:$0x0];
	_ =	sdelay $0x2  }
0xc6: {  	s31 =	sshll.u32 s1, $0xD;
	s1 =	sshrl.u32 s1, $0x2  }
0xc7: {  	s4 =	sand.u32 $0x4000, s31;
	s1 =	sadd.s32 s1, s30  }
0xc8: {  	s0 =	sor.u32 s4, s0;
	s1 =	sshll.u32 s1, $0x11  }
0xc9: {  	s0 =	sor.u32 s1, s0  }
0xca: {  	s0 =	sadd.s32 $0x8F2B, s0  }
0xcb: {  	[sflag:s0] =	ssyncadd.remote.s32 $0x1  }
0xcc: {  	_ =	sfence.sel $0xFFFF  }
0xcd: {  	[dreg:$0x0] =	wrdreg $0xFFFFFFFF;
	(pc) =	sbr.abs _section_cstart, $3  }
0xce: {  	[dreg:$0x1] =	wrdreg $0xFFFFFFFF  }
0xcf: {  	_ =	task.clear_ibuf [dreg:s22], $0x2FFFF;
	_ =	strace $0x9FFFFFFF  }
0xd0: {  	(tm) =	ssettm $0x7FFFFFFF  }
0xd1: {  	_ =	shalt  }
tec
execute0_lowered:
.L_overlay_start_1:
0x0: {  	(tag) =	ssettag $0x1  }
0x1: {  	s7 =	rddreg [dreg:$0x0]  }
0x2: {  	s0 =	rddreg [dreg:$0x1];
	_ =	strace $0x8000004D  }
0x3: {  	s1 =	srdreg.scid;
	s4 =	simm.s32 $0x1;
	s9 =	simm.s32 $0x3  }
0x4: {  	s11 =	simm.s32 $0x0;
	p0 =	por $0x0, $0x0;
	s5 =	sshll.u32 s1, $0x4  }
.Ltmp0:
0x5: {  	s1 =	stileid.u32;
	s5 =	sand.u32 $0x10, s5;
	(pc) =	sbr.rel .LBB2_1-.Ltmp0, $4  }
0x6: {  	s2 =	sadd.s32 $0x4400, s7;
	s3 =	sadd.s32 $0x1D9000, s7;
	s6 =	sor.u32 s1, s5  }
0x7: {  	[sflag:s4] =	ssyncpa.u1 $0x0;
	s5 =	simm.s32 $0x2;
	s6 =	sshll.u32 s6, $0x9  }
0x8: {  	s7 =	sadd.s32 $0x259800, s7;
	[sflag:s5] =	ssyncpa.u1 $0x0;
	s8 =	sadd.s32 $0x200, s6  }
0x9: {  	vm0 =	vmmov $0xff;
	vm1 =	vcmask $0x3F20;
	[sflag:s9] =	ssyncpa.u1 $0x0;
	s10 =	smov.u32 s6;
	s9 =	simm.s32 $0x0  }
.LBB2_7:
0xa: {  	p1 =	slt.u32 s9, $0x2;
	s11 =	sadd.s32 $0x100, s10  }
0xb: {  	s13 =	smov.u32 s6;
	s9 =	sadd.s32 $0x1, s9;
	p2 =	slt.s32 s11, s8  }
0xc: {  	s13 =	smov.u32 @p2 s11;
	p2 =	sne.s32 s9, $0x4  }
.Ltmp1:
0xd: {  	_ = 	snop;
	(pc) =	sbr.rel @!p2 .LBB2_8-.Ltmp1, $4  }
0xe: {  	s12 =	simm.s32 @!p1 $0x3  }
0xf: {  	_ =	swait.ge @!p1 [sflag:s12], $0x8000  }
0x10: {  	p0 =	por !p0, !p0;
	[sflag:s12] =	ssyncset.done @!p1 $0x0  }
0x11: {  	s11 =	smov.u32 s10;
	s10 =	smov.u32 s13;
	[sflag:s12] =	ssyncadd.s32 @!p1 $0xFFFF8000  }
.LBB2_1:
0x12: {  	p1 =	sgt.u32 s9, $0x1  }
0x13: {  	s12 =	sshll.u32 @!p1 s9, $0x8;
	s13 =	sshrl.u32 @!p1 s10, $0x3  }
0x14: {  	s14 =	sand.u32 @!p1 $0x7, s10;
	s12 =	sxor.u32 @!p1 $0x100, s12;
	s13 =	sadd.s32 @!p1 s3, s13  }
0x15: {  	[tilespmem:s12], [sflag:$0x2] =	stream.linear.gather @!p1 [hbm4b:s13+s14], $0x100, $0x38;
	[tilespmem:$0x10200] =	vst v63  }
0x16: {  	p1 =	seq.s32 s9, $0x0  }
0x17: {  	p2 =	seq.s32 @!p1 s9, $0x3  }
0x18: {  	p1 =	por p1, p2  }
.Ltmp2:
0x19: {  	_ = 	snop;
	(pc) =	sbr.rel @p1 .LBB2_7-.Ltmp2, $1  }
0x1a: {  	_ =	sdelay $0x3  }
0x1b: {  	s12 =	simm.s32 $0x1  }
0x1c: {  	_ =	swait.ge [sflag:s5], $0x100;
	s12 =	simm.s32 @!p0 $0x0  }
0x1d: {  	[sflag:s5] =	ssyncset.done $0x0;
	s14 =	sshll.u32 s12, $0x8  }
0x1e: {  	[sflag:s5] =	ssyncadd.s32 $0xFFFFFF00;
	s13 =	sadd.s32 $0x0, s14  }
0x1f: {  	v0 =	vld.msk [tilespmem:s13+$0x0 ss:$0x1], $0xffff;
	_ =	sdelay $0x4  }
0x20: {  	v1 =	vand.u32 $0x7, v0;
	v2 =	vshll.u32 v0, $0x4  }
0x21: {  	vm2 =	veq.s32 v0, $0x80000000;
	v0 =	vmul.u32 $0x9C400, v1;
	v1 =	vand.u32 $0xFFF80, v2  }
0x22: {  	v1 =	vsel vm2, $0xFFFFFF80, v1  }
0x23: {  	v0 =	vsel vm2, $0xFFF63C00, v0;
	v2 =	vand.u32 $0xFFFFFC00, v1  }
0x24: {  	v1 =	vand.u32 $0x380, v1;
	v0 =	vadd.s32 v0, v2  }
0x25: {  	v0 =	vor.u32 v1, v0  }
0x26: {  	v0 =	vshrl.u32 v0, $0x3;
	_ =	sdelay $0x2  }
0x27: {  	s12 =	sshll.u32 s12, $0xF  }
0x28: {  	s12 =	sor.u32 $0x200, s12  }
0x29: {  	[tilespmem:s12], [sflag:$0x1] =	stream.indirect_vreg.gather [hbm:s2], $0x80, v0, vm0, $0x38;
	[tilespmem:$0x10200] =	vst v63  }
0x2a: {  	s15 =	sadd.s32 $0x10, s14;
	s13 =	sadd.s32 $0x400, s12  }
0x2b: {  	[tilespmem:s13], [sflag:$0x1] =	stream.indirect_vreg.gather [hbm:s2], $0x80, v0, vm1, $0x38;
	[tilespmem:$0x10200] =	vst v63  }
0x2c: {  	s16 =	simm.s32 $0x80;
	v0 =	vld.msk [tilespmem:s15+$0x0 ss:$0x1], $0xffff;
	s15 =	smov.u32 s12  }
.LBB2_3:
0x2d: {  	p1 =	sne.s32 s16, $0x3C0;
	_ =	sdelay $0x4  }
0x2e: {  	v1 =	vand.u32 $0x7, v0;
	v2 =	vshll.u32 v0, $0x4  }
0x2f: {  	vm2 =	veq.s32 v0, $0x80000000;
	v0 =	vmul.u32 $0x9C400, v1;
	v1 =	vand.u32 $0xFFF80, v2  }
0x30: {  	v1 =	vsel vm2, $0xFFFFFF80, v1  }
0x31: {  	v0 =	vsel vm2, $0xFFF63C00, v0;
	v2 =	vand.u32 $0xFFFFFC00, v1  }
0x32: {  	v1 =	vand.u32 $0x380, v1;
	v0 =	vadd.s32 v0, v2  }
0x33: {  	v0 =	vor.u32 v1, v0  }
0x34: {  	v0 =	vshrl.u32 v0, $0x3;
	_ =	sdelay $0x3  }
.Ltmp3:
0x35: {  	s17 =	sshra.s32 s16, $0x2;
	s15 =	sadd.s32 $0x800, s15;
	(pc) =	sbr.rel @p1 .LBB2_3-.Ltmp3, $4  }
0x36: {  	[tilespmem:s15], [sflag:$0x1] =	stream.indirect_vreg.gather [hbm:s2], $0x80, v0, vm0, $0x38;
	[tilespmem:$0x10200] =	vst v63  }
0x37: {  	s17 =	sadd.s32 s17, s14;
	s18 =	sadd.s32 $0x400, s15  }
0x38: {  	[tilespmem:s18], [sflag:$0x1] =	stream.indirect_vreg.gather [hbm:s2], $0x80, v0, vm1, $0x38;
	[tilespmem:$0x10200] =	vst v63  }
0x39: {  	s16 =	sadd.s32 $0x40, s16;
	v0 =	vld.msk [tilespmem:s17+$0x0 ss:$0x1], $0xffff  }
0x3a: {  	_ =	sdelay $0x3  }
0x3b: {  	v1 =	vand.u32 $0x7, v0;
	v2 =	vshll.u32 v0, $0x4  }
0x3c: {  	vm2 =	veq.s32 v0, $0x80000000;
	v61 =	vmul.u32 $0x9C400, v1;
	v62 =	vand.u32 $0xFFF80, v2  }
0x3d: {  	v1 =	vsel vm2, $0xFFFFFF80, v62  }
0x3e: {  	v0 =	vsel vm2, $0xFFF63C00, v61;
	v63 =	vand.u32 $0xFFFFFC00, v1  }
0x3f: {  	v1 =	vand.u32 $0x380, v1;
	v0 =	vadd.s32 v0, v63  }
0x40: {  	v0 =	vor.u32 v1, v0  }
0x41: {  	v0 =	vshrl.u32 v0, $0x3;
	_ =	sdelay $0x3  }
0x42: {  	s14 =	sadd.s32 $0x800, s15  }
0x43: {  	[tilespmem:s14], [sflag:$0x1] =	stream.indirect_vreg.gather [hbm:s2], $0x80, v0, vm0, $0x38;
	[tilespmem:$0x10200] =	vst v63  }
0x44: {  	s14 =	sadd.s32 $0x400, s14  }
0x45: {  	[tilespmem:s14], [sflag:$0x1] =	stream.indirect_vreg.gather [hbm:s2], $0x80, v0, vm1, $0x38;
	[tilespmem:$0x10200] =	vst v63  }
0x46: {  	s11 =	sshll.u32 s11, $0x4;
	_ =	swait.ge [sflag:s4], $0x8000  }
0x47: {  	s11 =	sadd.s32 s11, s7;
	[sflag:s4] =	ssyncset.done $0x0  }
0x48: {  	s15 =	sadd.s32 $0x0, s11;
	s14 =	simm.s32 $0x80;
	[sflag:s4] =	ssyncadd.s32 $0xFFFF8000  }
.LBB2_5:
0x49: {  	[hbm:s15] =	stream.linear.scatter [tilespmem:s12], [sflag:$0x3], $0x400, $0x38;
	[tilespmem:$0x10200] =	vst v63  }
0x4a: {  	s15 =	smov.u32 s14;
	s12 =	smov.u32 s13;
	p1 =	sne.s32 s14, $0xF80  }
.Ltmp4:
0x4b: {  	s14 =	sadd.s32 $0x80, s14;
	(pc) =	sbr.rel @p1 .LBB2_5-.Ltmp4, $2  }
0x4c: {  	_ =	sdelay $0x2  }
0x4d: {  	s13 =	sadd.s32 $0x400, s13;
	s15 =	sadd.s32 s15, s11  }
.Ltmp5:
0x4e: {  	(pc) =	sbr.rel .LBB2_7-.Ltmp5, $2  }
0x4f: {  	_ =	sdelay $0x2  }
0x50: {  	[hbm:s15] =	stream.linear.scatter [tilespmem:s12], [sflag:$0x3], $0x400, $0x38;
	[tilespmem:$0x10200] =	vst v63  }
.LBB2_8:
0x51: {  	_ =	sfence.sel $0x180000  }
0x52: {  	s2 =	simm.s32 $0x2;
	[bflag:$0x0] =	sbarrier.arrive $0xFFFF  }
0x53: {  	s30 =	simm.s32 $0x3;
	[sflag:s2] =	ssyncpa.u1 $0x1  }
0x54: {  	s31 =	simm.s32 $0x1;
	[sflag:s30] =	ssyncpa.u1 $0x1  }
0x55: {  	[sflag:s31] =	ssyncpa.u1 $0x1  }
0x56: {  	p0 =	sne.s32 s1, $0x0;
	_ =	strace $0x9000004D  }
0x57: {  	s0 =	sadd.s32 @!p0 $0x100000, s0;
	[bflag:$0x2] =	sbarrier.arrive $0xFFFF  }
0x58: {  	[sflag:s0] =	ssyncadd.tile.s32 @!p0 $0x1;
	_ =	shalt  }
.Lfunc_end2:
_tile_overlayer_lowered:
.L_overlay_start_2:
0x59: {  	(tag) =	ssettag $0x2  }
0x5a: {  	s0 =	rddreg [dreg:$0x0];
	s2 =	stileid.u32  }
0x5b: {  	s1 =	rddreg [dreg:$0x1];
	p0 =	sne.s32 s2, $0x0  }
0x5c: {  	s3 =	rddreg [dreg:$0x2];
	[bflag:$0x3] =	sbarrier.arrive $0xFFFF;
	s2 =	simm.s32 @!p0 $0x1C01  }
0x5d: {  	[timem:s3], [sflag:s2] =	dma.local @!p0 [hbm:s0], s1  }
0x5e: {  	s0 =	simm.s32 @!p0 $0x1  }
0x5f: {  	_ =	swait.ge @!p0 [sflag:s0], s1  }
0x60: {  	s1 =	ssub.s32 @!p0 $0x0, s1;
	[sflag:s0] =	ssyncset.done @!p0 $0x0  }
0x61: {  	[sflag:s0] =	ssyncadd.s32 @!p0 s1  }
0x62: {  	[bflag:$0x3] =	sbarrier.arrive $0xFFFF  }
0x63: {  	_ =	shalt  }

// kernel: kernel.6.cloned.1.call-start
scs
__scs_entry_jumppad:
0x0: {  	(pc) =	sbr.rel $0x88, $3  }
0x1: {  	(tag) =	ssettag $0x0;
	lr =	simm.s32 $0x1  }
0x2: {  	[smem:$0x3F9B] =	sst lr;
	_ =	strace $0xD0000000  }
0x3: {  	_ = 	snop  }
0x4: {  	_ = 	snop  }
0x5: {  	_ = 	snop  }
0x6: {  	_ = 	snop  }
0x7: {  	_ = 	snop  }
__scs_overlays_trampoline_lowered:
0x8: {  	[smem:$0x3FAA] =	sst s0  }
0x9: {  	[smem:$0x3FAB] =	sst s1  }
0xa: {  	[smem:$0x3FAC] =	sst s2  }
0xb: {  	[smem:$0x3FAD] =	sst s3  }
0xc: {  	[smem:$0x3FAE] =	sst s4  }
0xd: {  	[smem:$0x3FAF] =	sst s5  }
0xe: {  	[smem:$0x3FB0] =	sst s6  }
0xf: {  	[smem:$0x3FB1] =	sst s7  }
0x10: {  	[smem:$0x3FB2] =	sst s8  }
0x11: {  	[smem:$0x3FB3] =	sst s9;
	s0 =	simm.s32 @!p0 $0x0  }
0x12: {  	s1 =	sld [smem:$0x3F99];
	s0 =	simm.s32 @p0 $0x1  }
0x13: {  	[smem:$0x3FB4] =	sst s0;
	s0 =	simm.s32 @!p1 $0x0  }
0x14: {  	s2 =	sld [smem:$0x3F98];
	s0 =	simm.s32 @p1 $0x1  }
0x15: {  	[smem:$0x3FB5] =	sst s0;
	s0 =	simm.s32 @!p2 $0x0  }
0x16: {  	s3 =	sld [smem:$0x3FDB];
	s0 =	simm.s32 @p2 $0x1  }
0x17: {  	s4 =	simm.s32 $0x1BF5;
	[smem:$0x3FB7] =	sst s0  }
0x18: {  	s0 =	sld [smem:$0x3F9A];
	_ =	swait.ge [sflag:s4], $0x0  }
0x19: {  	s7 =	sld [smem:$0x3F9B]  }
0x1a: {  	s8 =	sadd.s32 $0xFFFFE003, lr  }
0x1b: {  	s9 =	sadd.s32 $0xFFFFFEF7, lr;
	s5 =	simm.s32 $0xFFFFFFFF;
	p2 =	slt.u32 s8, $0xFFFFF086  }
0x1c: {  	p1 =	slt.u32 s9, $0xF7A;
	s5 =	simm.s32 @!p2 $0x0  }
0x1d: {  	s5 =	simm.s32 @p1 $0x1;
	p0 =	seq.s32 s7, s2  }
0x1e: {  	s7 =	smul.u32 @!p0 $0xF7A, s2;
	p2 =	seq.s32 @!p0 s5, $0x0  }
0x1f: {  	s9 =	smul.u32 $0xF7A, s1;
	s8 =	simm.s32 @!p0 $0x1BF5;
	p2 =	por !p2, p0  }
0x20: {  	[sflag:s8] =	ssyncset.s32 @!p0 $0xFFFFF086;
	s6 =	sadd.s32 @!p0 s3, s7;
	s7 =	simm.s32 @!p0 $0x108  }
0x21: {  	s3 =	sadd.s32 s3, s9;
	s6 =	sadd.s32 @!p0 $0x88, s6;
	s7 =	simm.s32 @p2 $0x1082  }
0x22: {  	[simem:s7], [sflag:s8] =	dma.local @!p0 [hbm:s6], $0xF7A  }
0x23: {  	s9 =	sor.u32 $0xD0000000, s2;
	s6 =	simm.s32 $0x108;
	_ =	swait.ge @!p0 [sflag:s8], $0x0  }
0x24: {  	s3 =	sadd.s32 $0x88, s3;
	s6 =	simm.s32 @!p1 $0x1082;
	[sflag:s4] =	ssyncset.s32 $0xFFFFF086  }
0x25: {  	[simem:s6], [sflag:s4] =	dma.local [hbm:s3], $0xF7A  }
0x26: {  	[smem:$0x3F9B] =	sst s1;
	(tag) =	ssettag s2;
	_ =	strace s9  }
0x27: {  	s1 =	sld [smem:$0x3FAB]  }
0x28: {  	s2 =	sld [smem:$0x3FAC]  }
0x29: {  	s4 =	sld [smem:$0x3FAE]  }
0x2a: {  	p0 =	seq.s32 s5, $0x0;
	s5 =	sld [smem:$0x3FAF]  }
0x2b: {  	s6 =	sld [smem:$0x3FB0]  }
0x2c: {  	s7 =	sld [smem:$0x3FB1]  }
0x2d: {  	s3 =	simm.s32 $0x108;
	s8 =	sld [smem:$0x3FB2]  }
0x2e: {  	s3 =	simm.s32 @!p0 $0x1082;
	s9 =	sld [smem:$0x3FB3]  }
0x2f: {  	lr =	sadd.s32 s0, s3;
	s0 =	sld [smem:$0x3FAA]  }
0x30: {  	s3 =	sld [smem:$0x3FAD]  }
0x31: {  	[smem:$0x3FB6] =	sst s10  }
0x32: {  	s10 =	sld [smem:$0x3FB4];
	_ =	sdelay $0x3  }
0x33: {  	p0 =	seq.s32 s10, $0x1;
	s10 =	sld [smem:$0x3FB6];
	_ =	sdelay $0x3  }
0x34: {  	[smem:$0x3FB6] =	sst s10  }
0x35: {  	s10 =	sld [smem:$0x3FB5];
	_ =	sdelay $0x3  }
0x36: {  	p1 =	seq.s32 s10, $0x1;
	s10 =	sld [smem:$0x3FB6];
	_ =	sdelay $0x3  }
0x37: {  	[smem:$0x3FB6] =	sst s10  }
0x38: {  	s10 =	sld [smem:$0x3FB7]  }
0x39: {  	_ = 	snop;
	(pc) =	sbr.ind lr, $3  }
0x3a: {  	_ = 	snop  }
0x3b: {  	_ = 	snop  }
0x3c: {  	p2 =	seq.s32 s10, $0x1;
	s10 =	sld [smem:$0x3FB6]  }
0x3d: {  	_ =	shalt  }
0x3e: {  	_ =	shalt  }
0x3f: {  	_ =	shalt  }
0x40: {  	_ =	shalt  }
0x41: {  	_ =	shalt  }
0x42: {  	_ =	shalt  }
0x43: {  	_ =	shalt  }
0x44: {  	_ =	shalt  }
0x45: {  	_ =	shalt  }
0x46: {  	_ =	shalt  }
0x47: {  	_ =	shalt  }
0x48: {  	_ =	shalt  }
0x49: {  	_ =	shalt  }
0x4a: {  	_ =	shalt  }
0x4b: {  	_ =	shalt  }
0x4c: {  	_ =	shalt  }
0x4d: {  	_ =	shalt  }
0x4e: {  	_ =	shalt  }
0x4f: {  	_ =	shalt  }
0x50: {  	_ =	shalt  }
0x51: {  	_ =	shalt  }
0x52: {  	_ =	shalt  }
0x53: {  	_ =	shalt  }
0x54: {  	_ =	shalt  }
0x55: {  	_ =	shalt  }
0x56: {  	_ =	shalt  }
0x57: {  	_ =	shalt  }
0x58: {  	_ =	shalt  }
0x59: {  	_ =	shalt  }
0x5a: {  	_ =	shalt  }
0x5b: {  	_ =	shalt  }
0x5c: {  	_ =	shalt  }
0x5d: {  	_ =	shalt  }
0x5e: {  	_ =	shalt  }
0x5f: {  	_ =	shalt  }
0x60: {  	_ =	shalt  }
0x61: {  	_ =	shalt  }
0x62: {  	_ =	shalt  }
0x63: {  	_ =	shalt  }
0x64: {  	_ =	shalt  }
0x65: {  	_ =	shalt  }
0x66: {  	_ =	shalt  }
0x67: {  	_ =	shalt  }
0x68: {  	_ =	shalt  }
0x69: {  	_ =	shalt  }
0x6a: {  	_ =	shalt  }
0x6b: {  	_ =	shalt  }
0x6c: {  	_ =	shalt  }
0x6d: {  	_ =	shalt  }
0x6e: {  	_ =	shalt  }
0x6f: {  	_ =	shalt  }
0x70: {  	_ =	shalt  }
0x71: {  	_ =	shalt  }
0x72: {  	_ =	shalt  }
0x73: {  	_ =	shalt  }
0x74: {  	_ =	shalt  }
0x75: {  	_ =	shalt  }
0x76: {  	_ =	shalt  }
0x77: {  	_ =	shalt  }
0x78: {  	_ =	shalt  }
0x79: {  	_ =	shalt  }
0x7a: {  	_ =	shalt  }
0x7b: {  	_ =	shalt  }
0x7c: {  	_ =	shalt  }
0x7d: {  	_ =	shalt  }
0x7e: {  	_ =	shalt  }
0x7f: {  	_ =	shalt  }
0x80: {  	_ =	shalt  }
0x81: {  	_ =	shalt  }
0x82: {  	_ =	shalt  }
0x83: {  	_ =	shalt  }
0x84: {  	_ =	shalt  }
0x85: {  	_ =	shalt  }
0x86: {  	_ =	shalt  }
0x87: {  	_ =	shalt  }
.Lfunc_end0:
.L_simem_size_0:
called_computation.3_lowered:
.L_overlay_start_0:
0x88: {  	s2 =	sld [smem:$0x3FD9]  }
0x89: {  	s3 =	sld [smem:$0x3FFE];
	_ =	sdelay $0x1  }
0x8a: {  	s1 =	srdreg.scid  }
0x8b: {  	s0 =	sand.u32 $0x1, s1  }
0x8c: {  	s17 =	sshll.u32 s0, $0xA;
	s2 =	sadd.s32 s3, s2  }
0x8d: {  	s2 =	sadd.s32 s2, s17  }
0x8e: {  	[smem:$0x3FC2] =	sst s2  }
0x8f: {  	_ = 	snop  }
0x90: {  	(tm) =	ssettm $0x1  }
0x91: {  	s18 =	sld [smem:$0x3FFB];
	_ =	sdelay $0x3  }
0x92: {  	_ =	strace s18  }
0x93: {  	s2 =	sld [smem:$0x3FFC];
	_ =	sdelay $0x3  }
0x94: {  	_ =	strace s2  }
0x95: {  	s2 =	sld [smem:$0x3FFD];
	_ =	sdelay $0x3  }
0x96: {  	_ =	strace s2  }
0x97: {  	_ =	strace $0x8FFFFFFF  }
0x98: {  	s19 =	sld [smem:$0x3FDB];
	_ =	sdelay $0x1  }
0x99: {  	s20 =	simm.s32 $_scs_section_size  }
0x9a: {  	s4 =	simm.s32 $_size__tile_overlayer_lowered;
	s5 =	simm.s32 $_tile_overlayer_lowered  }
0x9b: {  	s6 =	simm.s32 $0x1BFF;
	s21 =	sshll.u32 s5, $0x1;
	s3 =	sadd.s32 s20, s19  }
0x9c: {  	s22 =	simm.s32 $0x0;
	s4 =	sshll.u32 s4, $0x1;
	s5 =	sadd.s32 s21, s3  }
0x9d: {  	[timem:s22], [sflag:s6] =	dma.local [hbm:s5], s4  }
0x9e: {  	_ =	swait.ge [sflag:s6], s4  }
0x9f: {  	s4 =	ssub.s32 $0x0, s4;
	[sflag:s6] =	ssyncset.done $0x0  }
0xa0: {  	[sflag:s6] =	ssyncadd.s32 s4;
	_ =	sdelay $0x1  }
0xa1: {  	s23 =	simm.s32 $0x1B8B  }
0xa2: {  	_ =	swait.ge [sflag:s23], $0x1  }
0xa3: {  	[sflag:s23] =	ssyncset.done $0x0  }
0xa4: {  	[sflag:s23] =	ssyncadd.s32 $0xFFFFFFFF  }
0xa5: {  	s4 =	sld [smem:$0x0]  }
0xa6: {  	s5 =	sand.u32 $0xFFFFFFFE, s1  }
0xa7: {  	p0 =	sne.s32 s1, s5  }
0xa8: {  	s5 =	sshll.u32 @p0 s5, $0xE  }
0xa9: {  	s5 =	sadd.s32 @p0 $0x11B8D, s5;
	s6 =	sshll.u32 @p0 s4, $0x11  }
0xaa: {  	s5 =	sor.u32 @p0 s6, s5  }
0xab: {  	[sflag:s5] =	ssyncadd.remote.s32 @p0 $0x1;
	_ =	sdelay $0x1  }
0xac: {  	s5 =	simm.s32 @p0 $0x1B8D  }
0xad: {  	_ =	swait.eq @p0 [sflag:s5], $0x1  }
0xae: {  	[sflag:s5] =	ssyncadd.s32 @p0 $0xFFFFFFFF  }
0xaf: {  	s6 =	sshll.u32 @!p0 s1, $0xE  }
0xb0: {  	s6 =	sor.u32 @!p0 $0x4000, s6;
	s5 =	simm.s32 @!p0 $0x1B8D  }
0xb1: {  	s4 =	sshll.u32 @!p0 s4, $0x11;
	s6 =	sadd.s32 @!p0 $0x11B8D, s6;
	_ =	swait.eq @!p0 [sflag:s5], $0x1  }
0xb2: {  	s4 =	sor.u32 @!p0 s4, s6;
	[sflag:s5] =	ssyncadd.s32 @!p0 $0xFFFFFFFF  }
0xb3: {  	s25 =	simm.s32 $0x1B8E;
	s24 =	sld [smem:$0x3FFE];
	[sflag:s4] =	ssyncadd.remote.s32 @!p0 $0x1  }
0xb4: {  	s26 =	simm.s32 $execute0_lowered;
	[smem:$0x3FD2] =	sst s25  }
0xb5: {  	s5 =	sshll.u32 s26, $0x1;
	_ =	strace $0x8000004F;
	[dreg:$0x1] =	wrdreg $0xFFFFFFFF  }
0xb6: {  	s28 =	simm.s32 $_size_execute0_lowered;
	s3 =	sadd.s32 s3, s5;
	[dreg:$0x0] =	wrdreg $0x0  }
0xb7: {  	s5 =	sshll.u32 s28, $0x1;
	[dreg:$0x2] =	wrdreg s3  }
0xb8: {  	[dreg:$0x3] =	wrdreg s5  }
0xb9: {  	[dreg:$0x4] =	wrdreg $0xC0  }
0xba: {  	_ =	task [dreg:s22], $0x5FFFF  }
0xbb: {  	[dreg:$0x1] =	wrdreg $0xFFFFFFFF  }
0xbc: {  	[dreg:$0x0] =	wrdreg $0x60  }
0xbd: {  	[dreg:$0x2] =	wrdreg s24  }
0xbe: {  	[dreg:$0x3] =	wrdreg $0xA8000  }
0xbf: {  	[dreg:$0x4] =	wrdreg $0xC  }
0xc0: {  	_ =	task.clear_ibuf [dreg:s22], $0x5FFFF;
	_ =	strace $0x9000004F  }
0xc1: {  	s29 =	simm.s32 $0xC;
	_ =	strace $0x80000051  }
0xc2: {  	_ =	swait.ge [sflag:s29], $0x1  }
0xc3: {  	[sflag:s29] =	ssyncadd.s32 $0xFFFFFFFF  }
0xc4: {  	_ =	strace $0x90000051  }
0xc5: {  	_ =	sfence  }
0xc6: {  	s30 =	sld [smem:$0x0];
	_ =	sdelay $0x2  }
0xc7: {  	s31 =	sshll.u32 s1, $0xD;
	s1 =	sshrl.u32 s1, $0x2  }
0xc8: {  	s4 =	sand.u32 $0x4000, s31;
	s1 =	sadd.s32 s1, s30  }
0xc9: {  	s0 =	sor.u32 s4, s0;
	s1 =	sshll.u32 s1, $0x11  }
0xca: {  	s0 =	sor.u32 s1, s0  }
0xcb: {  	s0 =	sadd.s32 $0x8F2B, s0  }
0xcc: {  	[sflag:s0] =	ssyncadd.remote.s32 $0x1  }
0xcd: {  	_ =	sfence.sel $0xFFFF  }
0xce: {  	[dreg:$0x0] =	wrdreg $0xFFFFFFFF;
	(pc) =	sbr.abs _section_cstart, $3  }
0xcf: {  	[dreg:$0x1] =	wrdreg $0xFFFFFFFF  }
0xd0: {  	_ =	task.clear_ibuf [dreg:s22], $0x2FFFF;
	_ =	strace $0x9FFFFFFF  }
0xd1: {  	(tm) =	ssettm $0x7FFFFFFF  }
tec
execute0_lowered:
.L_overlay_start_1:
0x0: {  	(tag) =	ssettag $0x1  }
0x1: {  	s5 =	rddreg [dreg:$0x0]  }
0x2: {  	s2 =	rddreg [dreg:$0x1]  }
0x3: {  	s0 =	rddreg [dreg:$0x2]  }
0x4: {  	s3 =	simm.s32 $0x0;
	s4 =	srdreg.scid;
	s1 =	stileid.u32  }
0x5: {  	s20 =	simm.s32 $0x800;
	s21 =	simm.s32 $0x7C00;
	s22 =	simm.s32 $0x80  }
0x6: {  	s23 =	simm.s32 $0x1000;
	s24 =	simm.s32 $0x1;
	s25 =	simm.s32 $0x5000  }
0x7: {  	s26 =	simm.s32 $0x0;
	[smem:$0x7FF] =	sst s3;
	s6 =	sand.u32 $0x1, s4  }
0x8: {  	s30 =	sshll.u32 s1, $0x1;
	s4 =	sadd.s32 $0x2A1800, s5;
	s15 =	sadd.s32 $0x299800, s5  }
0x9: {  	s16 =	sadd.s32 $0x29D800, s5;
	s18 =	sshll.u32 s1, $0x8;
	s7 =	sor.u32 s6, s30  }
0xa: {  	_ =	strace $0x80000050;
	s6 =	ssub.s32 $0x2, s6;
	s8 =	smul.u32 $0x2C00, s7  }
0xb: {  	s10 =	sor.u32 $0x1000, s18;
	s13 =	sor.u32 $0x2000, s18;
	s7 =	smul.u32 $0xB000, s7  }
0xc: {  	s31 =	sshrl.u32 s6, $0x1;
	s9 =	sadd.s32 s15, s10;
	s10 =	sadd.s32 s16, s10  }
0xd: {  	s12 =	sadd.s32 s15, s13;
	s13 =	sadd.s32 s16, s13;
	s19 =	ssub.s32 s6, s31  }
0xe: {  	s6 =	sadd.s32 s16, s18;
	s8 =	sshrl.u32 s8, $0x3;
	s7 =	sshrl.u32 s7, $0x2  }
0xf: {  	s17 =	sadd.s32 s8, s5;
	s5 =	sadd.s32 s15, s18;
	s18 =	sor.u32 $0x3000, s18  }
0x10: {  	s7 =	sadd.s32 s7, s2;
	s8 =	sadd.s32 $0x2C9A00, s17;
	s11 =	sadd.s32 $0x2D4A00, s17  }
0x11: {  	s14 =	sadd.s32 $0x2DFA00, s17;
	s15 =	sadd.s32 s15, s18;
	s16 =	sadd.s32 s16, s18  }
0x12: {  	v0 =	vimm.f32 $0.0e+00;
	s17 =	sadd.s32 $0x2EAA00, s17;
	s18 =	smax.u32 s19, $0x1;
	s19 =	simm.s32 $0x2  }
.LBB2_1:
0x13: {  	s28 =	simm.s32 $0x70;
	s29 =	simm.s32 $0x3C0  }
.LBB2_2:
0x14: {  	p0 =	sne.s32 s29, $0xAFC0;
	[tilespmem:s28+$0x7C00] =	vst v0  }
0x15: {  	[tilespmem:s28+$0x7B90] =	vst v0  }
0x16: {  	[tilespmem:s28+$0x7BA0] =	vst v0  }
.Ltmp0:
0x17: {  	[tilespmem:s28+$0x7BB0] =	vst v0;
	(pc) =	sbr.rel @p0 .LBB2_2-.Ltmp0, $4  }
0x18: {  	[tilespmem:s28+$0x7BC0] =	vst v0  }
0x19: {  	[tilespmem:s28+$0x7BD0] =	vst v0  }
0x1a: {  	[tilespmem:s28+$0x7BE0] =	vst v0  }
0x1b: {  	[tilespmem:s28+$0x7BF0] =	vst v0;
	s28 =	sshra.s32 s29, $0x2;
	s29 =	sadd.s32 $0x200, s29  }
0x1c: {  	[tilespmem:s28+$0x7C00] =	vst v0  }
0x1d: {  	[tilespmem:s28+$0x7B90] =	vst v0  }
0x1e: {  	[tilespmem:s28+$0x7BA0] =	vst v0  }
0x1f: {  	[tilespmem:s28+$0x7BB0] =	vst v0  }
0x20: {  	[tilespmem:s28+$0x7BC0] =	vst v0  }
0x21: {  	[tilespmem:s28+$0x7BD0] =	vst v0  }
0x22: {  	[tilespmem:s28+$0x7BE0] =	vst v0  }
0x23: {  	[tilespmem:s28+$0x7BF0] =	vst v0;
	s28 =	simm.s32 $0x0  }
0x24: {  	[tilespmem:s28], [sflag:$0x2] =	stream.linear.gather [hbm4b:s5+s28], $0x780, $0x38;
	[tilespmem:$0x10000] =	vst v63  }
0x25: {  	_ =	swait.ge [sflag:s19], $0x780  }
0x26: {  	[sflag:s19] =	ssyncset.done $0x0  }
0x27: {  	[sflag:s19] =	ssyncadd.s32 $0xFFFFF880  }
0x28: {  	[tilespmem:s20], [sflag:$0x2] =	stream.linear.gather [hbm4b:s6+s28], $0x780, $0x38;
	[tilespmem:$0x10000] =	vst v63  }
0x29: {  	_ =	swait.ge [sflag:s19], $0x780  }
0x2a: {  	[sflag:s19] =	ssyncset.done $0x0  }
0x2b: {  	[sflag:s19] =	ssyncadd.s32 $0xFFFFF880  }
0x2c: {  	[spmem:s7] =	stream.linear.scatter [tilespmem:s21], [sflag:$0x2], $0x2C00, $0x38;
	[tilespmem:$0x10000] =	vst v63  }
0x2d: {  	_ =	swait.ge [sflag:s19], $0x2C00  }
0x2e: {  	[sflag:s19] =	ssyncset.done $0x0  }
0x2f: {  	[sflag:s19] =	ssyncadd.s32 $0xFFFFD400  }
0x30: {  	s28 =	simm.s32 $0x0;
	[bflag:$0x0] =	sbarrier.arrive $0xFFFF  }
0x31: {  	[tilespmem:s23], [sflag:$0x1] =	stream.indirect.gather [hbm4b:s4+s22], $0x80, s28, s22, $0xb8;
	[tilespmem:$0x10000] =	vst v63  }
0x32: {  	_ =	swait.ge [sflag:s24], $0x4000  }
0x33: {  	[sflag:s24] =	ssyncset.done $0x0  }
0x34: {  	s28 =	simm.s32 $0x800;
	[sflag:s24] =	ssyncadd.s32 $0xFFFFC000  }
0x35: {  	[spmem:s2] =	stream.indirect.scatter.add.f32 [tilespmem:s23], [sflag:$0x2], $0x80, s28, s22, $0xb8;
	[tilespmem:$0x10000] =	vst v63  }
0x36: {  	_ =	swait.ge [sflag:s19], $0x4000  }
0x37: {  	s29 =	simm.s32 $0x400;
	s28 =	simm.s32 $0x200;
	[sflag:s19] =	ssyncset.done $0x0  }
.LBB2_4:
0x38: {  	s30 =	sshra.s32 s28, $0x2  }
0x39: {  	[sflag:s19] =	ssyncadd.s32 $0xFFFFC000;
	s28 =	smov.u32 s29;
	s31 =	sadd.s32 $0x200, s29  }
0x3a: {  	[tilespmem:s23], [sflag:$0x1] =	stream.indirect.gather [hbm4b:s4+s22], $0x80, s30, s22, $0xb8;
	[tilespmem:$0x10000] =	vst v63  }
0x3b: {  	p0 =	sne.s32 s29, $0x1C00;
	_ =	swait.ge [sflag:s24], $0x4000  }
.Ltmp1:
0x3c: {  	[sflag:s24] =	ssyncset.done $0x0;
	(pc) =	sbr.rel @p0 .LBB2_4-.Ltmp1, $4  }
0x3d: {  	s29 =	sadd.s32 $0x800, s30;
	[sflag:s24] =	ssyncadd.s32 $0xFFFFC000  }
0x3e: {  	[spmem:s2] =	stream.indirect.scatter.add.f32 [tilespmem:s23], [sflag:$0x2], $0x80, s29, s22, $0xb8;
	[tilespmem:$0x10000] =	vst v63  }
0x3f: {  	_ =	swait.ge [sflag:s19], $0x4000  }
0x40: {  	s29 =	smov.u32 s31;
	[sflag:s19] =	ssyncset.done $0x0  }
0x41: {  	s28 =	sshra.s32 s28, $0x2;
	[sflag:s19] =	ssyncadd.s32 $0xFFFFC000  }
0x42: {  	[tilespmem:s23], [sflag:$0x1] =	stream.indirect.gather [hbm4b:s4+s22], $0x80, s28, s22, $0xb8;
	[tilespmem:$0x10000] =	vst v63  }
0x43: {  	_ =	swait.ge [sflag:s24], $0x4000  }
0x44: {  	[sflag:s24] =	ssyncset.done $0x0  }
0x45: {  	s28 =	sadd.s32 $0x800, s28;
	[sflag:s24] =	ssyncadd.s32 $0xFFFFC000  }
0x46: {  	[spmem:s2] =	stream.indirect.scatter.add.f32 [tilespmem:s23], [sflag:$0x2], $0x80, s28, s22, $0xb8;
	[tilespmem:$0x10000] =	vst v63  }
0x47: {  	_ =	swait.ge [sflag:s19], $0x4000  }
0x48: {  	[sflag:s19] =	ssyncset.done $0x0  }
0x49: {  	[sflag:s19] =	ssyncadd.s32 $0xFFFFC000  }
0x4a: {  	[bflag:$0x0] =	sbarrier.arrive $0xFFFF  }
0x4b: {  	[tilespmem:s25], [sflag:$0x2] =	stream.linear.gather [spmem:s7], $0x2C00, $0x38;
	[tilespmem:$0x10000] =	vst v63  }
0x4c: {  	_ =	swait.ge [sflag:s19], $0x2C00  }
0x4d: {  	[sflag:s19] =	ssyncset.done $0x0  }
0x4e: {  	s28 =	simm.s32 $0x0;
	[sflag:s19] =	ssyncadd.s32 $0xFFFFD400  }
0x4f: {  	[hbm4b:s8+s28] =	stream.linear.scatter [tilespmem:s25], [sflag:$0x2], $0x2C00, $0x38;
	[tilespmem:$0x10000] =	vst v63  }
0x50: {  	_ =	swait.ge [sflag:s19], $0x2C00  }
0x51: {  	[sflag:s19] =	ssyncset.done $0x0  }
0x52: {  	[sflag:s19] =	ssyncadd.s32 $0xFFFFD400  }
0x53: {  	[bflag:$0x0] =	sbarrier.arrive $0xFFFF  }
0x54: {  	[tilespmem:s28], [sflag:$0x2] =	stream.linear.gather [hbm4b:s9+s28], $0x780, $0x38;
	[tilespmem:$0x10000] =	vst v63  }
0x55: {  	_ =	swait.ge [sflag:s19], $0x780  }
0x56: {  	[sflag:s19] =	ssyncset.done $0x0  }
0x57: {  	[sflag:s19] =	ssyncadd.s32 $0xFFFFF880  }
0x58: {  	[tilespmem:s20], [sflag:$0x2] =	stream.linear.gather [hbm4b:s10+s28], $0x780, $0x38;
	[tilespmem:$0x10000] =	vst v63  }
0x59: {  	_ =	swait.ge [sflag:s19], $0x780  }
0x5a: {  	[sflag:s19] =	ssyncset.done $0x0  }
0x5b: {  	[sflag:s19] =	ssyncadd.s32 $0xFFFFF880  }
0x5c: {  	[spmem:s7] =	stream.linear.scatter [tilespmem:s21], [sflag:$0x2], $0x2C00, $0x38;
	[tilespmem:$0x10000] =	vst v63  }
0x5d: {  	_ =	swait.ge [sflag:s19], $0x2C00  }
0x5e: {  	[sflag:s19] =	ssyncset.done $0x0  }
0x5f: {  	[sflag:s19] =	ssyncadd.s32 $0xFFFFD400  }
0x60: {  	s28 =	simm.s32 $0x0;
	[bflag:$0x0] =	sbarrier.arrive $0xFFFF  }
0x61: {  	[tilespmem:s23], [sflag:$0x1] =	stream.indirect.gather [hbm4b:s4+s22], $0x80, s28, s22, $0xb8;
	[tilespmem:$0x10000] =	vst v63  }
0x62: {  	_ =	swait.ge [sflag:s24], $0x4000  }
0x63: {  	[sflag:s24] =	ssyncset.done $0x0  }
0x64: {  	s28 =	simm.s32 $0x800;
	[sflag:s24] =	ssyncadd.s32 $0xFFFFC000  }
0x65: {  	[spmem:s2] =	stream.indirect.scatter.add.f32 [tilespmem:s23], [sflag:$0x2], $0x80, s28, s22, $0xb8;
	[tilespmem:$0x10000] =	vst v63  }
0x66: {  	_ =	swait.ge [sflag:s19], $0x4000  }
0x67: {  	s29 =	simm.s32 $0x400;
	s28 =	simm.s32 $0x200;
	[sflag:s19] =	ssyncset.done $0x0  }
.LBB2_6:
0x68: {  	s30 =	sshra.s32 s28, $0x2  }
0x69: {  	[sflag:s19] =	ssyncadd.s32 $0xFFFFC000;
	s28 =	smov.u32 s29;
	s31 =	sadd.s32 $0x200, s29  }
0x6a: {  	[tilespmem:s23], [sflag:$0x1] =	stream.indirect.gather [hbm4b:s4+s22], $0x80, s30, s22, $0xb8;
	[tilespmem:$0x10000] =	vst v63  }
0x6b: {  	p0 =	sne.s32 s29, $0x1C00;
	_ =	swait.ge [sflag:s24], $0x4000  }
.Ltmp2:
0x6c: {  	[sflag:s24] =	ssyncset.done $0x0;
	(pc) =	sbr.rel @p0 .LBB2_6-.Ltmp2, $4  }
0x6d: {  	s29 =	sadd.s32 $0x800, s30;
	[sflag:s24] =	ssyncadd.s32 $0xFFFFC000  }
0x6e: {  	[spmem:s2] =	stream.indirect.scatter.add.f32 [tilespmem:s23], [sflag:$0x2], $0x80, s29, s22, $0xb8;
	[tilespmem:$0x10000] =	vst v63  }
0x6f: {  	_ =	swait.ge [sflag:s19], $0x4000  }
0x70: {  	s29 =	smov.u32 s31;
	[sflag:s19] =	ssyncset.done $0x0  }
0x71: {  	s28 =	sshra.s32 s28, $0x2;
	[sflag:s19] =	ssyncadd.s32 $0xFFFFC000  }
0x72: {  	[tilespmem:s23], [sflag:$0x1] =	stream.indirect.gather [hbm4b:s4+s22], $0x80, s28, s22, $0xb8;
	[tilespmem:$0x10000] =	vst v63  }
0x73: {  	_ =	swait.ge [sflag:s24], $0x4000  }
0x74: {  	[sflag:s24] =	ssyncset.done $0x0  }
0x75: {  	s28 =	sadd.s32 $0x800, s28;
	[sflag:s24] =	ssyncadd.s32 $0xFFFFC000  }
0x76: {  	[spmem:s2] =	stream.indirect.scatter.add.f32 [tilespmem:s23], [sflag:$0x2], $0x80, s28, s22, $0xb8;
	[tilespmem:$0x10000] =	vst v63  }
0x77: {  	_ =	swait.ge [sflag:s19], $0x4000  }
0x78: {  	[sflag:s19] =	ssyncset.done $0x0  }
0x79: {  	[sflag:s19] =	ssyncadd.s32 $0xFFFFC000  }
0x7a: {  	[bflag:$0x0] =	sbarrier.arrive $0xFFFF  }
0x7b: {  	[tilespmem:s25], [sflag:$0x2] =	stream.linear.gather [spmem:s7], $0x2C00, $0x38;
	[tilespmem:$0x10000] =	vst v63  }
0x7c: {  	_ =	swait.ge [sflag:s19], $0x2C00  }
0x7d: {  	[sflag:s19] =	ssyncset.done $0x0  }
0x7e: {  	s28 =	simm.s32 $0x0;
	[sflag:s19] =	ssyncadd.s32 $0xFFFFD400  }
0x7f: {  	[hbm4b:s11+s28] =	stream.linear.scatter [tilespmem:s25], [sflag:$0x2], $0x2C00, $0x38;
	[tilespmem:$0x10000] =	vst v63  }
0x80: {  	_ =	swait.ge [sflag:s19], $0x2C00  }
0x81: {  	[sflag:s19] =	ssyncset.done $0x0  }
0x82: {  	[sflag:s19] =	ssyncadd.s32 $0xFFFFD400  }
0x83: {  	[bflag:$0x0] =	sbarrier.arrive $0xFFFF  }
0x84: {  	[tilespmem:s28], [sflag:$0x2] =	stream.linear.gather [hbm4b:s12+s28], $0x780, $0x38;
	[tilespmem:$0x10000] =	vst v63  }
0x85: {  	_ =	swait.ge [sflag:s19], $0x780  }
0x86: {  	[sflag:s19] =	ssyncset.done $0x0  }
0x87: {  	[sflag:s19] =	ssyncadd.s32 $0xFFFFF880  }
0x88: {  	[tilespmem:s20], [sflag:$0x2] =	stream.linear.gather [hbm4b:s13+s28], $0x780, $0x38;
	[tilespmem:$0x10000] =	vst v63  }
0x89: {  	_ =	swait.ge [sflag:s19], $0x780  }
0x8a: {  	[sflag:s19] =	ssyncset.done $0x0  }
0x8b: {  	[sflag:s19] =	ssyncadd.s32 $0xFFFFF880  }
0x8c: {  	[spmem:s7] =	stream.linear.scatter [tilespmem:s21], [sflag:$0x2], $0x2C00, $0x38;
	[tilespmem:$0x10000] =	vst v63  }
0x8d: {  	_ =	swait.ge [sflag:s19], $0x2C00  }
0x8e: {  	[sflag:s19] =	ssyncset.done $0x0  }
0x8f: {  	[sflag:s19] =	ssyncadd.s32 $0xFFFFD400  }
0x90: {  	s28 =	simm.s32 $0x0;
	[bflag:$0x0] =	sbarrier.arrive $0xFFFF  }
0x91: {  	[tilespmem:s23], [sflag:$0x1] =	stream.indirect.gather [hbm4b:s4+s22], $0x80, s28, s22, $0xb8;
	[tilespmem:$0x10000] =	vst v63  }
0x92: {  	_ =	swait.ge [sflag:s24], $0x4000  }
0x93: {  	[sflag:s24] =	ssyncset.done $0x0  }
0x94: {  	s28 =	simm.s32 $0x800;
	[sflag:s24] =	ssyncadd.s32 $0xFFFFC000  }
0x95: {  	[spmem:s2] =	stream.indirect.scatter.add.f32 [tilespmem:s23], [sflag:$0x2], $0x80, s28, s22, $0xb8;
	[tilespmem:$0x10000] =	vst v63  }
0x96: {  	_ =	swait.ge [sflag:s19], $0x4000  }
0x97: {  	s29 =	simm.s32 $0x400;
	s28 =	simm.s32 $0x200;
	[sflag:s19] =	ssyncset.done $0x0  }
.LBB2_8:
0x98: {  	s30 =	sshra.s32 s28, $0x2  }
0x99: {  	[sflag:s19] =	ssyncadd.s32 $0xFFFFC000;
	s28 =	smov.u32 s29;
	s31 =	sadd.s32 $0x200, s29  }
0x9a: {  	[tilespmem:s23], [sflag:$0x1] =	stream.indirect.gather [hbm4b:s4+s22], $0x80, s30, s22, $0xb8;
	[tilespmem:$0x10000] =	vst v63  }
0x9b: {  	p0 =	sne.s32 s29, $0x1C00;
	_ =	swait.ge [sflag:s24], $0x4000  }
.Ltmp3:
0x9c: {  	[sflag:s24] =	ssyncset.done $0x0;
	(pc) =	sbr.rel @p0 .LBB2_8-.Ltmp3, $4  }
0x9d: {  	s29 =	sadd.s32 $0x800, s30;
	[sflag:s24] =	ssyncadd.s32 $0xFFFFC000  }
0x9e: {  	[spmem:s2] =	stream.indirect.scatter.add.f32 [tilespmem:s23], [sflag:$0x2], $0x80, s29, s22, $0xb8;
	[tilespmem:$0x10000] =	vst v63  }
0x9f: {  	_ =	swait.ge [sflag:s19], $0x4000  }
0xa0: {  	s29 =	smov.u32 s31;
	[sflag:s19] =	ssyncset.done $0x0  }
0xa1: {  	s28 =	sshra.s32 s28, $0x2;
	[sflag:s19] =	ssyncadd.s32 $0xFFFFC000  }
0xa2: {  	[tilespmem:s23], [sflag:$0x1] =	stream.indirect.gather [hbm4b:s4+s22], $0x80, s28, s22, $0xb8;
	[tilespmem:$0x10000] =	vst v63  }
0xa3: {  	_ =	swait.ge [sflag:s24], $0x4000  }
0xa4: {  	[sflag:s24] =	ssyncset.done $0x0  }
0xa5: {  	s28 =	sadd.s32 $0x800, s28;
	[sflag:s24] =	ssyncadd.s32 $0xFFFFC000  }
0xa6: {  	[spmem:s2] =	stream.indirect.scatter.add.f32 [tilespmem:s23], [sflag:$0x2], $0x80, s28, s22, $0xb8;
	[tilespmem:$0x10000] =	vst v63  }
0xa7: {  	_ =	swait.ge [sflag:s19], $0x4000  }
0xa8: {  	[sflag:s19] =	ssyncset.done $0x0  }
0xa9: {  	[sflag:s19] =	ssyncadd.s32 $0xFFFFC000  }
0xaa: {  	[bflag:$0x0] =	sbarrier.arrive $0xFFFF  }
0xab: {  	[tilespmem:s25], [sflag:$0x2] =	stream.linear.gather [spmem:s7], $0x2C00, $0x38;
	[tilespmem:$0x10000] =	vst v63  }
0xac: {  	_ =	swait.ge [sflag:s19], $0x2C00  }
0xad: {  	[sflag:s19] =	ssyncset.done $0x0  }
0xae: {  	s28 =	simm.s32 $0x0;
	[sflag:s19] =	ssyncadd.s32 $0xFFFFD400  }
0xaf: {  	[hbm4b:s14+s28] =	stream.linear.scatter [tilespmem:s25], [sflag:$0x2], $0x2C00, $0x38;
	[tilespmem:$0x10000] =	vst v63  }
0xb0: {  	_ =	swait.ge [sflag:s19], $0x2C00  }
0xb1: {  	[sflag:s19] =	ssyncset.done $0x0  }
0xb2: {  	[sflag:s19] =	ssyncadd.s32 $0xFFFFD400  }
0xb3: {  	[bflag:$0x0] =	sbarrier.arrive $0xFFFF  }
0xb4: {  	[tilespmem:s28], [sflag:$0x2] =	stream.linear.gather [hbm4b:s15+s28], $0x780, $0x38;
	[tilespmem:$0x10000] =	vst v63  }
0xb5: {  	_ =	swait.ge [sflag:s19], $0x780  }
0xb6: {  	[sflag:s19] =	ssyncset.done $0x0  }
0xb7: {  	[sflag:s19] =	ssyncadd.s32 $0xFFFFF880  }
0xb8: {  	[tilespmem:s20], [sflag:$0x2] =	stream.linear.gather [hbm4b:s16+s28], $0x780, $0x38;
	[tilespmem:$0x10000] =	vst v63  }
0xb9: {  	_ =	swait.ge [sflag:s19], $0x780  }
0xba: {  	[sflag:s19] =	ssyncset.done $0x0  }
0xbb: {  	[sflag:s19] =	ssyncadd.s32 $0xFFFFF880  }
0xbc: {  	[spmem:s7] =	stream.linear.scatter [tilespmem:s21], [sflag:$0x2], $0x2C00, $0x38;
	[tilespmem:$0x10000] =	vst v63  }
0xbd: {  	_ =	swait.ge [sflag:s19], $0x2C00  }
0xbe: {  	[sflag:s19] =	ssyncset.done $0x0  }
0xbf: {  	[sflag:s19] =	ssyncadd.s32 $0xFFFFD400  }
0xc0: {  	s28 =	simm.s32 $0x0;
	[bflag:$0x0] =	sbarrier.arrive $0xFFFF  }
0xc1: {  	[tilespmem:s23], [sflag:$0x1] =	stream.indirect.gather [hbm4b:s4+s22], $0x80, s28, s22, $0xb8;
	[tilespmem:$0x10000] =	vst v63  }
0xc2: {  	_ =	swait.ge [sflag:s24], $0x4000  }
0xc3: {  	[sflag:s24] =	ssyncset.done $0x0  }
0xc4: {  	s28 =	simm.s32 $0x800;
	[sflag:s24] =	ssyncadd.s32 $0xFFFFC000  }
0xc5: {  	[spmem:s2] =	stream.indirect.scatter.add.f32 [tilespmem:s23], [sflag:$0x2], $0x80, s28, s22, $0xb8;
	[tilespmem:$0x10000] =	vst v63  }
0xc6: {  	_ =	swait.ge [sflag:s19], $0x4000  }
0xc7: {  	s29 =	simm.s32 $0x400;
	s28 =	simm.s32 $0x200;
	[sflag:s19] =	ssyncset.done $0x0  }
.LBB2_10:
0xc8: {  	s30 =	sshra.s32 s28, $0x2  }
0xc9: {  	[sflag:s19] =	ssyncadd.s32 $0xFFFFC000;
	s28 =	smov.u32 s29;
	s31 =	sadd.s32 $0x200, s29  }
0xca: {  	[tilespmem:s23], [sflag:$0x1] =	stream.indirect.gather [hbm4b:s4+s22], $0x80, s30, s22, $0xb8;
	[tilespmem:$0x10000] =	vst v63  }
0xcb: {  	p0 =	sne.s32 s29, $0x1C00;
	_ =	swait.ge [sflag:s24], $0x4000  }
.Ltmp4:
0xcc: {  	[sflag:s24] =	ssyncset.done $0x0;
	(pc) =	sbr.rel @p0 .LBB2_10-.Ltmp4, $4  }
0xcd: {  	s29 =	sadd.s32 $0x800, s30;
	[sflag:s24] =	ssyncadd.s32 $0xFFFFC000  }
0xce: {  	[spmem:s2] =	stream.indirect.scatter.add.f32 [tilespmem:s23], [sflag:$0x2], $0x80, s29, s22, $0xb8;
	[tilespmem:$0x10000] =	vst v63  }
0xcf: {  	_ =	swait.ge [sflag:s19], $0x4000  }
0xd0: {  	s29 =	smov.u32 s31;
	[sflag:s19] =	ssyncset.done $0x0  }
0xd1: {  	s28 =	sshra.s32 s28, $0x2;
	[sflag:s19] =	ssyncadd.s32 $0xFFFFC000  }
0xd2: {  	[tilespmem:s23], [sflag:$0x1] =	stream.indirect.gather [hbm4b:s4+s22], $0x80, s28, s22, $0xb8;
	[tilespmem:$0x10000] =	vst v63  }
0xd3: {  	_ =	swait.ge [sflag:s24], $0x4000  }
0xd4: {  	[sflag:s24] =	ssyncset.done $0x0  }
0xd5: {  	s28 =	sadd.s32 $0x800, s28;
	[sflag:s24] =	ssyncadd.s32 $0xFFFFC000  }
0xd6: {  	[spmem:s2] =	stream.indirect.scatter.add.f32 [tilespmem:s23], [sflag:$0x2], $0x80, s28, s22, $0xb8;
	[tilespmem:$0x10000] =	vst v63  }
0xd7: {  	_ =	swait.ge [sflag:s19], $0x4000  }
0xd8: {  	[sflag:s19] =	ssyncset.done $0x0  }
0xd9: {  	[sflag:s19] =	ssyncadd.s32 $0xFFFFC000  }
0xda: {  	[bflag:$0x0] =	sbarrier.arrive $0xFFFF  }
0xdb: {  	[tilespmem:s25], [sflag:$0x2] =	stream.linear.gather [spmem:s7], $0x2C00, $0x38;
	[tilespmem:$0x10000] =	vst v63  }
0xdc: {  	_ =	swait.ge [sflag:s19], $0x2C00  }
0xdd: {  	s26 =	sadd.s32 $0x1, s26;
	[sflag:s19] =	ssyncset.done $0x0  }
0xde: {  	p0 =	sne.s32 s26, s18;
	[sflag:s19] =	ssyncadd.s32 $0xFFFFD400  }
0xdf: {  	[hbm4b:s17+s3] =	stream.linear.scatter [tilespmem:s25], [sflag:$0x2], $0x2C00, $0x38;
	[tilespmem:$0x10000] =	vst v63  }
.Ltmp5:
0xe0: {  	_ =	swait.ge [sflag:s19], $0x2C00;
	(pc) =	sbr.rel @p0 .LBB2_1-.Ltmp5, $3  }
0xe1: {  	[sflag:s19] =	ssyncset.done $0x0  }
0xe2: {  	[sflag:s19] =	ssyncadd.s32 $0xFFFFD400  }
0xe3: {  	[bflag:$0x0] =	sbarrier.arrive $0xFFFF;
	_ =	sdelay $0x1  }
0xe4: {  	_ =	sfence.sel $0x180000  }
0xe5: {  	[bflag:$0x0] =	sbarrier.arrive $0xFFFF  }
0xe6: {  	p0 =	sne.s32 s1, $0x0;
	_ =	strace $0x90000050  }
0xe7: {  	s0 =	sadd.s32 @!p0 $0x100000, s0;
	[bflag:$0x2] =	sbarrier.arrive $0xFFFF  }
0xe8: {  	[sflag:s0] =	ssyncadd.tile.s32 @!p0 $0x1;
	_ =	shalt  }
.Lfunc_end2:
_tile_overlayer_lowered:
.L_overlay_start_2:
0xe9: {  	(tag) =	ssettag $0x2  }
0xea: {  	s0 =	rddreg [dreg:$0x0];
	s2 =	stileid.u32  }
0xeb: {  	s1 =	rddreg [dreg:$0x1];
	p0 =	sne.s32 s2, $0x0  }
0xec: {  	s3 =	rddreg [dreg:$0x2];
	[bflag:$0x3] =	sbarrier.arrive $0xFFFF;
	s2 =	simm.s32 @!p0 $0x1C02  }
0xed: {  	[timem:s3], [sflag:s2] =	dma.local @!p0 [hbm:s0], s1  }
0xee: {  	s0 =	simm.s32 @!p0 $0x2  }
0xef: {  	_ =	swait.ge @!p0 [sflag:s0], s1  }
0xf0: {  	s1 =	ssub.s32 @!p0 $0x0, s1;
	[sflag:s0] =	ssyncset.done @!p0 $0x0  }
0xf1: {  	[sflag:s0] =	ssyncadd.s32 @!p0 s1  }
0xf2: {  	[bflag:$0x3] =	sbarrier.arrive $0xFFFF  }
0xf3: {  	_ =	shalt  }

</sc_bundles>
